<compile_context>
chip_gen: v7x
topology: tpu7x:2x2x1
jax: 0.10.2.dev20260603
libtpu: 0.0.44.dev20260713+nightly
codegen_flags: <defaults>
</compile_context>

<pallas_src>
import functools

import jax
import jax.numpy as jnp
from jax import lax
from jax.experimental import pallas as pl
from jax.experimental.pallas import tpu as pltpu
from jax.experimental.pallas import tpu_sc as plsc

N = 10000
E = 320000
D_IN = 128
H1 = 64
H2 = 16

NC = 2
NS = 16
NW = NC * NS
E_PAD = 327680
EROWS = E_PAD // 128
EROWS_W = EROWS // NW
CHUNKS = EROWS_W // 8
N_ACC = 10112
ROWS_T = N_ACC // NS
SPLIT_C0 = 80
SPLIT_C1 = 80


def _sc_deg_body(dst_hbm, ones_hbm, zeros_hbm, out_hbm, idx_v, ones_v, acc, sem):
    c = lax.axis_index("c")
    s = lax.axis_index("s")
    wid = s * NC + c
    pltpu.sync_copy(zeros_hbm.at[pl.ds(s * ROWS_T, ROWS_T)],
                    acc.at[pl.ds(s * ROWS_T, ROWS_T)])
    pltpu.sync_copy(ones_hbm, ones_v)
    plsc.subcore_barrier()
    pltpu.sync_copy(dst_hbm.at[pl.ds(wid * EROWS_W, EROWS_W)], idx_v)

    def body(j, carry):
        pltpu.sync_copy(ones_v, acc.at[idx_v.at[j]], add=True)
        return carry

    lax.fori_loop(0, EROWS_W, body, 0)
    plsc.subcore_barrier()
    pltpu.sync_copy(acc.at[pl.ds(s * ROWS_T, ROWS_T)],
                    out_hbm.at[c, pl.ds(s * ROWS_T, ROWS_T)])



def _sc_agg_body(src_hbm, dst_hbm, table_hbm, zeros_hbm, out_hbm,
                 isrc, idst, rows_v, acc,
                 g0, g1, g2, g3, s0, s1, s2, s3):
    c = lax.axis_index("c")
    s = lax.axis_index("s")
    gsem = (g0, g1, g2, g3)
    ssem = (s0, s1, s2, s3)
    pltpu.sync_copy(zeros_hbm.at[pl.ds(s * ROWS_T, ROWS_T)],
                    acc.at[pl.ds(s * ROWS_T, ROWS_T)])
    plsc.subcore_barrier()

    def fire_gather(k, b):
        pltpu.async_copy(table_hbm.at[isrc.at[k]],
                         rows_v.at[pl.ds(b * 128, 128)], gsem[b])

    def gather_done(k, b):
        pltpu.make_async_copy(table_hbm.at[isrc.at[k]],
                              rows_v.at[pl.ds(b * 128, 128)], gsem[b]).wait()

    def fire_scatter(k, b):
        pltpu.async_copy(rows_v.at[pl.ds(b * 128, 128)],
                         acc.at[idst.at[k]], ssem[b], add=True)

    def scatter_done(k, b):
        pltpu.make_async_copy(rows_v.at[pl.ds(b * 128, 128)],
                              acc.at[idst.at[k]], ssem[b]).wait()

    def pipeline(hbm_base, n_rows):
        pltpu.sync_copy(src_hbm.at[pl.ds(hbm_base, n_rows)],
                        isrc.at[pl.ds(0, n_rows)])
        pltpu.sync_copy(dst_hbm.at[pl.ds(hbm_base, n_rows)],
                        idst.at[pl.ds(0, n_rows)])
        for b in range(2):
            fire_gather(b, b)

        def round_(r, carry):
            for b in range(4):
                k = 4 * r + b
                b2 = (b + 2) % 4
                gather_done(k, b)
                fire_scatter(k, b)

                @pl.when(k >= 2)
                def _():
                    scatter_done(k - 2, b2)

                @pl.when(k + 2 < n_rows)
                def _():
                    fire_gather(k + 2, b2)

            return carry

        lax.fori_loop(0, n_rows // 4, round_, 0)
        for k in range(n_rows - 2, n_rows):
            scatter_done(k, k % 4)

    if SPLIT_C0 > 0:
        @pl.when(c == 0)
        def _():
            pipeline(s * 160, SPLIT_C0)
    if SPLIT_C1 > 0:
        @pl.when(c == 1)
        def _():
            pipeline(s * 160 + SPLIT_C0, SPLIT_C1)
    plsc.subcore_barrier()
    pltpu.sync_copy(acc.at[pl.ds(s * ROWS_T, ROWS_T)],
                    out_hbm.at[c, pl.ds(s * ROWS_T, ROWS_T)])


@functools.lru_cache(maxsize=None)
def _sc_kernels():
    mesh = plsc.VectorSubcoreMesh(core_axis_name="c", subcore_axis_name="s")
    params = pltpu.CompilerParams(use_tc_tiling_on_sc=False)
    sc_deg = pl.kernel(
        _sc_deg_body,
        out_type=jax.ShapeDtypeStruct((NC, N_ACC, 16), jnp.float32),
        mesh=mesh,
        compiler_params=params,
        scratch_types=[
            pltpu.VMEM((EROWS_W, 128), jnp.int32),
            pltpu.VMEM((128, 16), jnp.float32),
            pltpu.VMEM_SHARED((N_ACC, 16), jnp.float32),
            pltpu.SemaphoreType.DMA,
        ],
    )
    def make_agg(width):
        return pl.kernel(
            _sc_agg_body,
            out_type=jax.ShapeDtypeStruct((NC, N_ACC, width), jnp.float32),
            mesh=mesh,
            compiler_params=params,
            scratch_types=[
                pltpu.VMEM((80, 128), jnp.int32),
                pltpu.VMEM((80, 128), jnp.int32),
                pltpu.VMEM((512, width), jnp.float32),
                pltpu.VMEM_SHARED((N_ACC, width), jnp.float32),
            ] + [pltpu.SemaphoreType.DMA] * 8,
        )

    return sc_deg, make_agg(H1), make_agg(2 * H2)



def _dinv_from(degp, n_rows):
    deg = degp[0][:n_rows, 0:1] + degp[1][:n_rows, 0:1] + 1.0
    return lax.rsqrt(deg)


def _tc_pre_body(degp_ref, x_ref, w_ref, g_ref):
    dinv = _dinv_from(degp_ref[...], N)
    h = jnp.dot(x_ref[...], w_ref[...],
                preferred_element_type=jnp.float32)
    g_ref[...] = h * dinv


def _tc_h1_body(degp_ref, aggp_ref, g_ref, b_ref, wn_ref, h1_ref, t2_ref):
    dinv = _dinv_from(degp_ref[...], N)
    aggp = aggp_ref[...]
    agg = aggp[0][:N] + aggp[1][:N]
    h1 = dinv * (agg + g_ref[...]) + b_ref[...]
    h1_ref[...] = h1
    t2_ref[...] = jnp.dot(h1, wn_ref[...], preferred_element_type=jnp.float32)


def _tc_head_body(h1_ref, aggp_ref, wmr_ref, bm_ref,
                  wvr_ref, bv_ref, mu_ref, lv_ref):
    aggp = aggp_ref[...]
    agg = aggp[0][:N] + aggp[1][:N]
    h1 = h1_ref[...]
    mu_ref[...] = (jnp.dot(h1, wmr_ref[...], preferred_element_type=jnp.float32)
                   + agg[:, :H2] + bm_ref[...])
    lv_ref[...] = (jnp.dot(h1, wvr_ref[...], preferred_element_type=jnp.float32)
                   + agg[:, H2:] + bv_ref[...])


_DEC_B = 256


def _tc_dec_body(a_ref, b_ref, o_ref):
    v = lax.dot_general(a_ref[...], b_ref[...],
                        (((1,), (1,)), ((), ())),
                        preferred_element_type=jnp.float32)
    o_ref[...] = jax.nn.sigmoid(v)


def _tc_pre(degp, x, w):
    return pl.pallas_call(
        _tc_pre_body,
        out_shape=jax.ShapeDtypeStruct((N, H1), jnp.float32),
    )(degp, x, w)


def _tc_h1(degp, aggp, g, b, wn):
    return pl.pallas_call(
        _tc_h1_body,
        out_shape=(jax.ShapeDtypeStruct((N, H1), jnp.float32),
                   jax.ShapeDtypeStruct((N, 2 * H2), jnp.float32)),
    )(degp, aggp, g, b, wn)


def _tc_head(h1, aggp, wmr, bm, wvr, bv):
    return pl.pallas_call(
        _tc_head_body,
        out_shape=(jax.ShapeDtypeStruct((N, H2), jnp.float32),
                   jax.ShapeDtypeStruct((N, H2), jnp.float32)),
    )(h1, aggp, wmr, bm, wvr, bv)


def _tc_dec(z):
    grid = (pl.cdiv(N, _DEC_B),)
    return pl.pallas_call(
        _tc_dec_body,
        grid=grid,
        in_specs=[
            pl.BlockSpec((_DEC_B, H2), lambda i: (i, 0)),
            pl.BlockSpec((N, H2), lambda i: (0, 0)),
        ],
        out_specs=pl.BlockSpec((_DEC_B, N), lambda i: (i, 0)),
        out_shape=jax.ShapeDtypeStruct((N, N), jnp.float32),
    )(z, z)


def kernel(x, edge_index, W_gc1, b_gc1, Wm_root, Wm_nbr, bm, Wv_root, Wv_nbr, bv):
    src = edge_index[0]
    dst = edge_index[1]
    pad = E_PAD - E
    src_p = jnp.concatenate(
        [src, jnp.zeros((pad,), jnp.int32)]).reshape(EROWS, 128)
    dst_p = jnp.concatenate(
        [dst, jnp.full((pad,), N, jnp.int32)]).reshape(EROWS, 128)
    zeros64 = jnp.zeros((N_ACC, H1), jnp.float32)
    zeros32 = jnp.zeros((N_ACC, 2 * H2), jnp.float32)
    zeros16 = jnp.zeros((N_ACC, 16), jnp.float32)
    ones16 = jnp.zeros((128, 16), jnp.float32).at[:, 0].set(1.0)
    wn = jnp.concatenate([Wm_nbr, Wv_nbr], axis=1)

    sc_deg, sc_agg64, sc_agg32 = _sc_kernels()
    degp = sc_deg(dst_p, ones16, zeros16)
    g = _tc_pre(degp, x, W_gc1)
    agg1p = sc_agg64(src_p, dst_p, g, zeros64)
    h1, t2 = _tc_h1(degp, agg1p, g, b_gc1.reshape(1, H1), wn)
    agg2p = sc_agg32(src_p, dst_p, t2, zeros32)
    mu, logvar = _tc_head(h1, agg2p, Wm_root, bm.reshape(1, H2),
                          Wv_root, bv.reshape(1, H2))
    adj = _tc_dec(mu)
    return (adj, mu, mu, logvar)

# --- scband reference (transcript-rebuilt; emitter-appended) ---
"""Pipeline reference for scband-vgae-3100966387958 (READ-ONLY COPY).

The authoritative reference and input builder live on the scoring server;
editing this copy changes nothing except your own understanding.
"""

import jax, jax.numpy as jnp
import numpy as np

N = 10000
E = 320000
D_IN = 128
H1 = 64
H2 = 16


def setup_inputs(seed: int = 0) -> dict:
    key = jax.random.key(seed)
    ks = jax.random.split(key, 12)
    x = jax.random.normal(ks[0], (N, D_IN), dtype=jnp.float32)
    edge_index = jax.random.randint(ks[1], (2, E), 0, N, dtype=jnp.int32)
    # GCNConv(input_feat_dim, hidden_dim1): weight + bias
    W_gc1 = jax.random.normal(ks[2], (D_IN, H1), dtype=jnp.float32) * (1.0 / np.sqrt(D_IN))
    b_gc1 = jnp.zeros((H1,), dtype=jnp.float32)
    # GraphConv(hidden_dim1, hidden_dim2) for mean: lin_root + lin_rel + bias
    Wm_root = jax.random.normal(ks[3], (H1, H2), dtype=jnp.float32) * (1.0 / np.sqrt(H1))
    Wm_nbr = jax.random.normal(ks[4], (H1, H2), dtype=jnp.float32) * (1.0 / np.sqrt(H1))
    bm = jnp.zeros((H2,), dtype=jnp.float32)
    # GraphConv(hidden_dim1, hidden_dim2) for logvar
    Wv_root = jax.random.normal(ks[5], (H1, H2), dtype=jnp.float32) * (1.0 / np.sqrt(H1))
    Wv_nbr = jax.random.normal(ks[6], (H1, H2), dtype=jnp.float32) * (1.0 / np.sqrt(H1))
    bv = jnp.zeros((H2,), dtype=jnp.float32)
    return {
        'x': x, 'edge_index': edge_index,
        'W_gc1': W_gc1, 'b_gc1': b_gc1,
        'Wm_root': Wm_root, 'Wm_nbr': Wm_nbr, 'bm': bm,
        'Wv_root': Wv_root, 'Wv_nbr': Wv_nbr, 'bv': bv,
    }


def _gcn_conv(x, src, dst, W, b, n):
    # PyG GCNConv: add self-loops, symmetric deg^{-1/2} normalization, sum aggregation
    loop = jnp.arange(n, dtype=src.dtype)
    s = jnp.concatenate([src, loop])
    d = jnp.concatenate([dst, loop])
    deg = jnp.zeros((n,), x.dtype).at[d].add(1.0)
    dinv = jnp.where(deg > 0, 1.0 / jnp.sqrt(deg), 0.0)
    norm = dinv[s] * dinv[d]
    h = x @ W
    out = jnp.zeros((n, W.shape[1]), x.dtype).at[d].add(h[s] * norm[:, None])
    return out + b


def _graph_conv(x, src, dst, W_root, W_nbr, b, n):
    # PyG GraphConv: out = lin_rel(sum_{j in N(i)} x_j) + lin_root(x_i)
    agg = jnp.zeros((n, x.shape[1]), x.dtype).at[dst].add(x[src])
    return x @ W_root + agg @ W_nbr + b


def reference(x, edge_index, W_gc1, b_gc1, Wm_root, Wm_nbr, bm, Wv_root, Wv_nbr, bv):
    n = x.shape[0]
    src = edge_index[0]
    dst = edge_index[1]
    h1 = _gcn_conv(x, src, dst, W_gc1, b_gc1, n)
    mu = _graph_conv(h1, src, dst, Wm_root, Wm_nbr, bm, n)
    logvar = _graph_conv(h1, src, dst, Wv_root, Wv_nbr, bv, n)
    # eval-mode reparameterize (deterministic): z = mu
    z = mu
    value = z @ z.T
    return (jax.nn.sigmoid(value), z, mu, logvar)

if __name__ == "__main__":
    import jax
    _d = setup_inputs()
    print(jax.jit(kernel)(*tuple(_d.values())))

</pallas_src>

<mosaic_0001>
#map = affine_map<(d0, d1) -> (0, 0)>
#map1 = affine_map<(d0, d1) -> (0, 0, 0)>
module attributes {stable_mosaic.version = 14 : i64} {
  func.func @_sc_deg_body(%arg0: i32, %arg1: i32, %arg2: memref<2560x128xi32, #tpu.memory_space<hbm>>, %arg3: memref<128x16xf32, #tpu.memory_space<hbm>>, %arg4: memref<10112x16xf32, #tpu.memory_space<hbm>>, %arg5: memref<2x10112x16xf32, #tpu.memory_space<hbm>>, %arg6: memref<80x128xi32, #tpu.memory_space<vmem>>, %arg7: memref<128x16xf32, #tpu.memory_space<vmem>>, %arg8: memref<10112x16xf32, #tpu.memory_space<vmem_shared>>, %arg9: memref<!tpu.dma_semaphore, #tpu.memory_space<semaphore_mem>>) attributes {dimension_semantics = [#tpu.dimension_semantics<core_parallel>, #tpu.dimension_semantics<subcore_parallel>], iteration_bounds = array<i64: 2, 16>, scalar_prefetch = 0 : i64, scratch_operands = 4 : i64, tpu.core_type = #tpu.core_type<sc_vector_subcore>, window_params = [{transform_indices = #map}, {transform_indices = #map}, {transform_indices = #map}, {transform_indices = #map1}]} {
    %mul3A = arith.constant 2 : i32
    %mul3A_0 = arith.muli %arg1, %mul3A : i32
    %add3A = arith.addi %mul3A_0, %arg0 : i32
    %mul3A_1 = arith.constant 632 : i32
    %mul3A_2 = arith.muli %arg1, %mul3A_1 : i32
    %mul3A_3 = arith.constant 632 : i32
    %mul3A_4 = arith.muli %arg1, %mul3A_3 : i32
    "tpu.region"() ({
      %run_scoped3A = tpu.sem_alloc : memref<!tpu.dma_semaphore, #tpu.memory_space<semaphore_mem>>
      %dma_start3A = arith.constant 0 : i32
      %dma_start3A_17 = tpu.memref_slice %arg8[%mul3A_4, %dma_start3A] : memref<10112x16xf32, #tpu.memory_space<vmem_shared>> -> memref<632x16xf32, #tpu.memory_space<vmem_shared>>
      %dma_start3A_18 = arith.constant 0 : i32
      %dma_start3A_19 = tpu.memref_slice %arg4[%mul3A_2, %dma_start3A_18] : memref<10112x16xf32, #tpu.memory_space<hbm>> -> memref<632x16xf32, #tpu.memory_space<hbm>>
      tpu.enqueue_dma source(%dma_start3A_19 : memref<632x16xf32, #tpu.memory_space<hbm>>) target(%dma_start3A_17 : memref<632x16xf32, #tpu.memory_space<vmem_shared>>) target_semaphore(%run_scoped3A : memref<!tpu.dma_semaphore, #tpu.memory_space<semaphore_mem>>)
      %dma_wait3A = arith.constant 0 : i32
      %dma_wait3A_20 = tpu.memref_slice %arg8[%mul3A_4, %dma_wait3A] : memref<10112x16xf32, #tpu.memory_space<vmem_shared>> -> memref<632x16xf32, #tpu.memory_space<vmem_shared>>
      %dma_wait3A_21 = arith.constant 0 : i32
      %dma_wait3A_22 = tpu.memref_slice %arg4[%mul3A_2, %dma_wait3A_21] : memref<10112x16xf32, #tpu.memory_space<hbm>> -> memref<632x16xf32, #tpu.memory_space<hbm>>
      tpu.wait_dma2 semaphore(%run_scoped3A : memref<!tpu.dma_semaphore, #tpu.memory_space<semaphore_mem>>) src(%dma_wait3A_22 : memref<632x16xf32, #tpu.memory_space<hbm>>) dst(%dma_wait3A_20 : memref<632x16xf32, #tpu.memory_space<vmem_shared>>)
      tpu.yield
    }) : () -> ()
    "tpu.region"() ({
      %run_scoped3A = tpu.sem_alloc : memref<!tpu.dma_semaphore, #tpu.memory_space<semaphore_mem>>
      tpu.enqueue_dma source(%arg3 : memref<128x16xf32, #tpu.memory_space<hbm>>) target(%arg7 : memref<128x16xf32, #tpu.memory_space<vmem>>) target_semaphore(%run_scoped3A : memref<!tpu.dma_semaphore, #tpu.memory_space<semaphore_mem>>)
      tpu.wait_dma2 semaphore(%run_scoped3A : memref<!tpu.dma_semaphore, #tpu.memory_space<semaphore_mem>>) src(%arg3 : memref<128x16xf32, #tpu.memory_space<hbm>>) dst(%arg7 : memref<128x16xf32, #tpu.memory_space<vmem>>)
      tpu.yield
    }) : () -> ()
    %barrier3A = arith.constant 0 : index
    tpu.barrier barrier_id(%barrier3A)
    %mul3A_5 = arith.constant 80 : i32
    %mul3A_6 = arith.muli %add3A, %mul3A_5 : i32
    "tpu.region"() ({
      %run_scoped3A = tpu.sem_alloc : memref<!tpu.dma_semaphore, #tpu.memory_space<semaphore_mem>>
      %dma_start3A = arith.constant 0 : i32
      %dma_start3A_17 = tpu.memref_slice %arg2[%mul3A_6, %dma_start3A] : memref<2560x128xi32, #tpu.memory_space<hbm>> -> memref<80x128xi32, #tpu.memory_space<hbm>>
      %dma_start3A_18 = arith.constant 0 : i32
      %dma_start3A_19 = tpu.memref_slice %arg2[%mul3A_6, %dma_start3A_18] : memref<2560x128xi32, #tpu.memory_space<hbm>> -> memref<80x128xi32, #tpu.memory_space<hbm>>
      tpu.enqueue_dma source(%dma_start3A_19 : memref<80x128xi32, #tpu.memory_space<hbm>>) target(%arg6 : memref<80x128xi32, #tpu.memory_space<vmem>>) target_semaphore(%run_scoped3A : memref<!tpu.dma_semaphore, #tpu.memory_space<semaphore_mem>>)
      %dma_wait3A = arith.constant 0 : i32
      %dma_wait3A_20 = tpu.memref_slice %arg2[%mul3A_6, %dma_wait3A] : memref<2560x128xi32, #tpu.memory_space<hbm>> -> memref<80x128xi32, #tpu.memory_space<hbm>>
      %dma_wait3A_21 = arith.constant 0 : i32
      %dma_wait3A_22 = tpu.memref_slice %arg2[%mul3A_6, %dma_wait3A_21] : memref<2560x128xi32, #tpu.memory_space<hbm>> -> memref<80x128xi32, #tpu.memory_space<hbm>>
      tpu.wait_dma2 semaphore(%run_scoped3A : memref<!tpu.dma_semaphore, #tpu.memory_space<semaphore_mem>>) src(%dma_wait3A_22 : memref<80x128xi32, #tpu.memory_space<hbm>>) dst(%arg6 : memref<80x128xi32, #tpu.memory_space<vmem>>)
      tpu.yield
    }) : () -> ()
    %scan3A = arith.constant 0 : i32
    %scan3A_7 = arith.constant 0 : i32
    %scan3A_8 = arith.constant 80 : i32
    %scan3A_9 = arith.addi %scan3A_7, %scan3A_8 : i32
    %scan3A_10 = arith.constant 1 : i32
    scf.for %scan3A_17 = %scan3A_7 to %scan3A_9 step %scan3A_10  : i32 {
      "tpu.region"() ({
        %run_scoped3A = tpu.sem_alloc : memref<!tpu.dma_semaphore, #tpu.memory_space<semaphore_mem>>
        %dma_start3A = arith.constant 0 : i32
        %dma_start3A_18 = tpu.memref_slice %arg6[%scan3A_17, %dma_start3A] : memref<80x128xi32, #tpu.memory_space<vmem>> -> memref<1x128xi32, #tpu.memory_space<vmem>>
        %dma_start3A_19 = tpu.memref_squeeze %dma_start3A_18 : memref<1x128xi32, #tpu.memory_space<vmem>> -> memref<128xi32, #tpu.memory_space<vmem>>
        %dma_start3A_20 = arith.constant 0 : i32
        %dma_start3A_21 = arith.constant 0 : i32
        %dma_start3A_22 = tpu.memref_slice %arg8[%dma_start3A_20, %dma_start3A_21] : memref<10112x16xf32, #tpu.memory_space<vmem_shared>> -> memref<10112x16xf32, #tpu.memory_space<vmem_shared>>
        tpu.enqueue_indirect_dma source(%arg7 : memref<128x16xf32, #tpu.memory_space<vmem>>) target(%dma_start3A_22 : memref<10112x16xf32, #tpu.memory_space<vmem_shared>>) offsets(%dma_start3A_19 : memref<128xi32, #tpu.memory_space<vmem>>) semaphore(%run_scoped3A : memref<!tpu.dma_semaphore, #tpu.memory_space<semaphore_mem>>) {add = true}
        %dma_wait3A = arith.constant 0 : i32
        %dma_wait3A_23 = tpu.memref_slice %arg6[%scan3A_17, %dma_wait3A] : memref<80x128xi32, #tpu.memory_space<vmem>> -> memref<1x128xi32, #tpu.memory_space<vmem>>
        %dma_wait3A_24 = tpu.memref_squeeze %dma_wait3A_23 : memref<1x128xi32, #tpu.memory_space<vmem>> -> memref<128xi32, #tpu.memory_space<vmem>>
        %dma_wait3A_25 = arith.constant 0 : i32
        %dma_wait3A_26 = arith.constant 0 : i32
        %dma_wait3A_27 = tpu.memref_slice %arg8[%dma_wait3A_25, %dma_wait3A_26] : memref<10112x16xf32, #tpu.memory_space<vmem_shared>> -> memref<10112x16xf32, #tpu.memory_space<vmem_shared>>
        tpu.wait_indirect_dma semaphore(%run_scoped3A : memref<!tpu.dma_semaphore, #tpu.memory_space<semaphore_mem>>) src(%arg7 : memref<128x16xf32, #tpu.memory_space<vmem>>) dst(%dma_wait3A_27 : memref<10112x16xf32, #tpu.memory_space<vmem_shared>>)
        tpu.yield
      }) : () -> ()
    }
    %scan3A_11 = arith.constant 80 : i32
    %barrier3A_12 = arith.constant 0 : index
    tpu.barrier barrier_id(%barrier3A_12)
    %mul3A_13 = arith.constant 632 : i32
    %mul3A_14 = arith.muli %arg1, %mul3A_13 : i32
    %mul3A_15 = arith.constant 632 : i32
    %mul3A_16 = arith.muli %arg1, %mul3A_15 : i32
    "tpu.region"() ({
      %run_scoped3A = tpu.sem_alloc : memref<!tpu.dma_semaphore, #tpu.memory_space<semaphore_mem>>
      %dma_start3A = arith.constant 0 : i32
      %dma_start3A_17 = tpu.memref_slice %arg5[%arg0, %mul3A_16, %dma_start3A] : memref<2x10112x16xf32, #tpu.memory_space<hbm>> -> memref<1x632x16xf32, #tpu.memory_space<hbm>>
      %dma_start3A_18 = tpu.memref_squeeze %dma_start3A_17 : memref<1x632x16xf32, #tpu.memory_space<hbm>> -> memref<632x16xf32, #tpu.memory_space<hbm>>
      %dma_start3A_19 = arith.constant 0 : i32
      %dma_start3A_20 = tpu.memref_slice %arg8[%mul3A_14, %dma_start3A_19] : memref<10112x16xf32, #tpu.memory_space<vmem_shared>> -> memref<632x16xf32, #tpu.memory_space<vmem_shared>>
      tpu.enqueue_dma source(%dma_start3A_20 : memref<632x16xf32, #tpu.memory_space<vmem_shared>>) target(%dma_start3A_18 : memref<632x16xf32, #tpu.memory_space<hbm>>) target_semaphore(%run_scoped3A : memref<!tpu.dma_semaphore, #tpu.memory_space<semaphore_mem>>)
      %dma_wait3A = arith.constant 0 : i32
      %dma_wait3A_21 = tpu.memref_slice %arg5[%arg0, %mul3A_16, %dma_wait3A] : memref<2x10112x16xf32, #tpu.memory_space<hbm>> -> memref<1x632x16xf32, #tpu.memory_space<hbm>>
      %dma_wait3A_22 = tpu.memref_squeeze %dma_wait3A_21 : memref<1x632x16xf32, #tpu.memory_space<hbm>> -> memref<632x16xf32, #tpu.memory_space<hbm>>
      %dma_wait3A_23 = arith.constant 0 : i32
      %dma_wait3A_24 = tpu.memref_slice %arg8[%mul3A_14, %dma_wait3A_23] : memref<10112x16xf32, #tpu.memory_space<vmem_shared>> -> memref<632x16xf32, #tpu.memory_space<vmem_shared>>
      tpu.wait_dma2 semaphore(%run_scoped3A : memref<!tpu.dma_semaphore, #tpu.memory_space<semaphore_mem>>) src(%dma_wait3A_24 : memref<632x16xf32, #tpu.memory_space<vmem_shared>>) dst(%dma_wait3A_22 : memref<632x16xf32, #tpu.memory_space<hbm>>)
      tpu.yield
    }) : () -> ()
    return
  }
}

#map = affine_map<(d0, d1) -> (0, 0)>
#map1 = affine_map<(d0, d1) -> (0, 0, 0)>
module attributes {stable_mosaic.version = 14 : i64} {
  func.func @_sc_agg_body(%arg0: i32, %arg1: i32, %arg2: memref<2560x128xi32, #tpu.memory_space<hbm>>, %arg3: memref<2560x128xi32, #tpu.memory_space<hbm>>, %arg4: memref<10000x64xf32, #tpu.memory_space<hbm>>, %arg5: memref<10112x64xf32, #tpu.memory_space<hbm>>, %arg6: memref<2x10112x64xf32, #tpu.memory_space<hbm>>, %arg7: memref<80x128xi32, #tpu.memory_space<vmem>>, %arg8: memref<80x128xi32, #tpu.memory_space<vmem>>, %arg9: memref<512x64xf32, #tpu.memory_space<vmem>>, %arg10: memref<10112x64xf32, #tpu.memory_space<vmem_shared>>, %arg11: memref<!tpu.dma_semaphore, #tpu.memory_space<semaphore_mem>>, %arg12: memref<!tpu.dma_semaphore, #tpu.memory_space<semaphore_mem>>, %arg13: memref<!tpu.dma_semaphore, #tpu.memory_space<semaphore_mem>>, %arg14: memref<!tpu.dma_semaphore, #tpu.memory_space<semaphore_mem>>, %arg15: memref<!tpu.dma_semaphore, #tpu.memory_space<semaphore_mem>>, %arg16: memref<!tpu.dma_semaphore, #tpu.memory_space<semaphore_mem>>, %arg17: memref<!tpu.dma_semaphore, #tpu.memory_space<semaphore_mem>>, %arg18: memref<!tpu.dma_semaphore, #tpu.memory_space<semaphore_mem>>) attributes {dimension_semantics = [#tpu.dimension_semantics<core_parallel>, #tpu.dimension_semantics<subcore_parallel>], iteration_bounds = array<i64: 2, 16>, scalar_prefetch = 0 : i64, scratch_operands = 12 : i64, tpu.core_type = #tpu.core_type<sc_vector_subcore>, window_params = [{transform_indices = #map}, {transform_indices = #map}, {transform_indices = #map}, {transform_indices = #map}, {transform_indices = #map1}]} {
    %mul3A = arith.constant 632 : i32
    %mul3A_0 = arith.muli %arg1, %mul3A : i32
    %mul3A_1 = arith.constant 632 : i32
    %mul3A_2 = arith.muli %arg1, %mul3A_1 : i32
    "tpu.region"() ({
      %run_scoped3A = tpu.sem_alloc : memref<!tpu.dma_semaphore, #tpu.memory_space<semaphore_mem>>
      %dma_start3A = arith.constant 0 : i32
      %dma_start3A_15 = tpu.memref_slice %arg10[%mul3A_2, %dma_start3A] : memref<10112x64xf32, #tpu.memory_space<vmem_shared>> -> memref<632x64xf32, #tpu.memory_space<vmem_shared>>
      %dma_start3A_16 = arith.constant 0 : i32
      %dma_start3A_17 = tpu.memref_slice %arg5[%mul3A_0, %dma_start3A_16] : memref<10112x64xf32, #tpu.memory_space<hbm>> -> memref<632x64xf32, #tpu.memory_space<hbm>>
      tpu.enqueue_dma source(%dma_start3A_17 : memref<632x64xf32, #tpu.memory_space<hbm>>) target(%dma_start3A_15 : memref<632x64xf32, #tpu.memory_space<vmem_shared>>) target_semaphore(%run_scoped3A : memref<!tpu.dma_semaphore, #tpu.memory_space<semaphore_mem>>)
      %dma_wait3A = arith.constant 0 : i32
      %dma_wait3A_18 = tpu.memref_slice %arg10[%mul3A_2, %dma_wait3A] : memref<10112x64xf32, #tpu.memory_space<vmem_shared>> -> memref<632x64xf32, #tpu.memory_space<vmem_shared>>
      %dma_wait3A_19 = arith.constant 0 : i32
      %dma_wait3A_20 = tpu.memref_slice %arg5[%mul3A_0, %dma_wait3A_19] : memref<10112x64xf32, #tpu.memory_space<hbm>> -> memref<632x64xf32, #tpu.memory_space<hbm>>
      tpu.wait_dma2 semaphore(%run_scoped3A : memref<!tpu.dma_semaphore, #tpu.memory_space<semaphore_mem>>) src(%dma_wait3A_20 : memref<632x64xf32, #tpu.memory_space<hbm>>) dst(%dma_wait3A_18 : memref<632x64xf32, #tpu.memory_space<vmem_shared>>)
      tpu.yield
    }) : () -> ()
    %barrier3A = arith.constant 0 : index
    tpu.barrier barrier_id(%barrier3A)
    %eq3A = arith.constant 0 : i32
    %eq3A_3 = arith.cmpi eq, %arg0, %eq3A : i32
    %convert_element_type3A = arith.extui %eq3A_3 : i1 to i32
    %cond3A = arith.constant 0 : i32
    %cond3A_4 = arith.cmpi ne, %convert_element_type3A, %cond3A : i32
    scf.if %cond3A_4 {
      %mul3A_15 = arith.constant 160 : i32
      %mul3A_16 = arith.muli %arg1, %mul3A_15 : i32
      "tpu.region"() ({
        %run_scoped3A = tpu.sem_alloc : memref<!tpu.dma_semaphore, #tpu.memory_space<semaphore_mem>>
        %dma_start3A_60 = arith.constant 0 : i32
        %dma_start3A_61 = arith.constant 0 : i32
        %dma_start3A_62 = tpu.memref_slice %arg7[%dma_start3A_60, %dma_start3A_61] : memref<80x128xi32, #tpu.memory_space<vmem>> -> memref<80x128xi32, #tpu.memory_space<vmem>>
        %dma_start3A_63 = arith.constant 0 : i32
        %dma_start3A_64 = tpu.memref_slice %arg2[%mul3A_16, %dma_start3A_63] : memref<2560x128xi32, #tpu.memory_space<hbm>> -> memref<80x128xi32, #tpu.memory_space<hbm>>
        %dma_start3A_65 = arith.constant 0 : i32
        %dma_start3A_66 = arith.constant 0 : i32
        %dma_start3A_67 = tpu.memref_slice %arg7[%dma_start3A_65, %dma_start3A_66] : memref<80x128xi32, #tpu.memory_space<vmem>> -> memref<80x128xi32, #tpu.memory_space<vmem>>
        %dma_start3A_68 = arith.constant 0 : i32
        %dma_start3A_69 = tpu.memref_slice %arg2[%mul3A_16, %dma_start3A_68] : memref<2560x128xi32, #tpu.memory_space<hbm>> -> memref<80x128xi32, #tpu.memory_space<hbm>>
        tpu.enqueue_dma source(%dma_start3A_69 : memref<80x128xi32, #tpu.memory_space<hbm>>) target(%dma_start3A_67 : memref<80x128xi32, #tpu.memory_space<vmem>>) target_semaphore(%run_scoped3A : memref<!tpu.dma_semaphore, #tpu.memory_space<semaphore_mem>>)
        %dma_wait3A_70 = arith.constant 0 : i32
        %dma_wait3A_71 = arith.constant 0 : i32
        %dma_wait3A_72 = tpu.memref_slice %arg7[%dma_wait3A_70, %dma_wait3A_71] : memref<80x128xi32, #tpu.memory_space<vmem>> -> memref<80x128xi32, #tpu.memory_space<vmem>>
        %dma_wait3A_73 = arith.constant 0 : i32
        %dma_wait3A_74 = tpu.memref_slice %arg2[%mul3A_16, %dma_wait3A_73] : memref<2560x128xi32, #tpu.memory_space<hbm>> -> memref<80x128xi32, #tpu.memory_space<hbm>>
        %dma_wait3A_75 = arith.constant 0 : i32
        %dma_wait3A_76 = arith.constant 0 : i32
        %dma_wait3A_77 = tpu.memref_slice %arg7[%dma_wait3A_75, %dma_wait3A_76] : memref<80x128xi32, #tpu.memory_space<vmem>> -> memref<80x128xi32, #tpu.memory_space<vmem>>
        %dma_wait3A_78 = arith.constant 0 : i32
        %dma_wait3A_79 = tpu.memref_slice %arg2[%mul3A_16, %dma_wait3A_78] : memref<2560x128xi32, #tpu.memory_space<hbm>> -> memref<80x128xi32, #tpu.memory_space<hbm>>
        tpu.wait_dma2 semaphore(%run_scoped3A : memref<!tpu.dma_semaphore, #tpu.memory_space<semaphore_mem>>) src(%dma_wait3A_79 : memref<80x128xi32, #tpu.memory_space<hbm>>) dst(%dma_wait3A_77 : memref<80x128xi32, #tpu.memory_space<vmem>>)
        tpu.yield
      }) : () -> ()
      "tpu.region"() ({
        %run_scoped3A = tpu.sem_alloc : memref<!tpu.dma_semaphore, #tpu.memory_space<semaphore_mem>>
        %dma_start3A_60 = arith.constant 0 : i32
        %dma_start3A_61 = arith.constant 0 : i32
        %dma_start3A_62 = tpu.memref_slice %arg8[%dma_start3A_60, %dma_start3A_61] : memref<80x128xi32, #tpu.memory_space<vmem>> -> memref<80x128xi32, #tpu.memory_space<vmem>>
        %dma_start3A_63 = arith.constant 0 : i32
        %dma_start3A_64 = tpu.memref_slice %arg3[%mul3A_16, %dma_start3A_63] : memref<2560x128xi32, #tpu.memory_space<hbm>> -> memref<80x128xi32, #tpu.memory_space<hbm>>
        %dma_start3A_65 = arith.constant 0 : i32
        %dma_start3A_66 = arith.constant 0 : i32
        %dma_start3A_67 = tpu.memref_slice %arg8[%dma_start3A_65, %dma_start3A_66] : memref<80x128xi32, #tpu.memory_space<vmem>> -> memref<80x128xi32, #tpu.memory_space<vmem>>
        %dma_start3A_68 = arith.constant 0 : i32
        %dma_start3A_69 = tpu.memref_slice %arg3[%mul3A_16, %dma_start3A_68] : memref<2560x128xi32, #tpu.memory_space<hbm>> -> memref<80x128xi32, #tpu.memory_space<hbm>>
        tpu.enqueue_dma source(%dma_start3A_69 : memref<80x128xi32, #tpu.memory_space<hbm>>) target(%dma_start3A_67 : memref<80x128xi32, #tpu.memory_space<vmem>>) target_semaphore(%run_scoped3A : memref<!tpu.dma_semaphore, #tpu.memory_space<semaphore_mem>>)
        %dma_wait3A_70 = arith.constant 0 : i32
        %dma_wait3A_71 = arith.constant 0 : i32
        %dma_wait3A_72 = tpu.memref_slice %arg8[%dma_wait3A_70, %dma_wait3A_71] : memref<80x128xi32, #tpu.memory_space<vmem>> -> memref<80x128xi32, #tpu.memory_space<vmem>>
        %dma_wait3A_73 = arith.constant 0 : i32
        %dma_wait3A_74 = tpu.memref_slice %arg3[%mul3A_16, %dma_wait3A_73] : memref<2560x128xi32, #tpu.memory_space<hbm>> -> memref<80x128xi32, #tpu.memory_space<hbm>>
        %dma_wait3A_75 = arith.constant 0 : i32
        %dma_wait3A_76 = arith.constant 0 : i32
        %dma_wait3A_77 = tpu.memref_slice %arg8[%dma_wait3A_75, %dma_wait3A_76] : memref<80x128xi32, #tpu.memory_space<vmem>> -> memref<80x128xi32, #tpu.memory_space<vmem>>
        %dma_wait3A_78 = arith.constant 0 : i32
        %dma_wait3A_79 = tpu.memref_slice %arg3[%mul3A_16, %dma_wait3A_78] : memref<2560x128xi32, #tpu.memory_space<hbm>> -> memref<80x128xi32, #tpu.memory_space<hbm>>
        tpu.wait_dma2 semaphore(%run_scoped3A : memref<!tpu.dma_semaphore, #tpu.memory_space<semaphore_mem>>) src(%dma_wait3A_79 : memref<80x128xi32, #tpu.memory_space<hbm>>) dst(%dma_wait3A_77 : memref<80x128xi32, #tpu.memory_space<vmem>>)
        tpu.yield
      }) : () -> ()
      %dma_start3A = arith.constant 0 : i32
      %dma_start3A_17 = arith.constant 0 : i32
      %dma_start3A_18 = arith.constant 0 : i32
      %dma_start3A_19 = tpu.memref_slice %arg9[%dma_start3A_17, %dma_start3A_18] : memref<512x64xf32, #tpu.memory_space<vmem>> -> memref<128x64xf32, #tpu.memory_space<vmem>>
      %dma_start3A_20 = arith.constant 0 : i32
      %dma_start3A_21 = tpu.memref_slice %arg7[%dma_start3A, %dma_start3A_20] : memref<80x128xi32, #tpu.memory_space<vmem>> -> memref<1x128xi32, #tpu.memory_space<vmem>>
      %dma_start3A_22 = tpu.memref_squeeze %dma_start3A_21 : memref<1x128xi32, #tpu.memory_space<vmem>> -> memref<128xi32, #tpu.memory_space<vmem>>
      %dma_start3A_23 = arith.constant 0 : i32
      %dma_start3A_24 = arith.constant 0 : i32
      %dma_start3A_25 = tpu.memref_slice %arg4[%dma_start3A_23, %dma_start3A_24] : memref<10000x64xf32, #tpu.memory_space<hbm>> -> memref<10000x64xf32, #tpu.memory_space<hbm>>
      tpu.enqueue_indirect_dma source(%dma_start3A_25 : memref<10000x64xf32, #tpu.memory_space<hbm>>) target(%dma_start3A_19 : memref<128x64xf32, #tpu.memory_space<vmem>>) offsets(%dma_start3A_22 : memref<128xi32, #tpu.memory_space<vmem>>) semaphore(%arg11 : memref<!tpu.dma_semaphore, #tpu.memory_space<semaphore_mem>>)
      %dma_start3A_26 = arith.constant 1 : i32
      %dma_start3A_27 = arith.constant 128 : i32
      %dma_start3A_28 = arith.constant 0 : i32
      %dma_start3A_29 = tpu.memref_slice %arg9[%dma_start3A_27, %dma_start3A_28] : memref<512x64xf32, #tpu.memory_space<vmem>> -> memref<128x64xf32, #tpu.memory_space<vmem>>
      %dma_start3A_30 = arith.constant 0 : i32
      %dma_start3A_31 = tpu.memref_slice %arg7[%dma_start3A_26, %dma_start3A_30] : memref<80x128xi32, #tpu.memory_space<vmem>> -> memref<1x128xi32, #tpu.memory_space<vmem>>
      %dma_start3A_32 = tpu.memref_squeeze %dma_start3A_31 : memref<1x128xi32, #tpu.memory_space<vmem>> -> memref<128xi32, #tpu.memory_space<vmem>>
      %dma_start3A_33 = arith.constant 0 : i32
      %dma_start3A_34 = arith.constant 0 : i32
      %dma_start3A_35 = tpu.memref_slice %arg4[%dma_start3A_33, %dma_start3A_34] : memref<10000x64xf32, #tpu.memory_space<hbm>> -> memref<10000x64xf32, #tpu.memory_space<hbm>>
      tpu.enqueue_indirect_dma source(%dma_start3A_35 : memref<10000x64xf32, #tpu.memory_space<hbm>>) target(%dma_start3A_29 : memref<128x64xf32, #tpu.memory_space<vmem>>) offsets(%dma_start3A_32 : memref<128xi32, #tpu.memory_space<vmem>>) semaphore(%arg12 : memref<!tpu.dma_semaphore, #tpu.memory_space<semaphore_mem>>)
      %scan3A = arith.constant 0 : i32
      %scan3A_36 = arith.constant 0 : i32
      %scan3A_37 = arith.constant 20 : i32
      %scan3A_38 = arith.addi %scan3A_36, %scan3A_37 : i32
      %scan3A_39 = arith.constant 1 : i32
      scf.for %scan3A_60 = %scan3A_36 to %scan3A_38 step %scan3A_39  : i32 {
        %mul3A_61 = arith.constant 4 : i32
        %mul3A_62 = arith.muli %mul3A_61, %scan3A_60 : i32
        %add3A = arith.constant 0 : i32
        %add3A_63 = arith.addi %mul3A_62, %add3A : i32
        %dma_wait3A_64 = arith.constant 0 : i32
        %dma_wait3A_65 = arith.constant 0 : i32
        %dma_wait3A_66 = tpu.memref_slice %arg9[%dma_wait3A_64, %dma_wait3A_65] : memref<512x64xf32, #tpu.memory_space<vmem>> -> memref<128x64xf32, #tpu.memory_space<vmem>>
        %dma_wait3A_67 = arith.constant 0 : i32
        %dma_wait3A_68 = tpu.memref_slice %arg7[%add3A_63, %dma_wait3A_67] : memref<80x128xi32, #tpu.memory_space<vmem>> -> memref<1x128xi32, #tpu.memory_space<vmem>>
        %dma_wait3A_69 = tpu.memref_squeeze %dma_wait3A_68 : memref<1x128xi32, #tpu.memory_space<vmem>> -> memref<128xi32, #tpu.memory_space<vmem>>
        %dma_wait3A_70 = arith.constant 0 : i32
        %dma_wait3A_71 = arith.constant 0 : i32
        %dma_wait3A_72 = tpu.memref_slice %arg4[%dma_wait3A_70, %dma_wait3A_71] : memref<10000x64xf32, #tpu.memory_space<hbm>> -> memref<10000x64xf32, #tpu.memory_space<hbm>>
        tpu.wait_indirect_dma semaphore(%arg11 : memref<!tpu.dma_semaphore, #tpu.memory_space<semaphore_mem>>) src(%dma_wait3A_72 : memref<10000x64xf32, #tpu.memory_space<hbm>>) dst(%dma_wait3A_66 : memref<128x64xf32, #tpu.memory_space<vmem>>)
        %dma_start3A_73 = arith.constant 0 : i32
        %dma_start3A_74 = arith.constant 0 : i32
        %dma_start3A_75 = tpu.memref_slice %arg9[%dma_start3A_73, %dma_start3A_74] : memref<512x64xf32, #tpu.memory_space<vmem>> -> memref<128x64xf32, #tpu.memory_space<vmem>>
        %dma_start3A_76 = arith.constant 0 : i32
        %dma_start3A_77 = tpu.memref_slice %arg8[%add3A_63, %dma_start3A_76] : memref<80x128xi32, #tpu.memory_space<vmem>> -> memref<1x128xi32, #tpu.memory_space<vmem>>
        %dma_start3A_78 = tpu.memref_squeeze %dma_start3A_77 : memref<1x128xi32, #tpu.memory_space<vmem>> -> memref<128xi32, #tpu.memory_space<vmem>>
        %dma_start3A_79 = arith.constant 0 : i32
        %dma_start3A_80 = arith.constant 0 : i32
        %dma_start3A_81 = tpu.memref_slice %arg10[%dma_start3A_79, %dma_start3A_80] : memref<10112x64xf32, #tpu.memory_space<vmem_shared>> -> memref<10112x64xf32, #tpu.memory_space<vmem_shared>>
        tpu.enqueue_indirect_dma source(%dma_start3A_75 : memref<128x64xf32, #tpu.memory_space<vmem>>) target(%dma_start3A_81 : memref<10112x64xf32, #tpu.memory_space<vmem_shared>>) offsets(%dma_start3A_78 : memref<128xi32, #tpu.memory_space<vmem>>) semaphore(%arg15 : memref<!tpu.dma_semaphore, #tpu.memory_space<semaphore_mem>>) {add = true}
        %ge3A = arith.constant 2 : i32
        %ge3A_82 = arith.cmpi sge, %add3A_63, %ge3A : i32
        %convert_element_type3A_83 = arith.extui %ge3A_82 : i1 to i32
        %cond3A_84 = arith.constant 0 : i32
        %cond3A_85 = arith.cmpi ne, %convert_element_type3A_83, %cond3A_84 : i32
        scf.if %cond3A_85 {
          %sub3A = arith.constant 2 : i32
          %sub3A_194 = arith.subi %add3A_63, %sub3A : i32
          %dma_wait3A_195 = arith.constant 256 : i32
          %dma_wait3A_196 = arith.constant 0 : i32
          %dma_wait3A_197 = tpu.memref_slice %arg9[%dma_wait3A_195, %dma_wait3A_196] : memref<512x64xf32, #tpu.memory_space<vmem>> -> memref<128x64xf32, #tpu.memory_space<vmem>>
          %dma_wait3A_198 = arith.constant 0 : i32
          %dma_wait3A_199 = tpu.memref_slice %arg8[%sub3A_194, %dma_wait3A_198] : memref<80x128xi32, #tpu.memory_space<vmem>> -> memref<1x128xi32, #tpu.memory_space<vmem>>
          %dma_wait3A_200 = tpu.memref_squeeze %dma_wait3A_199 : memref<1x128xi32, #tpu.memory_space<vmem>> -> memref<128xi32, #tpu.memory_space<vmem>>
          %dma_wait3A_201 = arith.constant 0 : i32
          %dma_wait3A_202 = arith.constant 0 : i32
          %dma_wait3A_203 = tpu.memref_slice %arg10[%dma_wait3A_201, %dma_wait3A_202] : memref<10112x64xf32, #tpu.memory_space<vmem_shared>> -> memref<10112x64xf32, #tpu.memory_space<vmem_shared>>
          tpu.wait_indirect_dma semaphore(%arg17 : memref<!tpu.dma_semaphore, #tpu.memory_space<semaphore_mem>>) src(%dma_wait3A_197 : memref<128x64xf32, #tpu.memory_space<vmem>>) dst(%dma_wait3A_203 : memref<10112x64xf32, #tpu.memory_space<vmem_shared>>)
        } else {
        }
        %add3A_86 = arith.constant 2 : i32
        %add3A_87 = arith.addi %add3A_63, %add3A_86 : i32
        %lt3A = arith.constant 80 : i32
        %lt3A_88 = arith.cmpi slt, %add3A_87, %lt3A : i32
        %convert_element_type3A_89 = arith.extui %lt3A_88 : i1 to i32
        %cond3A_90 = arith.constant 0 : i32
        %cond3A_91 = arith.cmpi ne, %convert_element_type3A_89, %cond3A_90 : i32
        scf.if %cond3A_91 {
          %add3A_194 = arith.constant 2 : i32
          %add3A_195 = arith.addi %add3A_63, %add3A_194 : i32
          %dma_start3A_196 = arith.constant 256 : i32
          %dma_start3A_197 = arith.constant 0 : i32
          %dma_start3A_198 = tpu.memref_slice %arg9[%dma_start3A_196, %dma_start3A_197] : memref<512x64xf32, #tpu.memory_space<vmem>> -> memref<128x64xf32, #tpu.memory_space<vmem>>
          %dma_start3A_199 = arith.constant 0 : i32
          %dma_start3A_200 = tpu.memref_slice %arg7[%add3A_195, %dma_start3A_199] : memref<80x128xi32, #tpu.memory_space<vmem>> -> memref<1x128xi32, #tpu.memory_space<vmem>>
          %dma_start3A_201 = tpu.memref_squeeze %dma_start3A_200 : memref<1x128xi32, #tpu.memory_space<vmem>> -> memref<128xi32, #tpu.memory_space<vmem>>
          %dma_start3A_202 = arith.constant 0 : i32
          %dma_start3A_203 = arith.constant 0 : i32
          %dma_start3A_204 = tpu.memref_slice %arg4[%dma_start3A_202, %dma_start3A_203] : memref<10000x64xf32, #tpu.memory_space<hbm>> -> memref<10000x64xf32, #tpu.memory_space<hbm>>
          tpu.enqueue_indirect_dma source(%dma_start3A_204 : memref<10000x64xf32, #tpu.memory_space<hbm>>) target(%dma_start3A_198 : memref<128x64xf32, #tpu.memory_space<vmem>>) offsets(%dma_start3A_201 : memref<128xi32, #tpu.memory_space<vmem>>) semaphore(%arg13 : memref<!tpu.dma_semaphore, #tpu.memory_space<semaphore_mem>>)
        } else {
        }
        %mul3A_92 = arith.constant 4 : i32
        %mul3A_93 = arith.muli %mul3A_92, %scan3A_60 : i32
        %add3A_94 = arith.constant 1 : i32
        %add3A_95 = arith.addi %mul3A_93, %add3A_94 : i32
        %dma_wait3A_96 = arith.constant 128 : i32
        %dma_wait3A_97 = arith.constant 0 : i32
        %dma_wait3A_98 = tpu.memref_slice %arg9[%dma_wait3A_96, %dma_wait3A_97] : memref<512x64xf32, #tpu.memory_space<vmem>> -> memref<128x64xf32, #tpu.memory_space<vmem>>
        %dma_wait3A_99 = arith.constant 0 : i32
        %dma_wait3A_100 = tpu.memref_slice %arg7[%add3A_95, %dma_wait3A_99] : memref<80x128xi32, #tpu.memory_space<vmem>> -> memref<1x128xi32, #tpu.memory_space<vmem>>
        %dma_wait3A_101 = tpu.memref_squeeze %dma_wait3A_100 : memref<1x128xi32, #tpu.memory_space<vmem>> -> memref<128xi32, #tpu.memory_space<vmem>>
        %dma_wait3A_102 = arith.constant 0 : i32
        %dma_wait3A_103 = arith.constant 0 : i32
        %dma_wait3A_104 = tpu.memref_slice %arg4[%dma_wait3A_102, %dma_wait3A_103] : memref<10000x64xf32, #tpu.memory_space<hbm>> -> memref<10000x64xf32, #tpu.memory_space<hbm>>
        tpu.wait_indirect_dma semaphore(%arg12 : memref<!tpu.dma_semaphore, #tpu.memory_space<semaphore_mem>>) src(%dma_wait3A_104 : memref<10000x64xf32, #tpu.memory_space<hbm>>) dst(%dma_wait3A_98 : memref<128x64xf32, #tpu.memory_space<vmem>>)
        %dma_start3A_105 = arith.constant 128 : i32
        %dma_start3A_106 = arith.constant 0 : i32
        %dma_start3A_107 = tpu.memref_slice %arg9[%dma_start3A_105, %dma_start3A_106] : memref<512x64xf32, #tpu.memory_space<vmem>> -> memref<128x64xf32, #tpu.memory_space<vmem>>
        %dma_start3A_108 = arith.constant 0 : i32
        %dma_start3A_109 = tpu.memref_slice %arg8[%add3A_95, %dma_start3A_108] : memref<80x128xi32, #tpu.memory_space<vmem>> -> memref<1x128xi32, #tpu.memory_space<vmem>>
        %dma_start3A_110 = tpu.memref_squeeze %dma_start3A_109 : memref<1x128xi32, #tpu.memory_space<vmem>> -> memref<128xi32, #tpu.memory_space<vmem>>
        %dma_start3A_111 = arith.constant 0 : i32
        %dma_start3A_112 = arith.constant 0 : i32
        %dma_start3A_113 = tpu.memref_slice %arg10[%dma_start3A_111, %dma_start3A_112] : memref<10112x64xf32, #tpu.memory_space<vmem_shared>> -> memref<10112x64xf32, #tpu.memory_space<vmem_shared>>
        tpu.enqueue_indirect_dma source(%dma_start3A_107 : memref<128x64xf32, #tpu.memory_space<vmem>>) target(%dma_start3A_113 : memref<10112x64xf32, #tpu.memory_space<vmem_shared>>) offsets(%dma_start3A_110 : memref<128xi32, #tpu.memory_space<vmem>>) semaphore(%arg16 : memref<!tpu.dma_semaphore, #tpu.memory_space<semaphore_mem>>) {add = true}
        %ge3A_114 = arith.constant 2 : i32
        %ge3A_115 = arith.cmpi sge, %add3A_95, %ge3A_114 : i32
        %convert_element_type3A_116 = arith.extui %ge3A_115 : i1 to i32
        %cond3A_117 = arith.constant 0 : i32
        %cond3A_118 = arith.cmpi ne, %convert_element_type3A_116, %cond3A_117 : i32
        scf.if %cond3A_118 {
          %sub3A = arith.constant 2 : i32
          %sub3A_194 = arith.subi %add3A_95, %sub3A : i32
          %dma_wait3A_195 = arith.constant 384 : i32
          %dma_wait3A_196 = arith.constant 0 : i32
          %dma_wait3A_197 = tpu.memref_slice %arg9[%dma_wait3A_195, %dma_wait3A_196] : memref<512x64xf32, #tpu.memory_space<vmem>> -> memref<128x64xf32, #tpu.memory_space<vmem>>
          %dma_wait3A_198 = arith.constant 0 : i32
          %dma_wait3A_199 = tpu.memref_slice %arg8[%sub3A_194, %dma_wait3A_198] : memref<80x128xi32, #tpu.memory_space<vmem>> -> memref<1x128xi32, #tpu.memory_space<vmem>>
          %dma_wait3A_200 = tpu.memref_squeeze %dma_wait3A_199 : memref<1x128xi32, #tpu.memory_space<vmem>> -> memref<128xi32, #tpu.memory_space<vmem>>
          %dma_wait3A_201 = arith.constant 0 : i32
          %dma_wait3A_202 = arith.constant 0 : i32
          %dma_wait3A_203 = tpu.memref_slice %arg10[%dma_wait3A_201, %dma_wait3A_202] : memref<10112x64xf32, #tpu.memory_space<vmem_shared>> -> memref<10112x64xf32, #tpu.memory_space<vmem_shared>>
          tpu.wait_indirect_dma semaphore(%arg18 : memref<!tpu.dma_semaphore, #tpu.memory_space<semaphore_mem>>) src(%dma_wait3A_197 : memref<128x64xf32, #tpu.memory_space<vmem>>) dst(%dma_wait3A_203 : memref<10112x64xf32, #tpu.memory_space<vmem_shared>>)
        } else {
        }
        %add3A_119 = arith.constant 2 : i32
        %add3A_120 = arith.addi %add3A_95, %add3A_119 : i32
        %lt3A_121 = arith.constant 80 : i32
        %lt3A_122 = arith.cmpi slt, %add3A_120, %lt3A_121 : i32
        %convert_element_type3A_123 = arith.extui %lt3A_122 : i1 to i32
        %cond3A_124 = arith.constant 0 : i32
        %cond3A_125 = arith.cmpi ne, %convert_element_type3A_123, %cond3A_124 : i32
        scf.if %cond3A_125 {
          %add3A_194 = arith.constant 2 : i32
          %add3A_195 = arith.addi %add3A_95, %add3A_194 : i32
          %dma_start3A_196 = arith.constant 384 : i32
          %dma_start3A_197 = arith.constant 0 : i32
          %dma_start3A_198 = tpu.memref_slice %arg9[%dma_start3A_196, %dma_start3A_197] : memref<512x64xf32, #tpu.memory_space<vmem>> -> memref<128x64xf32, #tpu.memory_space<vmem>>
          %dma_start3A_199 = arith.constant 0 : i32
          %dma_start3A_200 = tpu.memref_slice %arg7[%add3A_195, %dma_start3A_199] : memref<80x128xi32, #tpu.memory_space<vmem>> -> memref<1x128xi32, #tpu.memory_space<vmem>>
          %dma_start3A_201 = tpu.memref_squeeze %dma_start3A_200 : memref<1x128xi32, #tpu.memory_space<vmem>> -> memref<128xi32, #tpu.memory_space<vmem>>
          %dma_start3A_202 = arith.constant 0 : i32
          %dma_start3A_203 = arith.constant 0 : i32
          %dma_start3A_204 = tpu.memref_slice %arg4[%dma_start3A_202, %dma_start3A_203] : memref<10000x64xf32, #tpu.memory_space<hbm>> -> memref<10000x64xf32, #tpu.memory_space<hbm>>
          tpu.enqueue_indirect_dma source(%dma_start3A_204 : memref<10000x64xf32, #tpu.memory_space<hbm>>) target(%dma_start3A_198 : memref<128x64xf32, #tpu.memory_space<vmem>>) offsets(%dma_start3A_201 : memref<128xi32, #tpu.memory_space<vmem>>) semaphore(%arg14 : memref<!tpu.dma_semaphore, #tpu.memory_space<semaphore_mem>>)
        } else {
        }
        %mul3A_126 = arith.constant 4 : i32
        %mul3A_127 = arith.muli %mul3A_126, %scan3A_60 : i32
        %add3A_128 = arith.constant 2 : i32
        %add3A_129 = arith.addi %mul3A_127, %add3A_128 : i32
        %dma_wait3A_130 = arith.constant 256 : i32
        %dma_wait3A_131 = arith.constant 0 : i32
        %dma_wait3A_132 = tpu.memref_slice %arg9[%dma_wait3A_130, %dma_wait3A_131] : memref<512x64xf32, #tpu.memory_space<vmem>> -> memref<128x64xf32, #tpu.memory_space<vmem>>
        %dma_wait3A_133 = arith.constant 0 : i32
        %dma_wait3A_134 = tpu.memref_slice %arg7[%add3A_129, %dma_wait3A_133] : memref<80x128xi32, #tpu.memory_space<vmem>> -> memref<1x128xi32, #tpu.memory_space<vmem>>
        %dma_wait3A_135 = tpu.memref_squeeze %dma_wait3A_134 : memref<1x128xi32, #tpu.memory_space<vmem>> -> memref<128xi32, #tpu.memory_space<vmem>>
        %dma_wait3A_136 = arith.constant 0 : i32
        %dma_wait3A_137 = arith.constant 0 : i32
        %dma_wait3A_138 = tpu.memref_slice %arg4[%dma_wait3A_136, %dma_wait3A_137] : memref<10000x64xf32, #tpu.memory_space<hbm>> -> memref<10000x64xf32, #tpu.memory_space<hbm>>
        tpu.wait_indirect_dma semaphore(%arg13 : memref<!tpu.dma_semaphore, #tpu.memory_space<semaphore_mem>>) src(%dma_wait3A_138 : memref<10000x64xf32, #tpu.memory_space<hbm>>) dst(%dma_wait3A_132 : memref<128x64xf32, #tpu.memory_space<vmem>>)
        %dma_start3A_139 = arith.constant 256 : i32
        %dma_start3A_140 = arith.constant 0 : i32
        %dma_start3A_141 = tpu.memref_slice %arg9[%dma_start3A_139, %dma_start3A_140] : memref<512x64xf32, #tpu.memory_space<vmem>> -> memref<128x64xf32, #tpu.memory_space<vmem>>
        %dma_start3A_142 = arith.constant 0 : i32
        %dma_start3A_143 = tpu.memref_slice %arg8[%add3A_129, %dma_start3A_142] : memref<80x128xi32, #tpu.memory_space<vmem>> -> memref<1x128xi32, #tpu.memory_space<vmem>>
        %dma_start3A_144 = tpu.memref_squeeze %dma_start3A_143 : memref<1x128xi32, #tpu.memory_space<vmem>> -> memref<128xi32, #tpu.memory_space<vmem>>
        %dma_start3A_145 = arith.constant 0 : i32
        %dma_start3A_146 = arith.constant 0 : i32
        %dma_start3A_147 = tpu.memref_slice %arg10[%dma_start3A_145, %dma_start3A_146] : memref<10112x64xf32, #tpu.memory_space<vmem_shared>> -> memref<10112x64xf32, #tpu.memory_space<vmem_shared>>
        tpu.enqueue_indirect_dma source(%dma_start3A_141 : memref<128x64xf32, #tpu.memory_space<vmem>>) target(%dma_start3A_147 : memref<10112x64xf32, #tpu.memory_space<vmem_shared>>) offsets(%dma_start3A_144 : memref<128xi32, #tpu.memory_space<vmem>>) semaphore(%arg17 : memref<!tpu.dma_semaphore, #tpu.memory_space<semaphore_mem>>) {add = true}
        %ge3A_148 = arith.constant 2 : i32
        %ge3A_149 = arith.cmpi sge, %add3A_129, %ge3A_148 : i32
        %convert_element_type3A_150 = arith.extui %ge3A_149 : i1 to i32
        %cond3A_151 = arith.constant 0 : i32
        %cond3A_152 = arith.cmpi ne, %convert_element_type3A_150, %cond3A_151 : i32
        scf.if %cond3A_152 {
          %sub3A = arith.constant 2 : i32
          %sub3A_194 = arith.subi %add3A_129, %sub3A : i32
          %dma_wait3A_195 = arith.constant 0 : i32
          %dma_wait3A_196 = arith.constant 0 : i32
          %dma_wait3A_197 = tpu.memref_slice %arg9[%dma_wait3A_195, %dma_wait3A_196] : memref<512x64xf32, #tpu.memory_space<vmem>> -> memref<128x64xf32, #tpu.memory_space<vmem>>
          %dma_wait3A_198 = arith.constant 0 : i32
          %dma_wait3A_199 = tpu.memref_slice %arg8[%sub3A_194, %dma_wait3A_198] : memref<80x128xi32, #tpu.memory_space<vmem>> -> memref<1x128xi32, #tpu.memory_space<vmem>>
          %dma_wait3A_200 = tpu.memref_squeeze %dma_wait3A_199 : memref<1x128xi32, #tpu.memory_space<vmem>> -> memref<128xi32, #tpu.memory_space<vmem>>
          %dma_wait3A_201 = arith.constant 0 : i32
          %dma_wait3A_202 = arith.constant 0 : i32
          %dma_wait3A_203 = tpu.memref_slice %arg10[%dma_wait3A_201, %dma_wait3A_202] : memref<10112x64xf32, #tpu.memory_space<vmem_shared>> -> memref<10112x64xf32, #tpu.memory_space<vmem_shared>>
          tpu.wait_indirect_dma semaphore(%arg15 : memref<!tpu.dma_semaphore, #tpu.memory_space<semaphore_mem>>) src(%dma_wait3A_197 : memref<128x64xf32, #tpu.memory_space<vmem>>) dst(%dma_wait3A_203 : memref<10112x64xf32, #tpu.memory_space<vmem_shared>>)
        } else {
        }
        %add3A_153 = arith.constant 2 : i32
        %add3A_154 = arith.addi %add3A_129, %add3A_153 : i32
        %lt3A_155 = arith.constant 80 : i32
        %lt3A_156 = arith.cmpi slt, %add3A_154, %lt3A_155 : i32
        %convert_element_type3A_157 = arith.extui %lt3A_156 : i1 to i32
        %cond3A_158 = arith.constant 0 : i32
        %cond3A_159 = arith.cmpi ne, %convert_element_type3A_157, %cond3A_158 : i32
        scf.if %cond3A_159 {
          %add3A_194 = arith.constant 2 : i32
          %add3A_195 = arith.addi %add3A_129, %add3A_194 : i32
          %dma_start3A_196 = arith.constant 0 : i32
          %dma_start3A_197 = arith.constant 0 : i32
          %dma_start3A_198 = tpu.memref_slice %arg9[%dma_start3A_196, %dma_start3A_197] : memref<512x64xf32, #tpu.memory_space<vmem>> -> memref<128x64xf32, #tpu.memory_space<vmem>>
          %dma_start3A_199 = arith.constant 0 : i32
          %dma_start3A_200 = tpu.memref_slice %arg7[%add3A_195, %dma_start3A_199] : memref<80x128xi32, #tpu.memory_space<vmem>> -> memref<1x128xi32, #tpu.memory_space<vmem>>
          %dma_start3A_201 = tpu.memref_squeeze %dma_start3A_200 : memref<1x128xi32, #tpu.memory_space<vmem>> -> memref<128xi32, #tpu.memory_space<vmem>>
          %dma_start3A_202 = arith.constant 0 : i32
          %dma_start3A_203 = arith.constant 0 : i32
          %dma_start3A_204 = tpu.memref_slice %arg4[%dma_start3A_202, %dma_start3A_203] : memref<10000x64xf32, #tpu.memory_space<hbm>> -> memref<10000x64xf32, #tpu.memory_space<hbm>>
          tpu.enqueue_indirect_dma source(%dma_start3A_204 : memref<10000x64xf32, #tpu.memory_space<hbm>>) target(%dma_start3A_198 : memref<128x64xf32, #tpu.memory_space<vmem>>) offsets(%dma_start3A_201 : memref<128xi32, #tpu.memory_space<vmem>>) semaphore(%arg11 : memref<!tpu.dma_semaphore, #tpu.memory_space<semaphore_mem>>)
        } else {
        }
        %mul3A_160 = arith.constant 4 : i32
        %mul3A_161 = arith.muli %mul3A_160, %scan3A_60 : i32
        %add3A_162 = arith.constant 3 : i32
        %add3A_163 = arith.addi %mul3A_161, %add3A_162 : i32
        %dma_wait3A_164 = arith.constant 384 : i32
        %dma_wait3A_165 = arith.constant 0 : i32
        %dma_wait3A_166 = tpu.memref_slice %arg9[%dma_wait3A_164, %dma_wait3A_165] : memref<512x64xf32, #tpu.memory_space<vmem>> -> memref<128x64xf32, #tpu.memory_space<vmem>>
        %dma_wait3A_167 = arith.constant 0 : i32
        %dma_wait3A_168 = tpu.memref_slice %arg7[%add3A_163, %dma_wait3A_167] : memref<80x128xi32, #tpu.memory_space<vmem>> -> memref<1x128xi32, #tpu.memory_space<vmem>>
        %dma_wait3A_169 = tpu.memref_squeeze %dma_wait3A_168 : memref<1x128xi32, #tpu.memory_space<vmem>> -> memref<128xi32, #tpu.memory_space<vmem>>
        %dma_wait3A_170 = arith.constant 0 : i32
        %dma_wait3A_171 = arith.constant 0 : i32
        %dma_wait3A_172 = tpu.memref_slice %arg4[%dma_wait3A_170, %dma_wait3A_171] : memref<10000x64xf32, #tpu.memory_space<hbm>> -> memref<10000x64xf32, #tpu.memory_space<hbm>>
        tpu.wait_indirect_dma semaphore(%arg14 : memref<!tpu.dma_semaphore, #tpu.memory_space<semaphore_mem>>) src(%dma_wait3A_172 : memref<10000x64xf32, #tpu.memory_space<hbm>>) dst(%dma_wait3A_166 : memref<128x64xf32, #tpu.memory_space<vmem>>)
        %dma_start3A_173 = arith.constant 384 : i32
        %dma_start3A_174 = arith.constant 0 : i32
        %dma_start3A_175 = tpu.memref_slice %arg9[%dma_start3A_173, %dma_start3A_174] : memref<512x64xf32, #tpu.memory_space<vmem>> -> memref<128x64xf32, #tpu.memory_space<vmem>>
        %dma_start3A_176 = arith.constant 0 : i32
        %dma_start3A_177 = tpu.memref_slice %arg8[%add3A_163, %dma_start3A_176] : memref<80x128xi32, #tpu.memory_space<vmem>> -> memref<1x128xi32, #tpu.memory_space<vmem>>
        %dma_start3A_178 = tpu.memref_squeeze %dma_start3A_177 : memref<1x128xi32, #tpu.memory_space<vmem>> -> memref<128xi32, #tpu.memory_space<vmem>>
        %dma_start3A_179 = arith.constant 0 : i32
        %dma_start3A_180 = arith.constant 0 : i32
        %dma_start3A_181 = tpu.memref_slice %arg10[%dma_start3A_179, %dma_start3A_180] : memref<10112x64xf32, #tpu.memory_space<vmem_shared>> -> memref<10112x64xf32, #tpu.memory_space<vmem_shared>>
        tpu.enqueue_indirect_dma source(%dma_start3A_175 : memref<128x64xf32, #tpu.memory_space<vmem>>) target(%dma_start3A_181 : memref<10112x64xf32, #tpu.memory_space<vmem_shared>>) offsets(%dma_start3A_178 : memref<128xi32, #tpu.memory_space<vmem>>) semaphore(%arg18 : memref<!tpu.dma_semaphore, #tpu.memory_space<semaphore_mem>>) {add = true}
        %ge3A_182 = arith.constant 2 : i32
        %ge3A_183 = arith.cmpi sge, %add3A_163, %ge3A_182 : i32
        %convert_element_type3A_184 = arith.extui %ge3A_183 : i1 to i32
        %cond3A_185 = arith.constant 0 : i32
        %cond3A_186 = arith.cmpi ne, %convert_element_type3A_184, %cond3A_185 : i32
        scf.if %cond3A_186 {
          %sub3A = arith.constant 2 : i32
          %sub3A_194 = arith.subi %add3A_163, %sub3A : i32
          %dma_wait3A_195 = arith.constant 128 : i32
          %dma_wait3A_196 = arith.constant 0 : i32
          %dma_wait3A_197 = tpu.memref_slice %arg9[%dma_wait3A_195, %dma_wait3A_196] : memref<512x64xf32, #tpu.memory_space<vmem>> -> memref<128x64xf32, #tpu.memory_space<vmem>>
          %dma_wait3A_198 = arith.constant 0 : i32
          %dma_wait3A_199 = tpu.memref_slice %arg8[%sub3A_194, %dma_wait3A_198] : memref<80x128xi32, #tpu.memory_space<vmem>> -> memref<1x128xi32, #tpu.memory_space<vmem>>
          %dma_wait3A_200 = tpu.memref_squeeze %dma_wait3A_199 : memref<1x128xi32, #tpu.memory_space<vmem>> -> memref<128xi32, #tpu.memory_space<vmem>>
          %dma_wait3A_201 = arith.constant 0 : i32
          %dma_wait3A_202 = arith.constant 0 : i32
          %dma_wait3A_203 = tpu.memref_slice %arg10[%dma_wait3A_201, %dma_wait3A_202] : memref<10112x64xf32, #tpu.memory_space<vmem_shared>> -> memref<10112x64xf32, #tpu.memory_space<vmem_shared>>
          tpu.wait_indirect_dma semaphore(%arg16 : memref<!tpu.dma_semaphore, #tpu.memory_space<semaphore_mem>>) src(%dma_wait3A_197 : memref<128x64xf32, #tpu.memory_space<vmem>>) dst(%dma_wait3A_203 : memref<10112x64xf32, #tpu.memory_space<vmem_shared>>)
        } else {
        }
        %add3A_187 = arith.constant 2 : i32
        %add3A_188 = arith.addi %add3A_163, %add3A_187 : i32
        %lt3A_189 = arith.constant 80 : i32
        %lt3A_190 = arith.cmpi slt, %add3A_188, %lt3A_189 : i32
        %convert_element_type3A_191 = arith.extui %lt3A_190 : i1 to i32
        %cond3A_192 = arith.constant 0 : i32
        %cond3A_193 = arith.cmpi ne, %convert_element_type3A_191, %cond3A_192 : i32
        scf.if %cond3A_193 {
          %add3A_194 = arith.constant 2 : i32
          %add3A_195 = arith.addi %add3A_163, %add3A_194 : i32
          %dma_start3A_196 = arith.constant 128 : i32
          %dma_start3A_197 = arith.constant 0 : i32
          %dma_start3A_198 = tpu.memref_slice %arg9[%dma_start3A_196, %dma_start3A_197] : memref<512x64xf32, #tpu.memory_space<vmem>> -> memref<128x64xf32, #tpu.memory_space<vmem>>
          %dma_start3A_199 = arith.constant 0 : i32
          %dma_start3A_200 = tpu.memref_slice %arg7[%add3A_195, %dma_start3A_199] : memref<80x128xi32, #tpu.memory_space<vmem>> -> memref<1x128xi32, #tpu.memory_space<vmem>>
          %dma_start3A_201 = tpu.memref_squeeze %dma_start3A_200 : memref<1x128xi32, #tpu.memory_space<vmem>> -> memref<128xi32, #tpu.memory_space<vmem>>
          %dma_start3A_202 = arith.constant 0 : i32
          %dma_start3A_203 = arith.constant 0 : i32
          %dma_start3A_204 = tpu.memref_slice %arg4[%dma_start3A_202, %dma_start3A_203] : memref<10000x64xf32, #tpu.memory_space<hbm>> -> memref<10000x64xf32, #tpu.memory_space<hbm>>
          tpu.enqueue_indirect_dma source(%dma_start3A_204 : memref<10000x64xf32, #tpu.memory_space<hbm>>) target(%dma_start3A_198 : memref<128x64xf32, #tpu.memory_space<vmem>>) offsets(%dma_start3A_201 : memref<128xi32, #tpu.memory_space<vmem>>) semaphore(%arg12 : memref<!tpu.dma_semaphore, #tpu.memory_space<semaphore_mem>>)
        } else {
        }
      }
      %scan3A_40 = arith.constant 20 : i32
      %dma_wait3A = arith.constant 78 : i32
      %dma_wait3A_41 = arith.constant 256 : i32
      %dma_wait3A_42 = arith.constant 0 : i32
      %dma_wait3A_43 = tpu.memref_slice %arg9[%dma_wait3A_41, %dma_wait3A_42] : memref<512x64xf32, #tpu.memory_space<vmem>> -> memref<128x64xf32, #tpu.memory_space<vmem>>
      %dma_wait3A_44 = arith.constant 0 : i32
      %dma_wait3A_45 = tpu.memref_slice %arg8[%dma_wait3A, %dma_wait3A_44] : memref<80x128xi32, #tpu.memory_space<vmem>> -> memref<1x128xi32, #tpu.memory_space<vmem>>
      %dma_wait3A_46 = tpu.memref_squeeze %dma_wait3A_45 : memref<1x128xi32, #tpu.memory_space<vmem>> -> memref<128xi32, #tpu.memory_space<vmem>>
      %dma_wait3A_47 = arith.constant 0 : i32
      %dma_wait3A_48 = arith.constant 0 : i32
      %dma_wait3A_49 = tpu.memref_slice %arg10[%dma_wait3A_47, %dma_wait3A_48] : memref<10112x64xf32, #tpu.memory_space<vmem_shared>> -> memref<10112x64xf32, #tpu.memory_space<vmem_shared>>
      tpu.wait_indirect_dma semaphore(%arg17 : memref<!tpu.dma_semaphore, #tpu.memory_space<semaphore_mem>>) src(%dma_wait3A_43 : memref<128x64xf32, #tpu.memory_space<vmem>>) dst(%dma_wait3A_49 : memref<10112x64xf32, #tpu.memory_space<vmem_shared>>)
      %dma_wait3A_50 = arith.constant 79 : i32
      %dma_wait3A_51 = arith.constant 384 : i32
      %dma_wait3A_52 = arith.constant 0 : i32
      %dma_wait3A_53 = tpu.memref_slice %arg9[%dma_wait3A_51, %dma_wait3A_52] : memref<512x64xf32, #tpu.memory_space<vmem>> -> memref<128x64xf32, #tpu.memory_space<vmem>>
      %dma_wait3A_54 = arith.constant 0 : i32
      %dma_wait3A_55 = tpu.memref_slice %arg8[%dma_wait3A_50, %dma_wait3A_54] : memref<80x128xi32, #tpu.memory_space<vmem>> -> memref<1x128xi32, #tpu.memory_space<vmem>>
      %dma_wait3A_56 = tpu.memref_squeeze %dma_wait3A_55 : memref<1x128xi32, #tpu.memory_space<vmem>> -> memref<128xi32, #tpu.memory_space<vmem>>
      %dma_wait3A_57 = arith.constant 0 : i32
      %dma_wait3A_58 = arith.constant 0 : i32
      %dma_wait3A_59 = tpu.memref_slice %arg10[%dma_wait3A_57, %dma_wait3A_58] : memref<10112x64xf32, #tpu.memory_space<vmem_shared>> -> memref<10112x64xf32, #tpu.memory_space<vmem_shared>>
      tpu.wait_indirect_dma semaphore(%arg18 : memref<!tpu.dma_semaphore, #tpu.memory_space<semaphore_mem>>) src(%dma_wait3A_53 : memref<128x64xf32, #tpu.memory_space<vmem>>) dst(%dma_wait3A_59 : memref<10112x64xf32, #tpu.memory_space<vmem_shared>>)
    } else {
    }
    %eq3A_5 = arith.constant 1 : i32
    %eq3A_6 = arith.cmpi eq, %arg0, %eq3A_5 : i32
    %convert_element_type3A_7 = arith.extui %eq3A_6 : i1 to i32
    %cond3A_8 = arith.constant 0 : i32
    %cond3A_9 = arith.cmpi ne, %convert_element_type3A_7, %cond3A_8 : i32
    scf.if %cond3A_9 {
      %mul3A_15 = arith.constant 160 : i32
      %mul3A_16 = arith.muli %arg1, %mul3A_15 : i32
      %add3A = arith.constant 80 : i32
      %add3A_17 = arith.addi %mul3A_16, %add3A : i32
      "tpu.region"() ({
        %run_scoped3A = tpu.sem_alloc : memref<!tpu.dma_semaphore, #tpu.memory_space<semaphore_mem>>
        %dma_start3A_61 = arith.constant 0 : i32
        %dma_start3A_62 = arith.constant 0 : i32
        %dma_start3A_63 = tpu.memref_slice %arg7[%dma_start3A_61, %dma_start3A_62] : memref<80x128xi32, #tpu.memory_space<vmem>> -> memref<80x128xi32, #tpu.memory_space<vmem>>
        %dma_start3A_64 = arith.constant 0 : i32
        %dma_start3A_65 = tpu.memref_slice %arg2[%add3A_17, %dma_start3A_64] : memref<2560x128xi32, #tpu.memory_space<hbm>> -> memref<80x128xi32, #tpu.memory_space<hbm>>
        %dma_start3A_66 = arith.constant 0 : i32
        %dma_start3A_67 = arith.constant 0 : i32
        %dma_start3A_68 = tpu.memref_slice %arg7[%dma_start3A_66, %dma_start3A_67] : memref<80x128xi32, #tpu.memory_space<vmem>> -> memref<80x128xi32, #tpu.memory_space<vmem>>
        %dma_start3A_69 = arith.constant 0 : i32
        %dma_start3A_70 = tpu.memref_slice %arg2[%add3A_17, %dma_start3A_69] : memref<2560x128xi32, #tpu.memory_space<hbm>> -> memref<80x128xi32, #tpu.memory_space<hbm>>
        tpu.enqueue_dma source(%dma_start3A_70 : memref<80x128xi32, #tpu.memory_space<hbm>>) target(%dma_start3A_68 : memref<80x128xi32, #tpu.memory_space<vmem>>) target_semaphore(%run_scoped3A : memref<!tpu.dma_semaphore, #tpu.memory_space<semaphore_mem>>)
        %dma_wait3A_71 = arith.constant 0 : i32
        %dma_wait3A_72 = arith.constant 0 : i32
        %dma_wait3A_73 = tpu.memref_slice %arg7[%dma_wait3A_71, %dma_wait3A_72] : memref<80x128xi32, #tpu.memory_space<vmem>> -> memref<80x128xi32, #tpu.memory_space<vmem>>
        %dma_wait3A_74 = arith.constant 0 : i32
        %dma_wait3A_75 = tpu.memref_slice %arg2[%add3A_17, %dma_wait3A_74] : memref<2560x128xi32, #tpu.memory_space<hbm>> -> memref<80x128xi32, #tpu.memory_space<hbm>>
        %dma_wait3A_76 = arith.constant 0 : i32
        %dma_wait3A_77 = arith.constant 0 : i32
        %dma_wait3A_78 = tpu.memref_slice %arg7[%dma_wait3A_76, %dma_wait3A_77] : memref<80x128xi32, #tpu.memory_space<vmem>> -> memref<80x128xi32, #tpu.memory_space<vmem>>
        %dma_wait3A_79 = arith.constant 0 : i32
        %dma_wait3A_80 = tpu.memref_slice %arg2[%add3A_17, %dma_wait3A_79] : memref<2560x128xi32, #tpu.memory_space<hbm>> -> memref<80x128xi32, #tpu.memory_space<hbm>>
        tpu.wait_dma2 semaphore(%run_scoped3A : memref<!tpu.dma_semaphore, #tpu.memory_space<semaphore_mem>>) src(%dma_wait3A_80 : memref<80x128xi32, #tpu.memory_space<hbm>>) dst(%dma_wait3A_78 : memref<80x128xi32, #tpu.memory_space<vmem>>)
        tpu.yield
      }) : () -> ()
      "tpu.region"() ({
        %run_scoped3A = tpu.sem_alloc : memref<!tpu.dma_semaphore, #tpu.memory_space<semaphore_mem>>
        %dma_start3A_61 = arith.constant 0 : i32
        %dma_start3A_62 = arith.constant 0 : i32
        %dma_start3A_63 = tpu.memref_slice %arg8[%dma_start3A_61, %dma_start3A_62] : memref<80x128xi32, #tpu.memory_space<vmem>> -> memref<80x128xi32, #tpu.memory_space<vmem>>
        %dma_start3A_64 = arith.constant 0 : i32
        %dma_start3A_65 = tpu.memref_slice %arg3[%add3A_17, %dma_start3A_64] : memref<2560x128xi32, #tpu.memory_space<hbm>> -> memref<80x128xi32, #tpu.memory_space<hbm>>
        %dma_start3A_66 = arith.constant 0 : i32
        %dma_start3A_67 = arith.constant 0 : i32
        %dma_start3A_68 = tpu.memref_slice %arg8[%dma_start3A_66, %dma_start3A_67] : memref<80x128xi32, #tpu.memory_space<vmem>> -> memref<80x128xi32, #tpu.memory_space<vmem>>
        %dma_start3A_69 = arith.constant 0 : i32
        %dma_start3A_70 = tpu.memref_slice %arg3[%add3A_17, %dma_start3A_69] : memref<2560x128xi32, #tpu.memory_space<hbm>> -> memref<80x128xi32, #tpu.memory_space<hbm>>
        tpu.enqueue_dma source(%dma_start3A_70 : memref<80x128xi32, #tpu.memory_space<hbm>>) target(%dma_start3A_68 : memref<80x128xi32, #tpu.memory_space<vmem>>) target_semaphore(%run_scoped3A : memref<!tpu.dma_semaphore, #tpu.memory_space<semaphore_mem>>)
        %dma_wait3A_71 = arith.constant 0 : i32
        %dma_wait3A_72 = arith.constant 0 : i32
        %dma_wait3A_73 = tpu.memref_slice %arg8[%dma_wait3A_71, %dma_wait3A_72] : memref<80x128xi32, #tpu.memory_space<vmem>> -> memref<80x128xi32, #tpu.memory_space<vmem>>
        %dma_wait3A_74 = arith.constant 0 : i32
        %dma_wait3A_75 = tpu.memref_slice %arg3[%add3A_17, %dma_wait3A_74] : memref<2560x128xi32, #tpu.memory_space<hbm>> -> memref<80x128xi32, #tpu.memory_space<hbm>>
        %dma_wait3A_76 = arith.constant 0 : i32
        %dma_wait3A_77 = arith.constant 0 : i32
        %dma_wait3A_78 = tpu.memref_slice %arg8[%dma_wait3A_76, %dma_wait3A_77] : memref<80x128xi32, #tpu.memory_space<vmem>> -> memref<80x128xi32, #tpu.memory_space<vmem>>
        %dma_wait3A_79 = arith.constant 0 : i32
        %dma_wait3A_80 = tpu.memref_slice %arg3[%add3A_17, %dma_wait3A_79] : memref<2560x128xi32, #tpu.memory_space<hbm>> -> memref<80x128xi32, #tpu.memory_space<hbm>>
        tpu.wait_dma2 semaphore(%run_scoped3A : memref<!tpu.dma_semaphore, #tpu.memory_space<semaphore_mem>>) src(%dma_wait3A_80 : memref<80x128xi32, #tpu.memory_space<hbm>>) dst(%dma_wait3A_78 : memref<80x128xi32, #tpu.memory_space<vmem>>)
        tpu.yield
      }) : () -> ()
      %dma_start3A = arith.constant 0 : i32
      %dma_start3A_18 = arith.constant 0 : i32
      %dma_start3A_19 = arith.constant 0 : i32
      %dma_start3A_20 = tpu.memref_slice %arg9[%dma_start3A_18, %dma_start3A_19] : memref<512x64xf32, #tpu.memory_space<vmem>> -> memref<128x64xf32, #tpu.memory_space<vmem>>
      %dma_start3A_21 = arith.constant 0 : i32
      %dma_start3A_22 = tpu.memref_slice %arg7[%dma_start3A, %dma_start3A_21] : memref<80x128xi32, #tpu.memory_space<vmem>> -> memref<1x128xi32, #tpu.memory_space<vmem>>
      %dma_start3A_23 = tpu.memref_squeeze %dma_start3A_22 : memref<1x128xi32, #tpu.memory_space<vmem>> -> memref<128xi32, #tpu.memory_space<vmem>>
      %dma_start3A_24 = arith.constant 0 : i32
      %dma_start3A_25 = arith.constant 0 : i32
      %dma_start3A_26 = tpu.memref_slice %arg4[%dma_start3A_24, %dma_start3A_25] : memref<10000x64xf32, #tpu.memory_space<hbm>> -> memref<10000x64xf32, #tpu.memory_space<hbm>>
      tpu.enqueue_indirect_dma source(%dma_start3A_26 : memref<10000x64xf32, #tpu.memory_space<hbm>>) target(%dma_start3A_20 : memref<128x64xf32, #tpu.memory_space<vmem>>) offsets(%dma_start3A_23 : memref<128xi32, #tpu.memory_space<vmem>>) semaphore(%arg11 : memref<!tpu.dma_semaphore, #tpu.memory_space<semaphore_mem>>)
      %dma_start3A_27 = arith.constant 1 : i32
      %dma_start3A_28 = arith.constant 128 : i32
      %dma_start3A_29 = arith.constant 0 : i32
      %dma_start3A_30 = tpu.memref_slice %arg9[%dma_start3A_28, %dma_start3A_29] : memref<512x64xf32, #tpu.memory_space<vmem>> -> memref<128x64xf32, #tpu.memory_space<vmem>>
      %dma_start3A_31 = arith.constant 0 : i32
      %dma_start3A_32 = tpu.memref_slice %arg7[%dma_start3A_27, %dma_start3A_31] : memref<80x128xi32, #tpu.memory_space<vmem>> -> memref<1x128xi32, #tpu.memory_space<vmem>>
      %dma_start3A_33 = tpu.memref_squeeze %dma_start3A_32 : memref<1x128xi32, #tpu.memory_space<vmem>> -> memref<128xi32, #tpu.memory_space<vmem>>
      %dma_start3A_34 = arith.constant 0 : i32
      %dma_start3A_35 = arith.constant 0 : i32
      %dma_start3A_36 = tpu.memref_slice %arg4[%dma_start3A_34, %dma_start3A_35] : memref<10000x64xf32, #tpu.memory_space<hbm>> -> memref<10000x64xf32, #tpu.memory_space<hbm>>
      tpu.enqueue_indirect_dma source(%dma_start3A_36 : memref<10000x64xf32, #tpu.memory_space<hbm>>) target(%dma_start3A_30 : memref<128x64xf32, #tpu.memory_space<vmem>>) offsets(%dma_start3A_33 : memref<128xi32, #tpu.memory_space<vmem>>) semaphore(%arg12 : memref<!tpu.dma_semaphore, #tpu.memory_space<semaphore_mem>>)
      %scan3A = arith.constant 0 : i32
      %scan3A_37 = arith.constant 0 : i32
      %scan3A_38 = arith.constant 20 : i32
      %scan3A_39 = arith.addi %scan3A_37, %scan3A_38 : i32
      %scan3A_40 = arith.constant 1 : i32
      scf.for %scan3A_61 = %scan3A_37 to %scan3A_39 step %scan3A_40  : i32 {
        %mul3A_62 = arith.constant 4 : i32
        %mul3A_63 = arith.muli %mul3A_62, %scan3A_61 : i32
        %add3A_64 = arith.constant 0 : i32
        %add3A_65 = arith.addi %mul3A_63, %add3A_64 : i32
        %dma_wait3A_66 = arith.constant 0 : i32
        %dma_wait3A_67 = arith.constant 0 : i32
        %dma_wait3A_68 = tpu.memref_slice %arg9[%dma_wait3A_66, %dma_wait3A_67] : memref<512x64xf32, #tpu.memory_space<vmem>> -> memref<128x64xf32, #tpu.memory_space<vmem>>
        %dma_wait3A_69 = arith.constant 0 : i32
        %dma_wait3A_70 = tpu.memref_slice %arg7[%add3A_65, %dma_wait3A_69] : memref<80x128xi32, #tpu.memory_space<vmem>> -> memref<1x128xi32, #tpu.memory_space<vmem>>
        %dma_wait3A_71 = tpu.memref_squeeze %dma_wait3A_70 : memref<1x128xi32, #tpu.memory_space<vmem>> -> memref<128xi32, #tpu.memory_space<vmem>>
        %dma_wait3A_72 = arith.constant 0 : i32
        %dma_wait3A_73 = arith.constant 0 : i32
        %dma_wait3A_74 = tpu.memref_slice %arg4[%dma_wait3A_72, %dma_wait3A_73] : memref<10000x64xf32, #tpu.memory_space<hbm>> -> memref<10000x64xf32, #tpu.memory_space<hbm>>
        tpu.wait_indirect_dma semaphore(%arg11 : memref<!tpu.dma_semaphore, #tpu.memory_space<semaphore_mem>>) src(%dma_wait3A_74 : memref<10000x64xf32, #tpu.memory_space<hbm>>) dst(%dma_wait3A_68 : memref<128x64xf32, #tpu.memory_space<vmem>>)
        %dma_start3A_75 = arith.constant 0 : i32
        %dma_start3A_76 = arith.constant 0 : i32
        %dma_start3A_77 = tpu.memref_slice %arg9[%dma_start3A_75, %dma_start3A_76] : memref<512x64xf32, #tpu.memory_space<vmem>> -> memref<128x64xf32, #tpu.memory_space<vmem>>
        %dma_start3A_78 = arith.constant 0 : i32
        %dma_start3A_79 = tpu.memref_slice %arg8[%add3A_65, %dma_start3A_78] : memref<80x128xi32, #tpu.memory_space<vmem>> -> memref<1x128xi32, #tpu.memory_space<vmem>>
        %dma_start3A_80 = tpu.memref_squeeze %dma_start3A_79 : memref<1x128xi32, #tpu.memory_space<vmem>> -> memref<128xi32, #tpu.memory_space<vmem>>
        %dma_start3A_81 = arith.constant 0 : i32
        %dma_start3A_82 = arith.constant 0 : i32
        %dma_start3A_83 = tpu.memref_slice %arg10[%dma_start3A_81, %dma_start3A_82] : memref<10112x64xf32, #tpu.memory_space<vmem_shared>> -> memref<10112x64xf32, #tpu.memory_space<vmem_shared>>
        tpu.enqueue_indirect_dma source(%dma_start3A_77 : memref<128x64xf32, #tpu.memory_space<vmem>>) target(%dma_start3A_83 : memref<10112x64xf32, #tpu.memory_space<vmem_shared>>) offsets(%dma_start3A_80 : memref<128xi32, #tpu.memory_space<vmem>>) semaphore(%arg15 : memref<!tpu.dma_semaphore, #tpu.memory_space<semaphore_mem>>) {add = true}
        %ge3A = arith.constant 2 : i32
        %ge3A_84 = arith.cmpi sge, %add3A_65, %ge3A : i32
        %convert_element_type3A_85 = arith.extui %ge3A_84 : i1 to i32
        %cond3A_86 = arith.constant 0 : i32
        %cond3A_87 = arith.cmpi ne, %convert_element_type3A_85, %cond3A_86 : i32
        scf.if %cond3A_87 {
          %sub3A = arith.constant 2 : i32
          %sub3A_196 = arith.subi %add3A_65, %sub3A : i32
          %dma_wait3A_197 = arith.constant 256 : i32
          %dma_wait3A_198 = arith.constant 0 : i32
          %dma_wait3A_199 = tpu.memref_slice %arg9[%dma_wait3A_197, %dma_wait3A_198] : memref<512x64xf32, #tpu.memory_space<vmem>> -> memref<128x64xf32, #tpu.memory_space<vmem>>
          %dma_wait3A_200 = arith.constant 0 : i32
          %dma_wait3A_201 = tpu.memref_slice %arg8[%sub3A_196, %dma_wait3A_200] : memref<80x128xi32, #tpu.memory_space<vmem>> -> memref<1x128xi32, #tpu.memory_space<vmem>>
          %dma_wait3A_202 = tpu.memref_squeeze %dma_wait3A_201 : memref<1x128xi32, #tpu.memory_space<vmem>> -> memref<128xi32, #tpu.memory_space<vmem>>
          %dma_wait3A_203 = arith.constant 0 : i32
          %dma_wait3A_204 = arith.constant 0 : i32
          %dma_wait3A_205 = tpu.memref_slice %arg10[%dma_wait3A_203, %dma_wait3A_204] : memref<10112x64xf32, #tpu.memory_space<vmem_shared>> -> memref<10112x64xf32, #tpu.memory_space<vmem_shared>>
          tpu.wait_indirect_dma semaphore(%arg17 : memref<!tpu.dma_semaphore, #tpu.memory_space<semaphore_mem>>) src(%dma_wait3A_199 : memref<128x64xf32, #tpu.memory_space<vmem>>) dst(%dma_wait3A_205 : memref<10112x64xf32, #tpu.memory_space<vmem_shared>>)
        } else {
        }
        %add3A_88 = arith.constant 2 : i32
        %add3A_89 = arith.addi %add3A_65, %add3A_88 : i32
        %lt3A = arith.constant 80 : i32
        %lt3A_90 = arith.cmpi slt, %add3A_89, %lt3A : i32
        %convert_element_type3A_91 = arith.extui %lt3A_90 : i1 to i32
        %cond3A_92 = arith.constant 0 : i32
        %cond3A_93 = arith.cmpi ne, %convert_element_type3A_91, %cond3A_92 : i32
        scf.if %cond3A_93 {
          %add3A_196 = arith.constant 2 : i32
          %add3A_197 = arith.addi %add3A_65, %add3A_196 : i32
          %dma_start3A_198 = arith.constant 256 : i32
          %dma_start3A_199 = arith.constant 0 : i32
          %dma_start3A_200 = tpu.memref_slice %arg9[%dma_start3A_198, %dma_start3A_199] : memref<512x64xf32, #tpu.memory_space<vmem>> -> memref<128x64xf32, #tpu.memory_space<vmem>>
          %dma_start3A_201 = arith.constant 0 : i32
          %dma_start3A_202 = tpu.memref_slice %arg7[%add3A_197, %dma_start3A_201] : memref<80x128xi32, #tpu.memory_space<vmem>> -> memref<1x128xi32, #tpu.memory_space<vmem>>
          %dma_start3A_203 = tpu.memref_squeeze %dma_start3A_202 : memref<1x128xi32, #tpu.memory_space<vmem>> -> memref<128xi32, #tpu.memory_space<vmem>>
          %dma_start3A_204 = arith.constant 0 : i32
          %dma_start3A_205 = arith.constant 0 : i32
          %dma_start3A_206 = tpu.memref_slice %arg4[%dma_start3A_204, %dma_start3A_205] : memref<10000x64xf32, #tpu.memory_space<hbm>> -> memref<10000x64xf32, #tpu.memory_space<hbm>>
          tpu.enqueue_indirect_dma source(%dma_start3A_206 : memref<10000x64xf32, #tpu.memory_space<hbm>>) target(%dma_start3A_200 : memref<128x64xf32, #tpu.memory_space<vmem>>) offsets(%dma_start3A_203 : memref<128xi32, #tpu.memory_space<vmem>>) semaphore(%arg13 : memref<!tpu.dma_semaphore, #tpu.memory_space<semaphore_mem>>)
        } else {
        }
        %mul3A_94 = arith.constant 4 : i32
        %mul3A_95 = arith.muli %mul3A_94, %scan3A_61 : i32
        %add3A_96 = arith.constant 1 : i32
        %add3A_97 = arith.addi %mul3A_95, %add3A_96 : i32
        %dma_wait3A_98 = arith.constant 128 : i32
        %dma_wait3A_99 = arith.constant 0 : i32
        %dma_wait3A_100 = tpu.memref_slice %arg9[%dma_wait3A_98, %dma_wait3A_99] : memref<512x64xf32, #tpu.memory_space<vmem>> -> memref<128x64xf32, #tpu.memory_space<vmem>>
        %dma_wait3A_101 = arith.constant 0 : i32
        %dma_wait3A_102 = tpu.memref_slice %arg7[%add3A_97, %dma_wait3A_101] : memref<80x128xi32, #tpu.memory_space<vmem>> -> memref<1x128xi32, #tpu.memory_space<vmem>>
        %dma_wait3A_103 = tpu.memref_squeeze %dma_wait3A_102 : memref<1x128xi32, #tpu.memory_space<vmem>> -> memref<128xi32, #tpu.memory_space<vmem>>
        %dma_wait3A_104 = arith.constant 0 : i32
        %dma_wait3A_105 = arith.constant 0 : i32
        %dma_wait3A_106 = tpu.memref_slice %arg4[%dma_wait3A_104, %dma_wait3A_105] : memref<10000x64xf32, #tpu.memory_space<hbm>> -> memref<10000x64xf32, #tpu.memory_space<hbm>>
        tpu.wait_indirect_dma semaphore(%arg12 : memref<!tpu.dma_semaphore, #tpu.memory_space<semaphore_mem>>) src(%dma_wait3A_106 : memref<10000x64xf32, #tpu.memory_space<hbm>>) dst(%dma_wait3A_100 : memref<128x64xf32, #tpu.memory_space<vmem>>)
        %dma_start3A_107 = arith.constant 128 : i32
        %dma_start3A_108 = arith.constant 0 : i32
        %dma_start3A_109 = tpu.memref_slice %arg9[%dma_start3A_107, %dma_start3A_108] : memref<512x64xf32, #tpu.memory_space<vmem>> -> memref<128x64xf32, #tpu.memory_space<vmem>>
        %dma_start3A_110 = arith.constant 0 : i32
        %dma_start3A_111 = tpu.memref_slice %arg8[%add3A_97, %dma_start3A_110] : memref<80x128xi32, #tpu.memory_space<vmem>> -> memref<1x128xi32, #tpu.memory_space<vmem>>
        %dma_start3A_112 = tpu.memref_squeeze %dma_start3A_111 : memref<1x128xi32, #tpu.memory_space<vmem>> -> memref<128xi32, #tpu.memory_space<vmem>>
        %dma_start3A_113 = arith.constant 0 : i32
        %dma_start3A_114 = arith.constant 0 : i32
        %dma_start3A_115 = tpu.memref_slice %arg10[%dma_start3A_113, %dma_start3A_114] : memref<10112x64xf32, #tpu.memory_space<vmem_shared>> -> memref<10112x64xf32, #tpu.memory_space<vmem_shared>>
        tpu.enqueue_indirect_dma source(%dma_start3A_109 : memref<128x64xf32, #tpu.memory_space<vmem>>) target(%dma_start3A_115 : memref<10112x64xf32, #tpu.memory_space<vmem_shared>>) offsets(%dma_start3A_112 : memref<128xi32, #tpu.memory_space<vmem>>) semaphore(%arg16 : memref<!tpu.dma_semaphore, #tpu.memory_space<semaphore_mem>>) {add = true}
        %ge3A_116 = arith.constant 2 : i32
        %ge3A_117 = arith.cmpi sge, %add3A_97, %ge3A_116 : i32
        %convert_element_type3A_118 = arith.extui %ge3A_117 : i1 to i32
        %cond3A_119 = arith.constant 0 : i32
        %cond3A_120 = arith.cmpi ne, %convert_element_type3A_118, %cond3A_119 : i32
        scf.if %cond3A_120 {
          %sub3A = arith.constant 2 : i32
          %sub3A_196 = arith.subi %add3A_97, %sub3A : i32
          %dma_wait3A_197 = arith.constant 384 : i32
          %dma_wait3A_198 = arith.constant 0 : i32
          %dma_wait3A_199 = tpu.memref_slice %arg9[%dma_wait3A_197, %dma_wait3A_198] : memref<512x64xf32, #tpu.memory_space<vmem>> -> memref<128x64xf32, #tpu.memory_space<vmem>>
          %dma_wait3A_200 = arith.constant 0 : i32
          %dma_wait3A_201 = tpu.memref_slice %arg8[%sub3A_196, %dma_wait3A_200] : memref<80x128xi32, #tpu.memory_space<vmem>> -> memref<1x128xi32, #tpu.memory_space<vmem>>
          %dma_wait3A_202 = tpu.memref_squeeze %dma_wait3A_201 : memref<1x128xi32, #tpu.memory_space<vmem>> -> memref<128xi32, #tpu.memory_space<vmem>>
          %dma_wait3A_203 = arith.constant 0 : i32
          %dma_wait3A_204 = arith.constant 0 : i32
          %dma_wait3A_205 = tpu.memref_slice %arg10[%dma_wait3A_203, %dma_wait3A_204] : memref<10112x64xf32, #tpu.memory_space<vmem_shared>> -> memref<10112x64xf32, #tpu.memory_space<vmem_shared>>
          tpu.wait_indirect_dma semaphore(%arg18 : memref<!tpu.dma_semaphore, #tpu.memory_space<semaphore_mem>>) src(%dma_wait3A_199 : memref<128x64xf32, #tpu.memory_space<vmem>>) dst(%dma_wait3A_205 : memref<10112x64xf32, #tpu.memory_space<vmem_shared>>)
        } else {
        }
        %add3A_121 = arith.constant 2 : i32
        %add3A_122 = arith.addi %add3A_97, %add3A_121 : i32
        %lt3A_123 = arith.constant 80 : i32
        %lt3A_124 = arith.cmpi slt, %add3A_122, %lt3A_123 : i32
        %convert_element_type3A_125 = arith.extui %lt3A_124 : i1 to i32
        %cond3A_126 = arith.constant 0 : i32
        %cond3A_127 = arith.cmpi ne, %convert_element_type3A_125, %cond3A_126 : i32
        scf.if %cond3A_127 {
          %add3A_196 = arith.constant 2 : i32
          %add3A_197 = arith.addi %add3A_97, %add3A_196 : i32
          %dma_start3A_198 = arith.constant 384 : i32
          %dma_start3A_199 = arith.constant 0 : i32
          %dma_start3A_200 = tpu.memref_slice %arg9[%dma_start3A_198, %dma_start3A_199] : memref<512x64xf32, #tpu.memory_space<vmem>> -> memref<128x64xf32, #tpu.memory_space<vmem>>
          %dma_start3A_201 = arith.constant 0 : i32
          %dma_start3A_202 = tpu.memref_slice %arg7[%add3A_197, %dma_start3A_201] : memref<80x128xi32, #tpu.memory_space<vmem>> -> memref<1x128xi32, #tpu.memory_space<vmem>>
          %dma_start3A_203 = tpu.memref_squeeze %dma_start3A_202 : memref<1x128xi32, #tpu.memory_space<vmem>> -> memref<128xi32, #tpu.memory_space<vmem>>
          %dma_start3A_204 = arith.constant 0 : i32
          %dma_start3A_205 = arith.constant 0 : i32
          %dma_start3A_206 = tpu.memref_slice %arg4[%dma_start3A_204, %dma_start3A_205] : memref<10000x64xf32, #tpu.memory_space<hbm>> -> memref<10000x64xf32, #tpu.memory_space<hbm>>
          tpu.enqueue_indirect_dma source(%dma_start3A_206 : memref<10000x64xf32, #tpu.memory_space<hbm>>) target(%dma_start3A_200 : memref<128x64xf32, #tpu.memory_space<vmem>>) offsets(%dma_start3A_203 : memref<128xi32, #tpu.memory_space<vmem>>) semaphore(%arg14 : memref<!tpu.dma_semaphore, #tpu.memory_space<semaphore_mem>>)
        } else {
        }
        %mul3A_128 = arith.constant 4 : i32
        %mul3A_129 = arith.muli %mul3A_128, %scan3A_61 : i32
        %add3A_130 = arith.constant 2 : i32
        %add3A_131 = arith.addi %mul3A_129, %add3A_130 : i32
        %dma_wait3A_132 = arith.constant 256 : i32
        %dma_wait3A_133 = arith.constant 0 : i32
        %dma_wait3A_134 = tpu.memref_slice %arg9[%dma_wait3A_132, %dma_wait3A_133] : memref<512x64xf32, #tpu.memory_space<vmem>> -> memref<128x64xf32, #tpu.memory_space<vmem>>
        %dma_wait3A_135 = arith.constant 0 : i32
        %dma_wait3A_136 = tpu.memref_slice %arg7[%add3A_131, %dma_wait3A_135] : memref<80x128xi32, #tpu.memory_space<vmem>> -> memref<1x128xi32, #tpu.memory_space<vmem>>
        %dma_wait3A_137 = tpu.memref_squeeze %dma_wait3A_136 : memref<1x128xi32, #tpu.memory_space<vmem>> -> memref<128xi32, #tpu.memory_space<vmem>>
        %dma_wait3A_138 = arith.constant 0 : i32
        %dma_wait3A_139 = arith.constant 0 : i32
        %dma_wait3A_140 = tpu.memref_slice %arg4[%dma_wait3A_138, %dma_wait3A_139] : memref<10000x64xf32, #tpu.memory_space<hbm>> -> memref<10000x64xf32, #tpu.memory_space<hbm>>
        tpu.wait_indirect_dma semaphore(%arg13 : memref<!tpu.dma_semaphore, #tpu.memory_space<semaphore_mem>>) src(%dma_wait3A_140 : memref<10000x64xf32, #tpu.memory_space<hbm>>) dst(%dma_wait3A_134 : memref<128x64xf32, #tpu.memory_space<vmem>>)
        %dma_start3A_141 = arith.constant 256 : i32
        %dma_start3A_142 = arith.constant 0 : i32
        %dma_start3A_143 = tpu.memref_slice %arg9[%dma_start3A_141, %dma_start3A_142] : memref<512x64xf32, #tpu.memory_space<vmem>> -> memref<128x64xf32, #tpu.memory_space<vmem>>
        %dma_start3A_144 = arith.constant 0 : i32
        %dma_start3A_145 = tpu.memref_slice %arg8[%add3A_131, %dma_start3A_144] : memref<80x128xi32, #tpu.memory_space<vmem>> -> memref<1x128xi32, #tpu.memory_space<vmem>>
        %dma_start3A_146 = tpu.memref_squeeze %dma_start3A_145 : memref<1x128xi32, #tpu.memory_space<vmem>> -> memref<128xi32, #tpu.memory_space<vmem>>
        %dma_start3A_147 = arith.constant 0 : i32
        %dma_start3A_148 = arith.constant 0 : i32
        %dma_start3A_149 = tpu.memref_slice %arg10[%dma_start3A_147, %dma_start3A_148] : memref<10112x64xf32, #tpu.memory_space<vmem_shared>> -> memref<10112x64xf32, #tpu.memory_space<vmem_shared>>
        tpu.enqueue_indirect_dma source(%dma_start3A_143 : memref<128x64xf32, #tpu.memory_space<vmem>>) target(%dma_start3A_149 : memref<10112x64xf32, #tpu.memory_space<vmem_shared>>) offsets(%dma_start3A_146 : memref<128xi32, #tpu.memory_space<vmem>>) semaphore(%arg17 : memref<!tpu.dma_semaphore, #tpu.memory_space<semaphore_mem>>) {add = true}
        %ge3A_150 = arith.constant 2 : i32
        %ge3A_151 = arith.cmpi sge, %add3A_131, %ge3A_150 : i32
        %convert_element_type3A_152 = arith.extui %ge3A_151 : i1 to i32
        %cond3A_153 = arith.constant 0 : i32
        %cond3A_154 = arith.cmpi ne, %convert_element_type3A_152, %cond3A_153 : i32
        scf.if %cond3A_154 {
          %sub3A = arith.constant 2 : i32
          %sub3A_196 = arith.subi %add3A_131, %sub3A : i32
          %dma_wait3A_197 = arith.constant 0 : i32
          %dma_wait3A_198 = arith.constant 0 : i32
          %dma_wait3A_199 = tpu.memref_slice %arg9[%dma_wait3A_197, %dma_wait3A_198] : memref<512x64xf32, #tpu.memory_space<vmem>> -> memref<128x64xf32, #tpu.memory_space<vmem>>
          %dma_wait3A_200 = arith.constant 0 : i32
          %dma_wait3A_201 = tpu.memref_slice %arg8[%sub3A_196, %dma_wait3A_200] : memref<80x128xi32, #tpu.memory_space<vmem>> -> memref<1x128xi32, #tpu.memory_space<vmem>>
          %dma_wait3A_202 = tpu.memref_squeeze %dma_wait3A_201 : memref<1x128xi32, #tpu.memory_space<vmem>> -> memref<128xi32, #tpu.memory_space<vmem>>
          %dma_wait3A_203 = arith.constant 0 : i32
          %dma_wait3A_204 = arith.constant 0 : i32
          %dma_wait3A_205 = tpu.memref_slice %arg10[%dma_wait3A_203, %dma_wait3A_204] : memref<10112x64xf32, #tpu.memory_space<vmem_shared>> -> memref<10112x64xf32, #tpu.memory_space<vmem_shared>>
          tpu.wait_indirect_dma semaphore(%arg15 : memref<!tpu.dma_semaphore, #tpu.memory_space<semaphore_mem>>) src(%dma_wait3A_199 : memref<128x64xf32, #tpu.memory_space<vmem>>) dst(%dma_wait3A_205 : memref<10112x64xf32, #tpu.memory_space<vmem_shared>>)
        } else {
        }
        %add3A_155 = arith.constant 2 : i32
        %add3A_156 = arith.addi %add3A_131, %add3A_155 : i32
        %lt3A_157 = arith.constant 80 : i32
        %lt3A_158 = arith.cmpi slt, %add3A_156, %lt3A_157 : i32
        %convert_element_type3A_159 = arith.extui %lt3A_158 : i1 to i32
        %cond3A_160 = arith.constant 0 : i32
        %cond3A_161 = arith.cmpi ne, %convert_element_type3A_159, %cond3A_160 : i32
        scf.if %cond3A_161 {
          %add3A_196 = arith.constant 2 : i32
          %add3A_197 = arith.addi %add3A_131, %add3A_196 : i32
          %dma_start3A_198 = arith.constant 0 : i32
          %dma_start3A_199 = arith.constant 0 : i32
          %dma_start3A_200 = tpu.memref_slice %arg9[%dma_start3A_198, %dma_start3A_199] : memref<512x64xf32, #tpu.memory_space<vmem>> -> memref<128x64xf32, #tpu.memory_space<vmem>>
          %dma_start3A_201 = arith.constant 0 : i32
          %dma_start3A_202 = tpu.memref_slice %arg7[%add3A_197, %dma_start3A_201] : memref<80x128xi32, #tpu.memory_space<vmem>> -> memref<1x128xi32, #tpu.memory_space<vmem>>
          %dma_start3A_203 = tpu.memref_squeeze %dma_start3A_202 : memref<1x128xi32, #tpu.memory_space<vmem>> -> memref<128xi32, #tpu.memory_space<vmem>>
          %dma_start3A_204 = arith.constant 0 : i32
          %dma_start3A_205 = arith.constant 0 : i32
          %dma_start3A_206 = tpu.memref_slice %arg4[%dma_start3A_204, %dma_start3A_205] : memref<10000x64xf32, #tpu.memory_space<hbm>> -> memref<10000x64xf32, #tpu.memory_space<hbm>>
          tpu.enqueue_indirect_dma source(%dma_start3A_206 : memref<10000x64xf32, #tpu.memory_space<hbm>>) target(%dma_start3A_200 : memref<128x64xf32, #tpu.memory_space<vmem>>) offsets(%dma_start3A_203 : memref<128xi32, #tpu.memory_space<vmem>>) semaphore(%arg11 : memref<!tpu.dma_semaphore, #tpu.memory_space<semaphore_mem>>)
        } else {
        }
        %mul3A_162 = arith.constant 4 : i32
        %mul3A_163 = arith.muli %mul3A_162, %scan3A_61 : i32
        %add3A_164 = arith.constant 3 : i32
        %add3A_165 = arith.addi %mul3A_163, %add3A_164 : i32
        %dma_wait3A_166 = arith.constant 384 : i32
        %dma_wait3A_167 = arith.constant 0 : i32
        %dma_wait3A_168 = tpu.memref_slice %arg9[%dma_wait3A_166, %dma_wait3A_167] : memref<512x64xf32, #tpu.memory_space<vmem>> -> memref<128x64xf32, #tpu.memory_space<vmem>>
        %dma_wait3A_169 = arith.constant 0 : i32
        %dma_wait3A_170 = tpu.memref_slice %arg7[%add3A_165, %dma_wait3A_169] : memref<80x128xi32, #tpu.memory_space<vmem>> -> memref<1x128xi32, #tpu.memory_space<vmem>>
        %dma_wait3A_171 = tpu.memref_squeeze %dma_wait3A_170 : memref<1x128xi32, #tpu.memory_space<vmem>> -> memref<128xi32, #tpu.memory_space<vmem>>
        %dma_wait3A_172 = arith.constant 0 : i32
        %dma_wait3A_173 = arith.constant 0 : i32
        %dma_wait3A_174 = tpu.memref_slice %arg4[%dma_wait3A_172, %dma_wait3A_173] : memref<10000x64xf32, #tpu.memory_space<hbm>> -> memref<10000x64xf32, #tpu.memory_space<hbm>>
        tpu.wait_indirect_dma semaphore(%arg14 : memref<!tpu.dma_semaphore, #tpu.memory_space<semaphore_mem>>) src(%dma_wait3A_174 : memref<10000x64xf32, #tpu.memory_space<hbm>>) dst(%dma_wait3A_168 : memref<128x64xf32, #tpu.memory_space<vmem>>)
        %dma_start3A_175 = arith.constant 384 : i32
        %dma_start3A_176 = arith.constant 0 : i32
        %dma_start3A_177 = tpu.memref_slice %arg9[%dma_start3A_175, %dma_start3A_176] : memref<512x64xf32, #tpu.memory_space<vmem>> -> memref<128x64xf32, #tpu.memory_space<vmem>>
        %dma_start3A_178 = arith.constant 0 : i32
        %dma_start3A_179 = tpu.memref_slice %arg8[%add3A_165, %dma_start3A_178] : memref<80x128xi32, #tpu.memory_space<vmem>> -> memref<1x128xi32, #tpu.memory_space<vmem>>
        %dma_start3A_180 = tpu.memref_squeeze %dma_start3A_179 : memref<1x128xi32, #tpu.memory_space<vmem>> -> memref<128xi32, #tpu.memory_space<vmem>>
        %dma_start3A_181 = arith.constant 0 : i32
        %dma_start3A_182 = arith.constant 0 : i32
        %dma_start3A_183 = tpu.memref_slice %arg10[%dma_start3A_181, %dma_start3A_182] : memref<10112x64xf32, #tpu.memory_space<vmem_shared>> -> memref<10112x64xf32, #tpu.memory_space<vmem_shared>>
        tpu.enqueue_indirect_dma source(%dma_start3A_177 : memref<128x64xf32, #tpu.memory_space<vmem>>) target(%dma_start3A_183 : memref<10112x64xf32, #tpu.memory_space<vmem_shared>>) offsets(%dma_start3A_180 : memref<128xi32, #tpu.memory_space<vmem>>) semaphore(%arg18 : memref<!tpu.dma_semaphore, #tpu.memory_space<semaphore_mem>>) {add = true}
        %ge3A_184 = arith.constant 2 : i32
        %ge3A_185 = arith.cmpi sge, %add3A_165, %ge3A_184 : i32
        %convert_element_type3A_186 = arith.extui %ge3A_185 : i1 to i32
        %cond3A_187 = arith.constant 0 : i32
        %cond3A_188 = arith.cmpi ne, %convert_element_type3A_186, %cond3A_187 : i32
        scf.if %cond3A_188 {
          %sub3A = arith.constant 2 : i32
          %sub3A_196 = arith.subi %add3A_165, %sub3A : i32
          %dma_wait3A_197 = arith.constant 128 : i32
          %dma_wait3A_198 = arith.constant 0 : i32
          %dma_wait3A_199 = tpu.memref_slice %arg9[%dma_wait3A_197, %dma_wait3A_198] : memref<512x64xf32, #tpu.memory_space<vmem>> -> memref<128x64xf32, #tpu.memory_space<vmem>>
          %dma_wait3A_200 = arith.constant 0 : i32
          %dma_wait3A_201 = tpu.memref_slice %arg8[%sub3A_196, %dma_wait3A_200] : memref<80x128xi32, #tpu.memory_space<vmem>> -> memref<1x128xi32, #tpu.memory_space<vmem>>
          %dma_wait3A_202 = tpu.memref_squeeze %dma_wait3A_201 : memref<1x128xi32, #tpu.memory_space<vmem>> -> memref<128xi32, #tpu.memory_space<vmem>>
          %dma_wait3A_203 = arith.constant 0 : i32
          %dma_wait3A_204 = arith.constant 0 : i32
          %dma_wait3A_205 = tpu.memref_slice %arg10[%dma_wait3A_203, %dma_wait3A_204] : memref<10112x64xf32, #tpu.memory_space<vmem_shared>> -> memref<10112x64xf32, #tpu.memory_space<vmem_shared>>
          tpu.wait_indirect_dma semaphore(%arg16 : memref<!tpu.dma_semaphore, #tpu.memory_space<semaphore_mem>>) src(%dma_wait3A_199 : memref<128x64xf32, #tpu.memory_space<vmem>>) dst(%dma_wait3A_205 : memref<10112x64xf32, #tpu.memory_space<vmem_shared>>)
        } else {
        }
        %add3A_189 = arith.constant 2 : i32
        %add3A_190 = arith.addi %add3A_165, %add3A_189 : i32
        %lt3A_191 = arith.constant 80 : i32
        %lt3A_192 = arith.cmpi slt, %add3A_190, %lt3A_191 : i32
        %convert_element_type3A_193 = arith.extui %lt3A_192 : i1 to i32
        %cond3A_194 = arith.constant 0 : i32
        %cond3A_195 = arith.cmpi ne, %convert_element_type3A_193, %cond3A_194 : i32
        scf.if %cond3A_195 {
          %add3A_196 = arith.constant 2 : i32
          %add3A_197 = arith.addi %add3A_165, %add3A_196 : i32
          %dma_start3A_198 = arith.constant 128 : i32
          %dma_start3A_199 = arith.constant 0 : i32
          %dma_start3A_200 = tpu.memref_slice %arg9[%dma_start3A_198, %dma_start3A_199] : memref<512x64xf32, #tpu.memory_space<vmem>> -> memref<128x64xf32, #tpu.memory_space<vmem>>
          %dma_start3A_201 = arith.constant 0 : i32
          %dma_start3A_202 = tpu.memref_slice %arg7[%add3A_197, %dma_start3A_201] : memref<80x128xi32, #tpu.memory_space<vmem>> -> memref<1x128xi32, #tpu.memory_space<vmem>>
          %dma_start3A_203 = tpu.memref_squeeze %dma_start3A_202 : memref<1x128xi32, #tpu.memory_space<vmem>> -> memref<128xi32, #tpu.memory_space<vmem>>
          %dma_start3A_204 = arith.constant 0 : i32
          %dma_start3A_205 = arith.constant 0 : i32
          %dma_start3A_206 = tpu.memref_slice %arg4[%dma_start3A_204, %dma_start3A_205] : memref<10000x64xf32, #tpu.memory_space<hbm>> -> memref<10000x64xf32, #tpu.memory_space<hbm>>
          tpu.enqueue_indirect_dma source(%dma_start3A_206 : memref<10000x64xf32, #tpu.memory_space<hbm>>) target(%dma_start3A_200 : memref<128x64xf32, #tpu.memory_space<vmem>>) offsets(%dma_start3A_203 : memref<128xi32, #tpu.memory_space<vmem>>) semaphore(%arg12 : memref<!tpu.dma_semaphore, #tpu.memory_space<semaphore_mem>>)
        } else {
        }
      }
      %scan3A_41 = arith.constant 20 : i32
      %dma_wait3A = arith.constant 78 : i32
      %dma_wait3A_42 = arith.constant 256 : i32
      %dma_wait3A_43 = arith.constant 0 : i32
      %dma_wait3A_44 = tpu.memref_slice %arg9[%dma_wait3A_42, %dma_wait3A_43] : memref<512x64xf32, #tpu.memory_space<vmem>> -> memref<128x64xf32, #tpu.memory_space<vmem>>
      %dma_wait3A_45 = arith.constant 0 : i32
      %dma_wait3A_46 = tpu.memref_slice %arg8[%dma_wait3A, %dma_wait3A_45] : memref<80x128xi32, #tpu.memory_space<vmem>> -> memref<1x128xi32, #tpu.memory_space<vmem>>
      %dma_wait3A_47 = tpu.memref_squeeze %dma_wait3A_46 : memref<1x128xi32, #tpu.memory_space<vmem>> -> memref<128xi32, #tpu.memory_space<vmem>>
      %dma_wait3A_48 = arith.constant 0 : i32
      %dma_wait3A_49 = arith.constant 0 : i32
      %dma_wait3A_50 = tpu.memref_slice %arg10[%dma_wait3A_48, %dma_wait3A_49] : memref<10112x64xf32, #tpu.memory_space<vmem_shared>> -> memref<10112x64xf32, #tpu.memory_space<vmem_shared>>
      tpu.wait_indirect_dma semaphore(%arg17 : memref<!tpu.dma_semaphore, #tpu.memory_space<semaphore_mem>>) src(%dma_wait3A_44 : memref<128x64xf32, #tpu.memory_space<vmem>>) dst(%dma_wait3A_50 : memref<10112x64xf32, #tpu.memory_space<vmem_shared>>)
      %dma_wait3A_51 = arith.constant 79 : i32
      %dma_wait3A_52 = arith.constant 384 : i32
      %dma_wait3A_53 = arith.constant 0 : i32
      %dma_wait3A_54 = tpu.memref_slice %arg9[%dma_wait3A_52, %dma_wait3A_53] : memref<512x64xf32, #tpu.memory_space<vmem>> -> memref<128x64xf32, #tpu.memory_space<vmem>>
      %dma_wait3A_55 = arith.constant 0 : i32
      %dma_wait3A_56 = tpu.memref_slice %arg8[%dma_wait3A_51, %dma_wait3A_55] : memref<80x128xi32, #tpu.memory_space<vmem>> -> memref<1x128xi32, #tpu.memory_space<vmem>>
      %dma_wait3A_57 = tpu.memref_squeeze %dma_wait3A_56 : memref<1x128xi32, #tpu.memory_space<vmem>> -> memref<128xi32, #tpu.memory_space<vmem>>
      %dma_wait3A_58 = arith.constant 0 : i32
      %dma_wait3A_59 = arith.constant 0 : i32
      %dma_wait3A_60 = tpu.memref_slice %arg10[%dma_wait3A_58, %dma_wait3A_59] : memref<10112x64xf32, #tpu.memory_space<vmem_shared>> -> memref<10112x64xf32, #tpu.memory_space<vmem_shared>>
      tpu.wait_indirect_dma semaphore(%arg18 : memref<!tpu.dma_semaphore, #tpu.memory_space<semaphore_mem>>) src(%dma_wait3A_54 : memref<128x64xf32, #tpu.memory_space<vmem>>) dst(%dma_wait3A_60 : memref<10112x64xf32, #tpu.memory_space<vmem_shared>>)
    } else {
    }
    %barrier3A_10 = arith.constant 0 : index
    tpu.barrier barrier_id(%barrier3A_10)
    %mul3A_11 = arith.constant 632 : i32
    %mul3A_12 = arith.muli %arg1, %mul3A_11 : i32
    %mul3A_13 = arith.constant 632 : i32
    %mul3A_14 = arith.muli %arg1, %mul3A_13 : i32
    "tpu.region"() ({
      %run_scoped3A = tpu.sem_alloc : memref<!tpu.dma_semaphore, #tpu.memory_space<semaphore_mem>>
      %dma_start3A = arith.constant 0 : i32
      %dma_start3A_15 = tpu.memref_slice %arg6[%arg0, %mul3A_14, %dma_start3A] : memref<2x10112x64xf32, #tpu.memory_space<hbm>> -> memref<1x632x64xf32, #tpu.memory_space<hbm>>
      %dma_start3A_16 = tpu.memref_squeeze %dma_start3A_15 : memref<1x632x64xf32, #tpu.memory_space<hbm>> -> memref<632x64xf32, #tpu.memory_space<hbm>>
      %dma_start3A_17 = arith.constant 0 : i32
      %dma_start3A_18 = tpu.memref_slice %arg10[%mul3A_12, %dma_start3A_17] : memref<10112x64xf32, #tpu.memory_space<vmem_shared>> -> memref<632x64xf32, #tpu.memory_space<vmem_shared>>
      tpu.enqueue_dma source(%dma_start3A_18 : memref<632x64xf32, #tpu.memory_space<vmem_shared>>) target(%dma_start3A_16 : memref<632x64xf32, #tpu.memory_space<hbm>>) target_semaphore(%run_scoped3A : memref<!tpu.dma_semaphore, #tpu.memory_space<semaphore_mem>>)
      %dma_wait3A = arith.constant 0 : i32
      %dma_wait3A_19 = tpu.memref_slice %arg6[%arg0, %mul3A_14, %dma_wait3A] : memref<2x10112x64xf32, #tpu.memory_space<hbm>> -> memref<1x632x64xf32, #tpu.memory_space<hbm>>
      %dma_wait3A_20 = tpu.memref_squeeze %dma_wait3A_19 : memref<1x632x64xf32, #tpu.memory_space<hbm>> -> memref<632x64xf32, #tpu.memory_space<hbm>>
      %dma_wait3A_21 = arith.constant 0 : i32
      %dma_wait3A_22 = tpu.memref_slice %arg10[%mul3A_12, %dma_wait3A_21] : memref<10112x64xf32, #tpu.memory_space<vmem_shared>> -> memref<632x64xf32, #tpu.memory_space<vmem_shared>>
      tpu.wait_dma2 semaphore(%run_scoped3A : memref<!tpu.dma_semaphore, #tpu.memory_space<semaphore_mem>>) src(%dma_wait3A_22 : memref<632x64xf32, #tpu.memory_space<vmem_shared>>) dst(%dma_wait3A_20 : memref<632x64xf32, #tpu.memory_space<hbm>>)
      tpu.yield
    }) : () -> ()
    return
  }
}

#map = affine_map<(d0, d1) -> (0, 0)>
#map1 = affine_map<(d0, d1) -> (0, 0, 0)>
module attributes {stable_mosaic.version = 14 : i64} {
  func.func @_sc_agg_body(%arg0: i32, %arg1: i32, %arg2: memref<2560x128xi32, #tpu.memory_space<hbm>>, %arg3: memref<2560x128xi32, #tpu.memory_space<hbm>>, %arg4: memref<10000x32xf32, #tpu.memory_space<hbm>>, %arg5: memref<10112x32xf32, #tpu.memory_space<hbm>>, %arg6: memref<2x10112x32xf32, #tpu.memory_space<hbm>>, %arg7: memref<80x128xi32, #tpu.memory_space<vmem>>, %arg8: memref<80x128xi32, #tpu.memory_space<vmem>>, %arg9: memref<512x32xf32, #tpu.memory_space<vmem>>, %arg10: memref<10112x32xf32, #tpu.memory_space<vmem_shared>>, %arg11: memref<!tpu.dma_semaphore, #tpu.memory_space<semaphore_mem>>, %arg12: memref<!tpu.dma_semaphore, #tpu.memory_space<semaphore_mem>>, %arg13: memref<!tpu.dma_semaphore, #tpu.memory_space<semaphore_mem>>, %arg14: memref<!tpu.dma_semaphore, #tpu.memory_space<semaphore_mem>>, %arg15: memref<!tpu.dma_semaphore, #tpu.memory_space<semaphore_mem>>, %arg16: memref<!tpu.dma_semaphore, #tpu.memory_space<semaphore_mem>>, %arg17: memref<!tpu.dma_semaphore, #tpu.memory_space<semaphore_mem>>, %arg18: memref<!tpu.dma_semaphore, #tpu.memory_space<semaphore_mem>>) attributes {dimension_semantics = [#tpu.dimension_semantics<core_parallel>, #tpu.dimension_semantics<subcore_parallel>], iteration_bounds = array<i64: 2, 16>, scalar_prefetch = 0 : i64, scratch_operands = 12 : i64, tpu.core_type = #tpu.core_type<sc_vector_subcore>, window_params = [{transform_indices = #map}, {transform_indices = #map}, {transform_indices = #map}, {transform_indices = #map}, {transform_indices = #map1}]} {
    %mul3A = arith.constant 632 : i32
    %mul3A_0 = arith.muli %arg1, %mul3A : i32
    %mul3A_1 = arith.constant 632 : i32
    %mul3A_2 = arith.muli %arg1, %mul3A_1 : i32
    "tpu.region"() ({
      %run_scoped3A = tpu.sem_alloc : memref<!tpu.dma_semaphore, #tpu.memory_space<semaphore_mem>>
      %dma_start3A = arith.constant 0 : i32
      %dma_start3A_15 = tpu.memref_slice %arg10[%mul3A_2, %dma_start3A] : memref<10112x32xf32, #tpu.memory_space<vmem_shared>> -> memref<632x32xf32, #tpu.memory_space<vmem_shared>>
      %dma_start3A_16 = arith.constant 0 : i32
      %dma_start3A_17 = tpu.memref_slice %arg5[%mul3A_0, %dma_start3A_16] : memref<10112x32xf32, #tpu.memory_space<hbm>> -> memref<632x32xf32, #tpu.memory_space<hbm>>
      tpu.enqueue_dma source(%dma_start3A_17 : memref<632x32xf32, #tpu.memory_space<hbm>>) target(%dma_start3A_15 : memref<632x32xf32, #tpu.memory_space<vmem_shared>>) target_semaphore(%run_scoped3A : memref<!tpu.dma_semaphore, #tpu.memory_space<semaphore_mem>>)
      %dma_wait3A = arith.constant 0 : i32
      %dma_wait3A_18 = tpu.memref_slice %arg10[%mul3A_2, %dma_wait3A] : memref<10112x32xf32, #tpu.memory_space<vmem_shared>> -> memref<632x32xf32, #tpu.memory_space<vmem_shared>>
      %dma_wait3A_19 = arith.constant 0 : i32
      %dma_wait3A_20 = tpu.memref_slice %arg5[%mul3A_0, %dma_wait3A_19] : memref<10112x32xf32, #tpu.memory_space<hbm>> -> memref<632x32xf32, #tpu.memory_space<hbm>>
      tpu.wait_dma2 semaphore(%run_scoped3A : memref<!tpu.dma_semaphore, #tpu.memory_space<semaphore_mem>>) src(%dma_wait3A_20 : memref<632x32xf32, #tpu.memory_space<hbm>>) dst(%dma_wait3A_18 : memref<632x32xf32, #tpu.memory_space<vmem_shared>>)
      tpu.yield
    }) : () -> ()
    %barrier3A = arith.constant 0 : index
    tpu.barrier barrier_id(%barrier3A)
    %eq3A = arith.constant 0 : i32
    %eq3A_3 = arith.cmpi eq, %arg0, %eq3A : i32
    %convert_element_type3A = arith.extui %eq3A_3 : i1 to i32
    %cond3A = arith.constant 0 : i32
    %cond3A_4 = arith.cmpi ne, %convert_element_type3A, %cond3A : i32
    scf.if %cond3A_4 {
      %mul3A_15 = arith.constant 160 : i32
      %mul3A_16 = arith.muli %arg1, %mul3A_15 : i32
      "tpu.region"() ({
        %run_scoped3A = tpu.sem_alloc : memref<!tpu.dma_semaphore, #tpu.memory_space<semaphore_mem>>
        %dma_start3A_60 = arith.constant 0 : i32
        %dma_start3A_61 = arith.constant 0 : i32
        %dma_start3A_62 = tpu.memref_slice %arg7[%dma_start3A_60, %dma_start3A_61] : memref<80x128xi32, #tpu.memory_space<vmem>> -> memref<80x128xi32, #tpu.memory_space<vmem>>
        %dma_start3A_63 = arith.constant 0 : i32
        %dma_start3A_64 = tpu.memref_slice %arg2[%mul3A_16, %dma_start3A_63] : memref<2560x128xi32, #tpu.memory_space<hbm>> -> memref<80x128xi32, #tpu.memory_space<hbm>>
        %dma_start3A_65 = arith.constant 0 : i32
        %dma_start3A_66 = arith.constant 0 : i32
        %dma_start3A_67 = tpu.memref_slice %arg7[%dma_start3A_65, %dma_start3A_66] : memref<80x128xi32, #tpu.memory_space<vmem>> -> memref<80x128xi32, #tpu.memory_space<vmem>>
        %dma_start3A_68 = arith.constant 0 : i32
        %dma_start3A_69 = tpu.memref_slice %arg2[%mul3A_16, %dma_start3A_68] : memref<2560x128xi32, #tpu.memory_space<hbm>> -> memref<80x128xi32, #tpu.memory_space<hbm>>
        tpu.enqueue_dma source(%dma_start3A_69 : memref<80x128xi32, #tpu.memory_space<hbm>>) target(%dma_start3A_67 : memref<80x128xi32, #tpu.memory_space<vmem>>) target_semaphore(%run_scoped3A : memref<!tpu.dma_semaphore, #tpu.memory_space<semaphore_mem>>)
        %dma_wait3A_70 = arith.constant 0 : i32
        %dma_wait3A_71 = arith.constant 0 : i32
        %dma_wait3A_72 = tpu.memref_slice %arg7[%dma_wait3A_70, %dma_wait3A_71] : memref<80x128xi32, #tpu.memory_space<vmem>> -> memref<80x128xi32, #tpu.memory_space<vmem>>
        %dma_wait3A_73 = arith.constant 0 : i32
        %dma_wait3A_74 = tpu.memref_slice %arg2[%mul3A_16, %dma_wait3A_73] : memref<2560x128xi32, #tpu.memory_space<hbm>> -> memref<80x128xi32, #tpu.memory_space<hbm>>
        %dma_wait3A_75 = arith.constant 0 : i32
        %dma_wait3A_76 = arith.constant 0 : i32
        %dma_wait3A_77 = tpu.memref_slice %arg7[%dma_wait3A_75, %dma_wait3A_76] : memref<80x128xi32, #tpu.memory_space<vmem>> -> memref<80x128xi32, #tpu.memory_space<vmem>>
        %dma_wait3A_78 = arith.constant 0 : i32
        %dma_wait3A_79 = tpu.memref_slice %arg2[%mul3A_16, %dma_wait3A_78] : memref<2560x128xi32, #tpu.memory_space<hbm>> -> memref<80x128xi32, #tpu.memory_space<hbm>>
        tpu.wait_dma2 semaphore(%run_scoped3A : memref<!tpu.dma_semaphore, #tpu.memory_space<semaphore_mem>>) src(%dma_wait3A_79 : memref<80x128xi32, #tpu.memory_space<hbm>>) dst(%dma_wait3A_77 : memref<80x128xi32, #tpu.memory_space<vmem>>)
        tpu.yield
      }) : () -> ()
      "tpu.region"() ({
        %run_scoped3A = tpu.sem_alloc : memref<!tpu.dma_semaphore, #tpu.memory_space<semaphore_mem>>
        %dma_start3A_60 = arith.constant 0 : i32
        %dma_start3A_61 = arith.constant 0 : i32
        %dma_start3A_62 = tpu.memref_slice %arg8[%dma_start3A_60, %dma_start3A_61] : memref<80x128xi32, #tpu.memory_space<vmem>> -> memref<80x128xi32, #tpu.memory_space<vmem>>
        %dma_start3A_63 = arith.constant 0 : i32
        %dma_start3A_64 = tpu.memref_slice %arg3[%mul3A_16, %dma_start3A_63] : memref<2560x128xi32, #tpu.memory_space<hbm>> -> memref<80x128xi32, #tpu.memory_space<hbm>>
        %dma_start3A_65 = arith.constant 0 : i32
        %dma_start3A_66 = arith.constant 0 : i32
        %dma_start3A_67 = tpu.memref_slice %arg8[%dma_start3A_65, %dma_start3A_66] : memref<80x128xi32, #tpu.memory_space<vmem>> -> memref<80x128xi32, #tpu.memory_space<vmem>>
        %dma_start3A_68 = arith.constant 0 : i32
        %dma_start3A_69 = tpu.memref_slice %arg3[%mul3A_16, %dma_start3A_68] : memref<2560x128xi32, #tpu.memory_space<hbm>> -> memref<80x128xi32, #tpu.memory_space<hbm>>
        tpu.enqueue_dma source(%dma_start3A_69 : memref<80x128xi32, #tpu.memory_space<hbm>>) target(%dma_start3A_67 : memref<80x128xi32, #tpu.memory_space<vmem>>) target_semaphore(%run_scoped3A : memref<!tpu.dma_semaphore, #tpu.memory_space<semaphore_mem>>)
        %dma_wait3A_70 = arith.constant 0 : i32
        %dma_wait3A_71 = arith.constant 0 : i32
        %dma_wait3A_72 = tpu.memref_slice %arg8[%dma_wait3A_70, %dma_wait3A_71] : memref<80x128xi32, #tpu.memory_space<vmem>> -> memref<80x128xi32, #tpu.memory_space<vmem>>
        %dma_wait3A_73 = arith.constant 0 : i32
        %dma_wait3A_74 = tpu.memref_slice %arg3[%mul3A_16, %dma_wait3A_73] : memref<2560x128xi32, #tpu.memory_space<hbm>> -> memref<80x128xi32, #tpu.memory_space<hbm>>
        %dma_wait3A_75 = arith.constant 0 : i32
        %dma_wait3A_76 = arith.constant 0 : i32
        %dma_wait3A_77 = tpu.memref_slice %arg8[%dma_wait3A_75, %dma_wait3A_76] : memref<80x128xi32, #tpu.memory_space<vmem>> -> memref<80x128xi32, #tpu.memory_space<vmem>>
        %dma_wait3A_78 = arith.constant 0 : i32
        %dma_wait3A_79 = tpu.memref_slice %arg3[%mul3A_16, %dma_wait3A_78] : memref<2560x128xi32, #tpu.memory_space<hbm>> -> memref<80x128xi32, #tpu.memory_space<hbm>>
        tpu.wait_dma2 semaphore(%run_scoped3A : memref<!tpu.dma_semaphore, #tpu.memory_space<semaphore_mem>>) src(%dma_wait3A_79 : memref<80x128xi32, #tpu.memory_space<hbm>>) dst(%dma_wait3A_77 : memref<80x128xi32, #tpu.memory_space<vmem>>)
        tpu.yield
      }) : () -> ()
      %dma_start3A = arith.constant 0 : i32
      %dma_start3A_17 = arith.constant 0 : i32
      %dma_start3A_18 = arith.constant 0 : i32
      %dma_start3A_19 = tpu.memref_slice %arg9[%dma_start3A_17, %dma_start3A_18] : memref<512x32xf32, #tpu.memory_space<vmem>> -> memref<128x32xf32, #tpu.memory_space<vmem>>
      %dma_start3A_20 = arith.constant 0 : i32
      %dma_start3A_21 = tpu.memref_slice %arg7[%dma_start3A, %dma_start3A_20] : memref<80x128xi32, #tpu.memory_space<vmem>> -> memref<1x128xi32, #tpu.memory_space<vmem>>
      %dma_start3A_22 = tpu.memref_squeeze %dma_start3A_21 : memref<1x128xi32, #tpu.memory_space<vmem>> -> memref<128xi32, #tpu.memory_space<vmem>>
      %dma_start3A_23 = arith.constant 0 : i32
      %dma_start3A_24 = arith.constant 0 : i32
      %dma_start3A_25 = tpu.memref_slice %arg4[%dma_start3A_23, %dma_start3A_24] : memref<10000x32xf32, #tpu.memory_space<hbm>> -> memref<10000x32xf32, #tpu.memory_space<hbm>>
      tpu.enqueue_indirect_dma source(%dma_start3A_25 : memref<10000x32xf32, #tpu.memory_space<hbm>>) target(%dma_start3A_19 : memref<128x32xf32, #tpu.memory_space<vmem>>) offsets(%dma_start3A_22 : memref<128xi32, #tpu.memory_space<vmem>>) semaphore(%arg11 : memref<!tpu.dma_semaphore, #tpu.memory_space<semaphore_mem>>)
      %dma_start3A_26 = arith.constant 1 : i32
      %dma_start3A_27 = arith.constant 128 : i32
      %dma_start3A_28 = arith.constant 0 : i32
      %dma_start3A_29 = tpu.memref_slice %arg9[%dma_start3A_27, %dma_start3A_28] : memref<512x32xf32, #tpu.memory_space<vmem>> -> memref<128x32xf32, #tpu.memory_space<vmem>>
      %dma_start3A_30 = arith.constant 0 : i32
      %dma_start3A_31 = tpu.memref_slice %arg7[%dma_start3A_26, %dma_start3A_30] : memref<80x128xi32, #tpu.memory_space<vmem>> -> memref<1x128xi32, #tpu.memory_space<vmem>>
      %dma_start3A_32 = tpu.memref_squeeze %dma_start3A_31 : memref<1x128xi32, #tpu.memory_space<vmem>> -> memref<128xi32, #tpu.memory_space<vmem>>
      %dma_start3A_33 = arith.constant 0 : i32
      %dma_start3A_34 = arith.constant 0 : i32
      %dma_start3A_35 = tpu.memref_slice %arg4[%dma_start3A_33, %dma_start3A_34] : memref<10000x32xf32, #tpu.memory_space<hbm>> -> memref<10000x32xf32, #tpu.memory_space<hbm>>
      tpu.enqueue_indirect_dma source(%dma_start3A_35 : memref<10000x32xf32, #tpu.memory_space<hbm>>) target(%dma_start3A_29 : memref<128x32xf32, #tpu.memory_space<vmem>>) offsets(%dma_start3A_32 : memref<128xi32, #tpu.memory_space<vmem>>) semaphore(%arg12 : memref<!tpu.dma_semaphore, #tpu.memory_space<semaphore_mem>>)
      %scan3A = arith.constant 0 : i32
      %scan3A_36 = arith.constant 0 : i32
      %scan3A_37 = arith.constant 20 : i32
      %scan3A_38 = arith.addi %scan3A_36, %scan3A_37 : i32
      %scan3A_39 = arith.constant 1 : i32
      scf.for %scan3A_60 = %scan3A_36 to %scan3A_38 step %scan3A_39  : i32 {
        %mul3A_61 = arith.constant 4 : i32
        %mul3A_62 = arith.muli %mul3A_61, %scan3A_60 : i32
        %add3A = arith.constant 0 : i32
        %add3A_63 = arith.addi %mul3A_62, %add3A : i32
        %dma_wait3A_64 = arith.constant 0 : i32
        %dma_wait3A_65 = arith.constant 0 : i32
        %dma_wait3A_66 = tpu.memref_slice %arg9[%dma_wait3A_64, %dma_wait3A_65] : memref<512x32xf32, #tpu.memory_space<vmem>> -> memref<128x32xf32, #tpu.memory_space<vmem>>
        %dma_wait3A_67 = arith.constant 0 : i32
        %dma_wait3A_68 = tpu.memref_slice %arg7[%add3A_63, %dma_wait3A_67] : memref<80x128xi32, #tpu.memory_space<vmem>> -> memref<1x128xi32, #tpu.memory_space<vmem>>
        %dma_wait3A_69 = tpu.memref_squeeze %dma_wait3A_68 : memref<1x128xi32, #tpu.memory_space<vmem>> -> memref<128xi32, #tpu.memory_space<vmem>>
        %dma_wait3A_70 = arith.constant 0 : i32
        %dma_wait3A_71 = arith.constant 0 : i32
        %dma_wait3A_72 = tpu.memref_slice %arg4[%dma_wait3A_70, %dma_wait3A_71] : memref<10000x32xf32, #tpu.memory_space<hbm>> -> memref<10000x32xf32, #tpu.memory_space<hbm>>
        tpu.wait_indirect_dma semaphore(%arg11 : memref<!tpu.dma_semaphore, #tpu.memory_space<semaphore_mem>>) src(%dma_wait3A_72 : memref<10000x32xf32, #tpu.memory_space<hbm>>) dst(%dma_wait3A_66 : memref<128x32xf32, #tpu.memory_space<vmem>>)
        %dma_start3A_73 = arith.constant 0 : i32
        %dma_start3A_74 = arith.constant 0 : i32
        %dma_start3A_75 = tpu.memref_slice %arg9[%dma_start3A_73, %dma_start3A_74] : memref<512x32xf32, #tpu.memory_space<vmem>> -> memref<128x32xf32, #tpu.memory_space<vmem>>
        %dma_start3A_76 = arith.constant 0 : i32
        %dma_start3A_77 = tpu.memref_slice %arg8[%add3A_63, %dma_start3A_76] : memref<80x128xi32, #tpu.memory_space<vmem>> -> memref<1x128xi32, #tpu.memory_space<vmem>>
        %dma_start3A_78 = tpu.memref_squeeze %dma_start3A_77 : memref<1x128xi32, #tpu.memory_space<vmem>> -> memref<128xi32, #tpu.memory_space<vmem>>
        %dma_start3A_79 = arith.constant 0 : i32
        %dma_start3A_80 = arith.constant 0 : i32
        %dma_start3A_81 = tpu.memref_slice %arg10[%dma_start3A_79, %dma_start3A_80] : memref<10112x32xf32, #tpu.memory_space<vmem_shared>> -> memref<10112x32xf32, #tpu.memory_space<vmem_shared>>
        tpu.enqueue_indirect_dma source(%dma_start3A_75 : memref<128x32xf32, #tpu.memory_space<vmem>>) target(%dma_start3A_81 : memref<10112x32xf32, #tpu.memory_space<vmem_shared>>) offsets(%dma_start3A_78 : memref<128xi32, #tpu.memory_space<vmem>>) semaphore(%arg15 : memref<!tpu.dma_semaphore, #tpu.memory_space<semaphore_mem>>) {add = true}
        %ge3A = arith.constant 2 : i32
        %ge3A_82 = arith.cmpi sge, %add3A_63, %ge3A : i32
        %convert_element_type3A_83 = arith.extui %ge3A_82 : i1 to i32
        %cond3A_84 = arith.constant 0 : i32
        %cond3A_85 = arith.cmpi ne, %convert_element_type3A_83, %cond3A_84 : i32
        scf.if %cond3A_85 {
          %sub3A = arith.constant 2 : i32
          %sub3A_194 = arith.subi %add3A_63, %sub3A : i32
          %dma_wait3A_195 = arith.constant 256 : i32
          %dma_wait3A_196 = arith.constant 0 : i32
          %dma_wait3A_197 = tpu.memref_slice %arg9[%dma_wait3A_195, %dma_wait3A_196] : memref<512x32xf32, #tpu.memory_space<vmem>> -> memref<128x32xf32, #tpu.memory_space<vmem>>
          %dma_wait3A_198 = arith.constant 0 : i32
          %dma_wait3A_199 = tpu.memref_slice %arg8[%sub3A_194, %dma_wait3A_198] : memref<80x128xi32, #tpu.memory_space<vmem>> -> memref<1x128xi32, #tpu.memory_space<vmem>>
          %dma_wait3A_200 = tpu.memref_squeeze %dma_wait3A_199 : memref<1x128xi32, #tpu.memory_space<vmem>> -> memref<128xi32, #tpu.memory_space<vmem>>
          %dma_wait3A_201 = arith.constant 0 : i32
          %dma_wait3A_202 = arith.constant 0 : i32
          %dma_wait3A_203 = tpu.memref_slice %arg10[%dma_wait3A_201, %dma_wait3A_202] : memref<10112x32xf32, #tpu.memory_space<vmem_shared>> -> memref<10112x32xf32, #tpu.memory_space<vmem_shared>>
          tpu.wait_indirect_dma semaphore(%arg17 : memref<!tpu.dma_semaphore, #tpu.memory_space<semaphore_mem>>) src(%dma_wait3A_197 : memref<128x32xf32, #tpu.memory_space<vmem>>) dst(%dma_wait3A_203 : memref<10112x32xf32, #tpu.memory_space<vmem_shared>>)
        } else {
        }
        %add3A_86 = arith.constant 2 : i32
        %add3A_87 = arith.addi %add3A_63, %add3A_86 : i32
        %lt3A = arith.constant 80 : i32
        %lt3A_88 = arith.cmpi slt, %add3A_87, %lt3A : i32
        %convert_element_type3A_89 = arith.extui %lt3A_88 : i1 to i32
        %cond3A_90 = arith.constant 0 : i32
        %cond3A_91 = arith.cmpi ne, %convert_element_type3A_89, %cond3A_90 : i32
        scf.if %cond3A_91 {
          %add3A_194 = arith.constant 2 : i32
          %add3A_195 = arith.addi %add3A_63, %add3A_194 : i32
          %dma_start3A_196 = arith.constant 256 : i32
          %dma_start3A_197 = arith.constant 0 : i32
          %dma_start3A_198 = tpu.memref_slice %arg9[%dma_start3A_196, %dma_start3A_197] : memref<512x32xf32, #tpu.memory_space<vmem>> -> memref<128x32xf32, #tpu.memory_space<vmem>>
          %dma_start3A_199 = arith.constant 0 : i32
          %dma_start3A_200 = tpu.memref_slice %arg7[%add3A_195, %dma_start3A_199] : memref<80x128xi32, #tpu.memory_space<vmem>> -> memref<1x128xi32, #tpu.memory_space<vmem>>
          %dma_start3A_201 = tpu.memref_squeeze %dma_start3A_200 : memref<1x128xi32, #tpu.memory_space<vmem>> -> memref<128xi32, #tpu.memory_space<vmem>>
          %dma_start3A_202 = arith.constant 0 : i32
          %dma_start3A_203 = arith.constant 0 : i32
          %dma_start3A_204 = tpu.memref_slice %arg4[%dma_start3A_202, %dma_start3A_203] : memref<10000x32xf32, #tpu.memory_space<hbm>> -> memref<10000x32xf32, #tpu.memory_space<hbm>>
          tpu.enqueue_indirect_dma source(%dma_start3A_204 : memref<10000x32xf32, #tpu.memory_space<hbm>>) target(%dma_start3A_198 : memref<128x32xf32, #tpu.memory_space<vmem>>) offsets(%dma_start3A_201 : memref<128xi32, #tpu.memory_space<vmem>>) semaphore(%arg13 : memref<!tpu.dma_semaphore, #tpu.memory_space<semaphore_mem>>)
        } else {
        }
        %mul3A_92 = arith.constant 4 : i32
        %mul3A_93 = arith.muli %mul3A_92, %scan3A_60 : i32
        %add3A_94 = arith.constant 1 : i32
        %add3A_95 = arith.addi %mul3A_93, %add3A_94 : i32
        %dma_wait3A_96 = arith.constant 128 : i32
        %dma_wait3A_97 = arith.constant 0 : i32
        %dma_wait3A_98 = tpu.memref_slice %arg9[%dma_wait3A_96, %dma_wait3A_97] : memref<512x32xf32, #tpu.memory_space<vmem>> -> memref<128x32xf32, #tpu.memory_space<vmem>>
        %dma_wait3A_99 = arith.constant 0 : i32
        %dma_wait3A_100 = tpu.memref_slice %arg7[%add3A_95, %dma_wait3A_99] : memref<80x128xi32, #tpu.memory_space<vmem>> -> memref<1x128xi32, #tpu.memory_space<vmem>>
        %dma_wait3A_101 = tpu.memref_squeeze %dma_wait3A_100 : memref<1x128xi32, #tpu.memory_space<vmem>> -> memref<128xi32, #tpu.memory_space<vmem>>
        %dma_wait3A_102 = arith.constant 0 : i32
        %dma_wait3A_103 = arith.constant 0 : i32
        %dma_wait3A_104 = tpu.memref_slice %arg4[%dma_wait3A_102, %dma_wait3A_103] : memref<10000x32xf32, #tpu.memory_space<hbm>> -> memref<10000x32xf32, #tpu.memory_space<hbm>>
        tpu.wait_indirect_dma semaphore(%arg12 : memref<!tpu.dma_semaphore, #tpu.memory_space<semaphore_mem>>) src(%dma_wait3A_104 : memref<10000x32xf32, #tpu.memory_space<hbm>>) dst(%dma_wait3A_98 : memref<128x32xf32, #tpu.memory_space<vmem>>)
        %dma_start3A_105 = arith.constant 128 : i32
        %dma_start3A_106 = arith.constant 0 : i32
        %dma_start3A_107 = tpu.memref_slice %arg9[%dma_start3A_105, %dma_start3A_106] : memref<512x32xf32, #tpu.memory_space<vmem>> -> memref<128x32xf32, #tpu.memory_space<vmem>>
        %dma_start3A_108 = arith.constant 0 : i32
        %dma_start3A_109 = tpu.memref_slice %arg8[%add3A_95, %dma_start3A_108] : memref<80x128xi32, #tpu.memory_space<vmem>> -> memref<1x128xi32, #tpu.memory_space<vmem>>
        %dma_start3A_110 = tpu.memref_squeeze %dma_start3A_109 : memref<1x128xi32, #tpu.memory_space<vmem>> -> memref<128xi32, #tpu.memory_space<vmem>>
        %dma_start3A_111 = arith.constant 0 : i32
        %dma_start3A_112 = arith.constant 0 : i32
        %dma_start3A_113 = tpu.memref_slice %arg10[%dma_start3A_111, %dma_start3A_112] : memref<10112x32xf32, #tpu.memory_space<vmem_shared>> -> memref<10112x32xf32, #tpu.memory_space<vmem_shared>>
        tpu.enqueue_indirect_dma source(%dma_start3A_107 : memref<128x32xf32, #tpu.memory_space<vmem>>) target(%dma_start3A_113 : memref<10112x32xf32, #tpu.memory_space<vmem_shared>>) offsets(%dma_start3A_110 : memref<128xi32, #tpu.memory_space<vmem>>) semaphore(%arg16 : memref<!tpu.dma_semaphore, #tpu.memory_space<semaphore_mem>>) {add = true}
        %ge3A_114 = arith.constant 2 : i32
        %ge3A_115 = arith.cmpi sge, %add3A_95, %ge3A_114 : i32
        %convert_element_type3A_116 = arith.extui %ge3A_115 : i1 to i32
        %cond3A_117 = arith.constant 0 : i32
        %cond3A_118 = arith.cmpi ne, %convert_element_type3A_116, %cond3A_117 : i32
        scf.if %cond3A_118 {
          %sub3A = arith.constant 2 : i32
          %sub3A_194 = arith.subi %add3A_95, %sub3A : i32
          %dma_wait3A_195 = arith.constant 384 : i32
          %dma_wait3A_196 = arith.constant 0 : i32
          %dma_wait3A_197 = tpu.memref_slice %arg9[%dma_wait3A_195, %dma_wait3A_196] : memref<512x32xf32, #tpu.memory_space<vmem>> -> memref<128x32xf32, #tpu.memory_space<vmem>>
          %dma_wait3A_198 = arith.constant 0 : i32
          %dma_wait3A_199 = tpu.memref_slice %arg8[%sub3A_194, %dma_wait3A_198] : memref<80x128xi32, #tpu.memory_space<vmem>> -> memref<1x128xi32, #tpu.memory_space<vmem>>
          %dma_wait3A_200 = tpu.memref_squeeze %dma_wait3A_199 : memref<1x128xi32, #tpu.memory_space<vmem>> -> memref<128xi32, #tpu.memory_space<vmem>>
          %dma_wait3A_201 = arith.constant 0 : i32
          %dma_wait3A_202 = arith.constant 0 : i32
          %dma_wait3A_203 = tpu.memref_slice %arg10[%dma_wait3A_201, %dma_wait3A_202] : memref<10112x32xf32, #tpu.memory_space<vmem_shared>> -> memref<10112x32xf32, #tpu.memory_space<vmem_shared>>
          tpu.wait_indirect_dma semaphore(%arg18 : memref<!tpu.dma_semaphore, #tpu.memory_space<semaphore_mem>>) src(%dma_wait3A_197 : memref<128x32xf32, #tpu.memory_space<vmem>>) dst(%dma_wait3A_203 : memref<10112x32xf32, #tpu.memory_space<vmem_shared>>)
        } else {
        }
        %add3A_119 = arith.constant 2 : i32
        %add3A_120 = arith.addi %add3A_95, %add3A_119 : i32
        %lt3A_121 = arith.constant 80 : i32
        %lt3A_122 = arith.cmpi slt, %add3A_120, %lt3A_121 : i32
        %convert_element_type3A_123 = arith.extui %lt3A_122 : i1 to i32
        %cond3A_124 = arith.constant 0 : i32
        %cond3A_125 = arith.cmpi ne, %convert_element_type3A_123, %cond3A_124 : i32
        scf.if %cond3A_125 {
          %add3A_194 = arith.constant 2 : i32
          %add3A_195 = arith.addi %add3A_95, %add3A_194 : i32
          %dma_start3A_196 = arith.constant 384 : i32
          %dma_start3A_197 = arith.constant 0 : i32
          %dma_start3A_198 = tpu.memref_slice %arg9[%dma_start3A_196, %dma_start3A_197] : memref<512x32xf32, #tpu.memory_space<vmem>> -> memref<128x32xf32, #tpu.memory_space<vmem>>
          %dma_start3A_199 = arith.constant 0 : i32
          %dma_start3A_200 = tpu.memref_slice %arg7[%add3A_195, %dma_start3A_199] : memref<80x128xi32, #tpu.memory_space<vmem>> -> memref<1x128xi32, #tpu.memory_space<vmem>>
          %dma_start3A_201 = tpu.memref_squeeze %dma_start3A_200 : memref<1x128xi32, #tpu.memory_space<vmem>> -> memref<128xi32, #tpu.memory_space<vmem>>
          %dma_start3A_202 = arith.constant 0 : i32
          %dma_start3A_203 = arith.constant 0 : i32
          %dma_start3A_204 = tpu.memref_slice %arg4[%dma_start3A_202, %dma_start3A_203] : memref<10000x32xf32, #tpu.memory_space<hbm>> -> memref<10000x32xf32, #tpu.memory_space<hbm>>
          tpu.enqueue_indirect_dma source(%dma_start3A_204 : memref<10000x32xf32, #tpu.memory_space<hbm>>) target(%dma_start3A_198 : memref<128x32xf32, #tpu.memory_space<vmem>>) offsets(%dma_start3A_201 : memref<128xi32, #tpu.memory_space<vmem>>) semaphore(%arg14 : memref<!tpu.dma_semaphore, #tpu.memory_space<semaphore_mem>>)
        } else {
        }
        %mul3A_126 = arith.constant 4 : i32
        %mul3A_127 = arith.muli %mul3A_126, %scan3A_60 : i32
        %add3A_128 = arith.constant 2 : i32
        %add3A_129 = arith.addi %mul3A_127, %add3A_128 : i32
        %dma_wait3A_130 = arith.constant 256 : i32
        %dma_wait3A_131 = arith.constant 0 : i32
        %dma_wait3A_132 = tpu.memref_slice %arg9[%dma_wait3A_130, %dma_wait3A_131] : memref<512x32xf32, #tpu.memory_space<vmem>> -> memref<128x32xf32, #tpu.memory_space<vmem>>
        %dma_wait3A_133 = arith.constant 0 : i32
        %dma_wait3A_134 = tpu.memref_slice %arg7[%add3A_129, %dma_wait3A_133] : memref<80x128xi32, #tpu.memory_space<vmem>> -> memref<1x128xi32, #tpu.memory_space<vmem>>
        %dma_wait3A_135 = tpu.memref_squeeze %dma_wait3A_134 : memref<1x128xi32, #tpu.memory_space<vmem>> -> memref<128xi32, #tpu.memory_space<vmem>>
        %dma_wait3A_136 = arith.constant 0 : i32
        %dma_wait3A_137 = arith.constant 0 : i32
        %dma_wait3A_138 = tpu.memref_slice %arg4[%dma_wait3A_136, %dma_wait3A_137] : memref<10000x32xf32, #tpu.memory_space<hbm>> -> memref<10000x32xf32, #tpu.memory_space<hbm>>
        tpu.wait_indirect_dma semaphore(%arg13 : memref<!tpu.dma_semaphore, #tpu.memory_space<semaphore_mem>>) src(%dma_wait3A_138 : memref<10000x32xf32, #tpu.memory_space<hbm>>) dst(%dma_wait3A_132 : memref<128x32xf32, #tpu.memory_space<vmem>>)
        %dma_start3A_139 = arith.constant 256 : i32
        %dma_start3A_140 = arith.constant 0 : i32
        %dma_start3A_141 = tpu.memref_slice %arg9[%dma_start3A_139, %dma_start3A_140] : memref<512x32xf32, #tpu.memory_space<vmem>> -> memref<128x32xf32, #tpu.memory_space<vmem>>
        %dma_start3A_142 = arith.constant 0 : i32
        %dma_start3A_143 = tpu.memref_slice %arg8[%add3A_129, %dma_start3A_142] : memref<80x128xi32, #tpu.memory_space<vmem>> -> memref<1x128xi32, #tpu.memory_space<vmem>>
        %dma_start3A_144 = tpu.memref_squeeze %dma_start3A_143 : memref<1x128xi32, #tpu.memory_space<vmem>> -> memref<128xi32, #tpu.memory_space<vmem>>
        %dma_start3A_145 = arith.constant 0 : i32
        %dma_start3A_146 = arith.constant 0 : i32
        %dma_start3A_147 = tpu.memref_slice %arg10[%dma_start3A_145, %dma_start3A_146] : memref<10112x32xf32, #tpu.memory_space<vmem_shared>> -> memref<10112x32xf32, #tpu.memory_space<vmem_shared>>
        tpu.enqueue_indirect_dma source(%dma_start3A_141 : memref<128x32xf32, #tpu.memory_space<vmem>>) target(%dma_start3A_147 : memref<10112x32xf32, #tpu.memory_space<vmem_shared>>) offsets(%dma_start3A_144 : memref<128xi32, #tpu.memory_space<vmem>>) semaphore(%arg17 : memref<!tpu.dma_semaphore, #tpu.memory_space<semaphore_mem>>) {add = true}
        %ge3A_148 = arith.constant 2 : i32
        %ge3A_149 = arith.cmpi sge, %add3A_129, %ge3A_148 : i32
        %convert_element_type3A_150 = arith.extui %ge3A_149 : i1 to i32
        %cond3A_151 = arith.constant 0 : i32
        %cond3A_152 = arith.cmpi ne, %convert_element_type3A_150, %cond3A_151 : i32
        scf.if %cond3A_152 {
          %sub3A = arith.constant 2 : i32
          %sub3A_194 = arith.subi %add3A_129, %sub3A : i32
          %dma_wait3A_195 = arith.constant 0 : i32
          %dma_wait3A_196 = arith.constant 0 : i32
          %dma_wait3A_197 = tpu.memref_slice %arg9[%dma_wait3A_195, %dma_wait3A_196] : memref<512x32xf32, #tpu.memory_space<vmem>> -> memref<128x32xf32, #tpu.memory_space<vmem>>
          %dma_wait3A_198 = arith.constant 0 : i32
          %dma_wait3A_199 = tpu.memref_slice %arg8[%sub3A_194, %dma_wait3A_198] : memref<80x128xi32, #tpu.memory_space<vmem>> -> memref<1x128xi32, #tpu.memory_space<vmem>>
          %dma_wait3A_200 = tpu.memref_squeeze %dma_wait3A_199 : memref<1x128xi32, #tpu.memory_space<vmem>> -> memref<128xi32, #tpu.memory_space<vmem>>
          %dma_wait3A_201 = arith.constant 0 : i32
          %dma_wait3A_202 = arith.constant 0 : i32
          %dma_wait3A_203 = tpu.memref_slice %arg10[%dma_wait3A_201, %dma_wait3A_202] : memref<10112x32xf32, #tpu.memory_space<vmem_shared>> -> memref<10112x32xf32, #tpu.memory_space<vmem_shared>>
          tpu.wait_indirect_dma semaphore(%arg15 : memref<!tpu.dma_semaphore, #tpu.memory_space<semaphore_mem>>) src(%dma_wait3A_197 : memref<128x32xf32, #tpu.memory_space<vmem>>) dst(%dma_wait3A_203 : memref<10112x32xf32, #tpu.memory_space<vmem_shared>>)
        } else {
        }
        %add3A_153 = arith.constant 2 : i32
        %add3A_154 = arith.addi %add3A_129, %add3A_153 : i32
        %lt3A_155 = arith.constant 80 : i32
        %lt3A_156 = arith.cmpi slt, %add3A_154, %lt3A_155 : i32
        %convert_element_type3A_157 = arith.extui %lt3A_156 : i1 to i32
        %cond3A_158 = arith.constant 0 : i32
        %cond3A_159 = arith.cmpi ne, %convert_element_type3A_157, %cond3A_158 : i32
        scf.if %cond3A_159 {
          %add3A_194 = arith.constant 2 : i32
          %add3A_195 = arith.addi %add3A_129, %add3A_194 : i32
          %dma_start3A_196 = arith.constant 0 : i32
          %dma_start3A_197 = arith.constant 0 : i32
          %dma_start3A_198 = tpu.memref_slice %arg9[%dma_start3A_196, %dma_start3A_197] : memref<512x32xf32, #tpu.memory_space<vmem>> -> memref<128x32xf32, #tpu.memory_space<vmem>>
          %dma_start3A_199 = arith.constant 0 : i32
          %dma_start3A_200 = tpu.memref_slice %arg7[%add3A_195, %dma_start3A_199] : memref<80x128xi32, #tpu.memory_space<vmem>> -> memref<1x128xi32, #tpu.memory_space<vmem>>
          %dma_start3A_201 = tpu.memref_squeeze %dma_start3A_200 : memref<1x128xi32, #tpu.memory_space<vmem>> -> memref<128xi32, #tpu.memory_space<vmem>>
          %dma_start3A_202 = arith.constant 0 : i32
          %dma_start3A_203 = arith.constant 0 : i32
          %dma_start3A_204 = tpu.memref_slice %arg4[%dma_start3A_202, %dma_start3A_203] : memref<10000x32xf32, #tpu.memory_space<hbm>> -> memref<10000x32xf32, #tpu.memory_space<hbm>>
          tpu.enqueue_indirect_dma source(%dma_start3A_204 : memref<10000x32xf32, #tpu.memory_space<hbm>>) target(%dma_start3A_198 : memref<128x32xf32, #tpu.memory_space<vmem>>) offsets(%dma_start3A_201 : memref<128xi32, #tpu.memory_space<vmem>>) semaphore(%arg11 : memref<!tpu.dma_semaphore, #tpu.memory_space<semaphore_mem>>)
        } else {
        }
        %mul3A_160 = arith.constant 4 : i32
        %mul3A_161 = arith.muli %mul3A_160, %scan3A_60 : i32
        %add3A_162 = arith.constant 3 : i32
        %add3A_163 = arith.addi %mul3A_161, %add3A_162 : i32
        %dma_wait3A_164 = arith.constant 384 : i32
        %dma_wait3A_165 = arith.constant 0 : i32
        %dma_wait3A_166 = tpu.memref_slice %arg9[%dma_wait3A_164, %dma_wait3A_165] : memref<512x32xf32, #tpu.memory_space<vmem>> -> memref<128x32xf32, #tpu.memory_space<vmem>>
        %dma_wait3A_167 = arith.constant 0 : i32
        %dma_wait3A_168 = tpu.memref_slice %arg7[%add3A_163, %dma_wait3A_167] : memref<80x128xi32, #tpu.memory_space<vmem>> -> memref<1x128xi32, #tpu.memory_space<vmem>>
        %dma_wait3A_169 = tpu.memref_squeeze %dma_wait3A_168 : memref<1x128xi32, #tpu.memory_space<vmem>> -> memref<128xi32, #tpu.memory_space<vmem>>
        %dma_wait3A_170 = arith.constant 0 : i32
        %dma_wait3A_171 = arith.constant 0 : i32
        %dma_wait3A_172 = tpu.memref_slice %arg4[%dma_wait3A_170, %dma_wait3A_171] : memref<10000x32xf32, #tpu.memory_space<hbm>> -> memref<10000x32xf32, #tpu.memory_space<hbm>>
        tpu.wait_indirect_dma semaphore(%arg14 : memref<!tpu.dma_semaphore, #tpu.memory_space<semaphore_mem>>) src(%dma_wait3A_172 : memref<10000x32xf32, #tpu.memory_space<hbm>>) dst(%dma_wait3A_166 : memref<128x32xf32, #tpu.memory_space<vmem>>)
        %dma_start3A_173 = arith.constant 384 : i32
        %dma_start3A_174 = arith.constant 0 : i32
        %dma_start3A_175 = tpu.memref_slice %arg9[%dma_start3A_173, %dma_start3A_174] : memref<512x32xf32, #tpu.memory_space<vmem>> -> memref<128x32xf32, #tpu.memory_space<vmem>>
        %dma_start3A_176 = arith.constant 0 : i32
        %dma_start3A_177 = tpu.memref_slice %arg8[%add3A_163, %dma_start3A_176] : memref<80x128xi32, #tpu.memory_space<vmem>> -> memref<1x128xi32, #tpu.memory_space<vmem>>
        %dma_start3A_178 = tpu.memref_squeeze %dma_start3A_177 : memref<1x128xi32, #tpu.memory_space<vmem>> -> memref<128xi32, #tpu.memory_space<vmem>>
        %dma_start3A_179 = arith.constant 0 : i32
        %dma_start3A_180 = arith.constant 0 : i32
        %dma_start3A_181 = tpu.memref_slice %arg10[%dma_start3A_179, %dma_start3A_180] : memref<10112x32xf32, #tpu.memory_space<vmem_shared>> -> memref<10112x32xf32, #tpu.memory_space<vmem_shared>>
        tpu.enqueue_indirect_dma source(%dma_start3A_175 : memref<128x32xf32, #tpu.memory_space<vmem>>) target(%dma_start3A_181 : memref<10112x32xf32, #tpu.memory_space<vmem_shared>>) offsets(%dma_start3A_178 : memref<128xi32, #tpu.memory_space<vmem>>) semaphore(%arg18 : memref<!tpu.dma_semaphore, #tpu.memory_space<semaphore_mem>>) {add = true}
        %ge3A_182 = arith.constant 2 : i32
        %ge3A_183 = arith.cmpi sge, %add3A_163, %ge3A_182 : i32
        %convert_element_type3A_184 = arith.extui %ge3A_183 : i1 to i32
        %cond3A_185 = arith.constant 0 : i32
        %cond3A_186 = arith.cmpi ne, %convert_element_type3A_184, %cond3A_185 : i32
        scf.if %cond3A_186 {
          %sub3A = arith.constant 2 : i32
          %sub3A_194 = arith.subi %add3A_163, %sub3A : i32
          %dma_wait3A_195 = arith.constant 128 : i32
          %dma_wait3A_196 = arith.constant 0 : i32
          %dma_wait3A_197 = tpu.memref_slice %arg9[%dma_wait3A_195, %dma_wait3A_196] : memref<512x32xf32, #tpu.memory_space<vmem>> -> memref<128x32xf32, #tpu.memory_space<vmem>>
          %dma_wait3A_198 = arith.constant 0 : i32
          %dma_wait3A_199 = tpu.memref_slice %arg8[%sub3A_194, %dma_wait3A_198] : memref<80x128xi32, #tpu.memory_space<vmem>> -> memref<1x128xi32, #tpu.memory_space<vmem>>
          %dma_wait3A_200 = tpu.memref_squeeze %dma_wait3A_199 : memref<1x128xi32, #tpu.memory_space<vmem>> -> memref<128xi32, #tpu.memory_space<vmem>>
          %dma_wait3A_201 = arith.constant 0 : i32
          %dma_wait3A_202 = arith.constant 0 : i32
          %dma_wait3A_203 = tpu.memref_slice %arg10[%dma_wait3A_201, %dma_wait3A_202] : memref<10112x32xf32, #tpu.memory_space<vmem_shared>> -> memref<10112x32xf32, #tpu.memory_space<vmem_shared>>
          tpu.wait_indirect_dma semaphore(%arg16 : memref<!tpu.dma_semaphore, #tpu.memory_space<semaphore_mem>>) src(%dma_wait3A_197 : memref<128x32xf32, #tpu.memory_space<vmem>>) dst(%dma_wait3A_203 : memref<10112x32xf32, #tpu.memory_space<vmem_shared>>)
        } else {
        }
        %add3A_187 = arith.constant 2 : i32
        %add3A_188 = arith.addi %add3A_163, %add3A_187 : i32
        %lt3A_189 = arith.constant 80 : i32
        %lt3A_190 = arith.cmpi slt, %add3A_188, %lt3A_189 : i32
        %convert_element_type3A_191 = arith.extui %lt3A_190 : i1 to i32
        %cond3A_192 = arith.constant 0 : i32
        %cond3A_193 = arith.cmpi ne, %convert_element_type3A_191, %cond3A_192 : i32
        scf.if %cond3A_193 {
          %add3A_194 = arith.constant 2 : i32
          %add3A_195 = arith.addi %add3A_163, %add3A_194 : i32
          %dma_start3A_196 = arith.constant 128 : i32
          %dma_start3A_197 = arith.constant 0 : i32
          %dma_start3A_198 = tpu.memref_slice %arg9[%dma_start3A_196, %dma_start3A_197] : memref<512x32xf32, #tpu.memory_space<vmem>> -> memref<128x32xf32, #tpu.memory_space<vmem>>
          %dma_start3A_199 = arith.constant 0 : i32
          %dma_start3A_200 = tpu.memref_slice %arg7[%add3A_195, %dma_start3A_199] : memref<80x128xi32, #tpu.memory_space<vmem>> -> memref<1x128xi32, #tpu.memory_space<vmem>>
          %dma_start3A_201 = tpu.memref_squeeze %dma_start3A_200 : memref<1x128xi32, #tpu.memory_space<vmem>> -> memref<128xi32, #tpu.memory_space<vmem>>
          %dma_start3A_202 = arith.constant 0 : i32
          %dma_start3A_203 = arith.constant 0 : i32
          %dma_start3A_204 = tpu.memref_slice %arg4[%dma_start3A_202, %dma_start3A_203] : memref<10000x32xf32, #tpu.memory_space<hbm>> -> memref<10000x32xf32, #tpu.memory_space<hbm>>
          tpu.enqueue_indirect_dma source(%dma_start3A_204 : memref<10000x32xf32, #tpu.memory_space<hbm>>) target(%dma_start3A_198 : memref<128x32xf32, #tpu.memory_space<vmem>>) offsets(%dma_start3A_201 : memref<128xi32, #tpu.memory_space<vmem>>) semaphore(%arg12 : memref<!tpu.dma_semaphore, #tpu.memory_space<semaphore_mem>>)
        } else {
        }
      }
      %scan3A_40 = arith.constant 20 : i32
      %dma_wait3A = arith.constant 78 : i32
      %dma_wait3A_41 = arith.constant 256 : i32
      %dma_wait3A_42 = arith.constant 0 : i32
      %dma_wait3A_43 = tpu.memref_slice %arg9[%dma_wait3A_41, %dma_wait3A_42] : memref<512x32xf32, #tpu.memory_space<vmem>> -> memref<128x32xf32, #tpu.memory_space<vmem>>
      %dma_wait3A_44 = arith.constant 0 : i32
      %dma_wait3A_45 = tpu.memref_slice %arg8[%dma_wait3A, %dma_wait3A_44] : memref<80x128xi32, #tpu.memory_space<vmem>> -> memref<1x128xi32, #tpu.memory_space<vmem>>
      %dma_wait3A_46 = tpu.memref_squeeze %dma_wait3A_45 : memref<1x128xi32, #tpu.memory_space<vmem>> -> memref<128xi32, #tpu.memory_space<vmem>>
      %dma_wait3A_47 = arith.constant 0 : i32
      %dma_wait3A_48 = arith.constant 0 : i32
      %dma_wait3A_49 = tpu.memref_slice %arg10[%dma_wait3A_47, %dma_wait3A_48] : memref<10112x32xf32, #tpu.memory_space<vmem_shared>> -> memref<10112x32xf32, #tpu.memory_space<vmem_shared>>
      tpu.wait_indirect_dma semaphore(%arg17 : memref<!tpu.dma_semaphore, #tpu.memory_space<semaphore_mem>>) src(%dma_wait3A_43 : memref<128x32xf32, #tpu.memory_space<vmem>>) dst(%dma_wait3A_49 : memref<10112x32xf32, #tpu.memory_space<vmem_shared>>)
      %dma_wait3A_50 = arith.constant 79 : i32
      %dma_wait3A_51 = arith.constant 384 : i32
      %dma_wait3A_52 = arith.constant 0 : i32
      %dma_wait3A_53 = tpu.memref_slice %arg9[%dma_wait3A_51, %dma_wait3A_52] : memref<512x32xf32, #tpu.memory_space<vmem>> -> memref<128x32xf32, #tpu.memory_space<vmem>>
      %dma_wait3A_54 = arith.constant 0 : i32
      %dma_wait3A_55 = tpu.memref_slice %arg8[%dma_wait3A_50, %dma_wait3A_54] : memref<80x128xi32, #tpu.memory_space<vmem>> -> memref<1x128xi32, #tpu.memory_space<vmem>>
      %dma_wait3A_56 = tpu.memref_squeeze %dma_wait3A_55 : memref<1x128xi32, #tpu.memory_space<vmem>> -> memref<128xi32, #tpu.memory_space<vmem>>
      %dma_wait3A_57 = arith.constant 0 : i32
      %dma_wait3A_58 = arith.constant 0 : i32
      %dma_wait3A_59 = tpu.memref_slice %arg10[%dma_wait3A_57, %dma_wait3A_58] : memref<10112x32xf32, #tpu.memory_space<vmem_shared>> -> memref<10112x32xf32, #tpu.memory_space<vmem_shared>>
      tpu.wait_indirect_dma semaphore(%arg18 : memref<!tpu.dma_semaphore, #tpu.memory_space<semaphore_mem>>) src(%dma_wait3A_53 : memref<128x32xf32, #tpu.memory_space<vmem>>) dst(%dma_wait3A_59 : memref<10112x32xf32, #tpu.memory_space<vmem_shared>>)
    } else {
    }
    %eq3A_5 = arith.constant 1 : i32
    %eq3A_6 = arith.cmpi eq, %arg0, %eq3A_5 : i32
    %convert_element_type3A_7 = arith.extui %eq3A_6 : i1 to i32
    %cond3A_8 = arith.constant 0 : i32
    %cond3A_9 = arith.cmpi ne, %convert_element_type3A_7, %cond3A_8 : i32
    scf.if %cond3A_9 {
      %mul3A_15 = arith.constant 160 : i32
      %mul3A_16 = arith.muli %arg1, %mul3A_15 : i32
      %add3A = arith.constant 80 : i32
      %add3A_17 = arith.addi %mul3A_16, %add3A : i32
      "tpu.region"() ({
        %run_scoped3A = tpu.sem_alloc : memref<!tpu.dma_semaphore, #tpu.memory_space<semaphore_mem>>
        %dma_start3A_61 = arith.constant 0 : i32
        %dma_start3A_62 = arith.constant 0 : i32
        %dma_start3A_63 = tpu.memref_slice %arg7[%dma_start3A_61, %dma_start3A_62] : memref<80x128xi32, #tpu.memory_space<vmem>> -> memref<80x128xi32, #tpu.memory_space<vmem>>
        %dma_start3A_64 = arith.constant 0 : i32
        %dma_start3A_65 = tpu.memref_slice %arg2[%add3A_17, %dma_start3A_64] : memref<2560x128xi32, #tpu.memory_space<hbm>> -> memref<80x128xi32, #tpu.memory_space<hbm>>
        %dma_start3A_66 = arith.constant 0 : i32
        %dma_start3A_67 = arith.constant 0 : i32
        %dma_start3A_68 = tpu.memref_slice %arg7[%dma_start3A_66, %dma_start3A_67] : memref<80x128xi32, #tpu.memory_space<vmem>> -> memref<80x128xi32, #tpu.memory_space<vmem>>
        %dma_start3A_69 = arith.constant 0 : i32
        %dma_start3A_70 = tpu.memref_slice %arg2[%add3A_17, %dma_start3A_69] : memref<2560x128xi32, #tpu.memory_space<hbm>> -> memref<80x128xi32, #tpu.memory_space<hbm>>
        tpu.enqueue_dma source(%dma_start3A_70 : memref<80x128xi32, #tpu.memory_space<hbm>>) target(%dma_start3A_68 : memref<80x128xi32, #tpu.memory_space<vmem>>) target_semaphore(%run_scoped3A : memref<!tpu.dma_semaphore, #tpu.memory_space<semaphore_mem>>)
        %dma_wait3A_71 = arith.constant 0 : i32
        %dma_wait3A_72 = arith.constant 0 : i32
        %dma_wait3A_73 = tpu.memref_slice %arg7[%dma_wait3A_71, %dma_wait3A_72] : memref<80x128xi32, #tpu.memory_space<vmem>> -> memref<80x128xi32, #tpu.memory_space<vmem>>
        %dma_wait3A_74 = arith.constant 0 : i32
        %dma_wait3A_75 = tpu.memref_slice %arg2[%add3A_17, %dma_wait3A_74] : memref<2560x128xi32, #tpu.memory_space<hbm>> -> memref<80x128xi32, #tpu.memory_space<hbm>>
        %dma_wait3A_76 = arith.constant 0 : i32
        %dma_wait3A_77 = arith.constant 0 : i32
        %dma_wait3A_78 = tpu.memref_slice %arg7[%dma_wait3A_76, %dma_wait3A_77] : memref<80x128xi32, #tpu.memory_space<vmem>> -> memref<80x128xi32, #tpu.memory_space<vmem>>
        %dma_wait3A_79 = arith.constant 0 : i32
        %dma_wait3A_80 = tpu.memref_slice %arg2[%add3A_17, %dma_wait3A_79] : memref<2560x128xi32, #tpu.memory_space<hbm>> -> memref<80x128xi32, #tpu.memory_space<hbm>>
        tpu.wait_dma2 semaphore(%run_scoped3A : memref<!tpu.dma_semaphore, #tpu.memory_space<semaphore_mem>>) src(%dma_wait3A_80 : memref<80x128xi32, #tpu.memory_space<hbm>>) dst(%dma_wait3A_78 : memref<80x128xi32, #tpu.memory_space<vmem>>)
        tpu.yield
      }) : () -> ()
      "tpu.region"() ({
        %run_scoped3A = tpu.sem_alloc : memref<!tpu.dma_semaphore, #tpu.memory_space<semaphore_mem>>
        %dma_start3A_61 = arith.constant 0 : i32
        %dma_start3A_62 = arith.constant 0 : i32
        %dma_start3A_63 = tpu.memref_slice %arg8[%dma_start3A_61, %dma_start3A_62] : memref<80x128xi32, #tpu.memory_space<vmem>> -> memref<80x128xi32, #tpu.memory_space<vmem>>
        %dma_start3A_64 = arith.constant 0 : i32
        %dma_start3A_65 = tpu.memref_slice %arg3[%add3A_17, %dma_start3A_64] : memref<2560x128xi32, #tpu.memory_space<hbm>> -> memref<80x128xi32, #tpu.memory_space<hbm>>
        %dma_start3A_66 = arith.constant 0 : i32
        %dma_start3A_67 = arith.constant 0 : i32
        %dma_start3A_68 = tpu.memref_slice %arg8[%dma_start3A_66, %dma_start3A_67] : memref<80x128xi32, #tpu.memory_space<vmem>> -> memref<80x128xi32, #tpu.memory_space<vmem>>
        %dma_start3A_69 = arith.constant 0 : i32
        %dma_start3A_70 = tpu.memref_slice %arg3[%add3A_17, %dma_start3A_69] : memref<2560x128xi32, #tpu.memory_space<hbm>> -> memref<80x128xi32, #tpu.memory_space<hbm>>
        tpu.enqueue_dma source(%dma_start3A_70 : memref<80x128xi32, #tpu.memory_space<hbm>>) target(%dma_start3A_68 : memref<80x128xi32, #tpu.memory_space<vmem>>) target_semaphore(%run_scoped3A : memref<!tpu.dma_semaphore, #tpu.memory_space<semaphore_mem>>)
        %dma_wait3A_71 = arith.constant 0 : i32
        %dma_wait3A_72 = arith.constant 0 : i32
        %dma_wait3A_73 = tpu.memref_slice %arg8[%dma_wait3A_71, %dma_wait3A_72] : memref<80x128xi32, #tpu.memory_space<vmem>> -> memref<80x128xi32, #tpu.memory_space<vmem>>
        %dma_wait3A_74 = arith.constant 0 : i32
        %dma_wait3A_75 = tpu.memref_slice %arg3[%add3A_17, %dma_wait3A_74] : memref<2560x128xi32, #tpu.memory_space<hbm>> -> memref<80x128xi32, #tpu.memory_space<hbm>>
        %dma_wait3A_76 = arith.constant 0 : i32
        %dma_wait3A_77 = arith.constant 0 : i32
        %dma_wait3A_78 = tpu.memref_slice %arg8[%dma_wait3A_76, %dma_wait3A_77] : memref<80x128xi32, #tpu.memory_space<vmem>> -> memref<80x128xi32, #tpu.memory_space<vmem>>
        %dma_wait3A_79 = arith.constant 0 : i32
        %dma_wait3A_80 = tpu.memref_slice %arg3[%add3A_17, %dma_wait3A_79] : memref<2560x128xi32, #tpu.memory_space<hbm>> -> memref<80x128xi32, #tpu.memory_space<hbm>>
        tpu.wait_dma2 semaphore(%run_scoped3A : memref<!tpu.dma_semaphore, #tpu.memory_space<semaphore_mem>>) src(%dma_wait3A_80 : memref<80x128xi32, #tpu.memory_space<hbm>>) dst(%dma_wait3A_78 : memref<80x128xi32, #tpu.memory_space<vmem>>)
        tpu.yield
      }) : () -> ()
      %dma_start3A = arith.constant 0 : i32
      %dma_start3A_18 = arith.constant 0 : i32
      %dma_start3A_19 = arith.constant 0 : i32
      %dma_start3A_20 = tpu.memref_slice %arg9[%dma_start3A_18, %dma_start3A_19] : memref<512x32xf32, #tpu.memory_space<vmem>> -> memref<128x32xf32, #tpu.memory_space<vmem>>
      %dma_start3A_21 = arith.constant 0 : i32
      %dma_start3A_22 = tpu.memref_slice %arg7[%dma_start3A, %dma_start3A_21] : memref<80x128xi32, #tpu.memory_space<vmem>> -> memref<1x128xi32, #tpu.memory_space<vmem>>
      %dma_start3A_23 = tpu.memref_squeeze %dma_start3A_22 : memref<1x128xi32, #tpu.memory_space<vmem>> -> memref<128xi32, #tpu.memory_space<vmem>>
      %dma_start3A_24 = arith.constant 0 : i32
      %dma_start3A_25 = arith.constant 0 : i32
      %dma_start3A_26 = tpu.memref_slice %arg4[%dma_start3A_24, %dma_start3A_25] : memref<10000x32xf32, #tpu.memory_space<hbm>> -> memref<10000x32xf32, #tpu.memory_space<hbm>>
      tpu.enqueue_indirect_dma source(%dma_start3A_26 : memref<10000x32xf32, #tpu.memory_space<hbm>>) target(%dma_start3A_20 : memref<128x32xf32, #tpu.memory_space<vmem>>) offsets(%dma_start3A_23 : memref<128xi32, #tpu.memory_space<vmem>>) semaphore(%arg11 : memref<!tpu.dma_semaphore, #tpu.memory_space<semaphore_mem>>)
      %dma_start3A_27 = arith.constant 1 : i32
      %dma_start3A_28 = arith.constant 128 : i32
      %dma_start3A_29 = arith.constant 0 : i32
      %dma_start3A_30 = tpu.memref_slice %arg9[%dma_start3A_28, %dma_start3A_29] : memref<512x32xf32, #tpu.memory_space<vmem>> -> memref<128x32xf32, #tpu.memory_space<vmem>>
      %dma_start3A_31 = arith.constant 0 : i32
      %dma_start3A_32 = tpu.memref_slice %arg7[%dma_start3A_27, %dma_start3A_31] : memref<80x128xi32, #tpu.memory_space<vmem>> -> memref<1x128xi32, #tpu.memory_space<vmem>>
      %dma_start3A_33 = tpu.memref_squeeze %dma_start3A_32 : memref<1x128xi32, #tpu.memory_space<vmem>> -> memref<128xi32, #tpu.memory_space<vmem>>
      %dma_start3A_34 = arith.constant 0 : i32
      %dma_start3A_35 = arith.constant 0 : i32
      %dma_start3A_36 = tpu.memref_slice %arg4[%dma_start3A_34, %dma_start3A_35] : memref<10000x32xf32, #tpu.memory_space<hbm>> -> memref<10000x32xf32, #tpu.memory_space<hbm>>
      tpu.enqueue_indirect_dma source(%dma_start3A_36 : memref<10000x32xf32, #tpu.memory_space<hbm>>) target(%dma_start3A_30 : memref<128x32xf32, #tpu.memory_space<vmem>>) offsets(%dma_start3A_33 : memref<128xi32, #tpu.memory_space<vmem>>) semaphore(%arg12 : memref<!tpu.dma_semaphore, #tpu.memory_space<semaphore_mem>>)
      %scan3A = arith.constant 0 : i32
      %scan3A_37 = arith.constant 0 : i32
      %scan3A_38 = arith.constant 20 : i32
      %scan3A_39 = arith.addi %scan3A_37, %scan3A_38 : i32
      %scan3A_40 = arith.constant 1 : i32
      scf.for %scan3A_61 = %scan3A_37 to %scan3A_39 step %scan3A_40  : i32 {
        %mul3A_62 = arith.constant 4 : i32
        %mul3A_63 = arith.muli %mul3A_62, %scan3A_61 : i32
        %add3A_64 = arith.constant 0 : i32
        %add3A_65 = arith.addi %mul3A_63, %add3A_64 : i32
        %dma_wait3A_66 = arith.constant 0 : i32
        %dma_wait3A_67 = arith.constant 0 : i32
        %dma_wait3A_68 = tpu.memref_slice %arg9[%dma_wait3A_66, %dma_wait3A_67] : memref<512x32xf32, #tpu.memory_space<vmem>> -> memref<128x32xf32, #tpu.memory_space<vmem>>
        %dma_wait3A_69 = arith.constant 0 : i32
        %dma_wait3A_70 = tpu.memref_slice %arg7[%add3A_65, %dma_wait3A_69] : memref<80x128xi32, #tpu.memory_space<vmem>> -> memref<1x128xi32, #tpu.memory_space<vmem>>
        %dma_wait3A_71 = tpu.memref_squeeze %dma_wait3A_70 : memref<1x128xi32, #tpu.memory_space<vmem>> -> memref<128xi32, #tpu.memory_space<vmem>>
        %dma_wait3A_72 = arith.constant 0 : i32
        %dma_wait3A_73 = arith.constant 0 : i32
        %dma_wait3A_74 = tpu.memref_slice %arg4[%dma_wait3A_72, %dma_wait3A_73] : memref<10000x32xf32, #tpu.memory_space<hbm>> -> memref<10000x32xf32, #tpu.memory_space<hbm>>
        tpu.wait_indirect_dma semaphore(%arg11 : memref<!tpu.dma_semaphore, #tpu.memory_space<semaphore_mem>>) src(%dma_wait3A_74 : memref<10000x32xf32, #tpu.memory_space<hbm>>) dst(%dma_wait3A_68 : memref<128x32xf32, #tpu.memory_space<vmem>>)
        %dma_start3A_75 = arith.constant 0 : i32
        %dma_start3A_76 = arith.constant 0 : i32
        %dma_start3A_77 = tpu.memref_slice %arg9[%dma_start3A_75, %dma_start3A_76] : memref<512x32xf32, #tpu.memory_space<vmem>> -> memref<128x32xf32, #tpu.memory_space<vmem>>
        %dma_start3A_78 = arith.constant 0 : i32
        %dma_start3A_79 = tpu.memref_slice %arg8[%add3A_65, %dma_start3A_78] : memref<80x128xi32, #tpu.memory_space<vmem>> -> memref<1x128xi32, #tpu.memory_space<vmem>>
        %dma_start3A_80 = tpu.memref_squeeze %dma_start3A_79 : memref<1x128xi32, #tpu.memory_space<vmem>> -> memref<128xi32, #tpu.memory_space<vmem>>
        %dma_start3A_81 = arith.constant 0 : i32
        %dma_start3A_82 = arith.constant 0 : i32
        %dma_start3A_83 = tpu.memref_slice %arg10[%dma_start3A_81, %dma_start3A_82] : memref<10112x32xf32, #tpu.memory_space<vmem_shared>> -> memref<10112x32xf32, #tpu.memory_space<vmem_shared>>
        tpu.enqueue_indirect_dma source(%dma_start3A_77 : memref<128x32xf32, #tpu.memory_space<vmem>>) target(%dma_start3A_83 : memref<10112x32xf32, #tpu.memory_space<vmem_shared>>) offsets(%dma_start3A_80 : memref<128xi32, #tpu.memory_space<vmem>>) semaphore(%arg15 : memref<!tpu.dma_semaphore, #tpu.memory_space<semaphore_mem>>) {add = true}
        %ge3A = arith.constant 2 : i32
        %ge3A_84 = arith.cmpi sge, %add3A_65, %ge3A : i32
        %convert_element_type3A_85 = arith.extui %ge3A_84 : i1 to i32
        %cond3A_86 = arith.constant 0 : i32
        %cond3A_87 = arith.cmpi ne, %convert_element_type3A_85, %cond3A_86 : i32
        scf.if %cond3A_87 {
          %sub3A = arith.constant 2 : i32
          %sub3A_196 = arith.subi %add3A_65, %sub3A : i32
          %dma_wait3A_197 = arith.constant 256 : i32
          %dma_wait3A_198 = arith.constant 0 : i32
          %dma_wait3A_199 = tpu.memref_slice %arg9[%dma_wait3A_197, %dma_wait3A_198] : memref<512x32xf32, #tpu.memory_space<vmem>> -> memref<128x32xf32, #tpu.memory_space<vmem>>
          %dma_wait3A_200 = arith.constant 0 : i32
          %dma_wait3A_201 = tpu.memref_slice %arg8[%sub3A_196, %dma_wait3A_200] : memref<80x128xi32, #tpu.memory_space<vmem>> -> memref<1x128xi32, #tpu.memory_space<vmem>>
          %dma_wait3A_202 = tpu.memref_squeeze %dma_wait3A_201 : memref<1x128xi32, #tpu.memory_space<vmem>> -> memref<128xi32, #tpu.memory_space<vmem>>
          %dma_wait3A_203 = arith.constant 0 : i32
          %dma_wait3A_204 = arith.constant 0 : i32
          %dma_wait3A_205 = tpu.memref_slice %arg10[%dma_wait3A_203, %dma_wait3A_204] : memref<10112x32xf32, #tpu.memory_space<vmem_shared>> -> memref<10112x32xf32, #tpu.memory_space<vmem_shared>>
          tpu.wait_indirect_dma semaphore(%arg17 : memref<!tpu.dma_semaphore, #tpu.memory_space<semaphore_mem>>) src(%dma_wait3A_199 : memref<128x32xf32, #tpu.memory_space<vmem>>) dst(%dma_wait3A_205 : memref<10112x32xf32, #tpu.memory_space<vmem_shared>>)
        } else {
        }
        %add3A_88 = arith.constant 2 : i32
        %add3A_89 = arith.addi %add3A_65, %add3A_88 : i32
        %lt3A = arith.constant 80 : i32
        %lt3A_90 = arith.cmpi slt, %add3A_89, %lt3A : i32
        %convert_element_type3A_91 = arith.extui %lt3A_90 : i1 to i32
        %cond3A_92 = arith.constant 0 : i32
        %cond3A_93 = arith.cmpi ne, %convert_element_type3A_91, %cond3A_92 : i32
        scf.if %cond3A_93 {
          %add3A_196 = arith.constant 2 : i32
          %add3A_197 = arith.addi %add3A_65, %add3A_196 : i32
          %dma_start3A_198 = arith.constant 256 : i32
          %dma_start3A_199 = arith.constant 0 : i32
          %dma_start3A_200 = tpu.memref_slice %arg9[%dma_start3A_198, %dma_start3A_199] : memref<512x32xf32, #tpu.memory_space<vmem>> -> memref<128x32xf32, #tpu.memory_space<vmem>>
          %dma_start3A_201 = arith.constant 0 : i32
          %dma_start3A_202 = tpu.memref_slice %arg7[%add3A_197, %dma_start3A_201] : memref<80x128xi32, #tpu.memory_space<vmem>> -> memref<1x128xi32, #tpu.memory_space<vmem>>
          %dma_start3A_203 = tpu.memref_squeeze %dma_start3A_202 : memref<1x128xi32, #tpu.memory_space<vmem>> -> memref<128xi32, #tpu.memory_space<vmem>>
          %dma_start3A_204 = arith.constant 0 : i32
          %dma_start3A_205 = arith.constant 0 : i32
          %dma_start3A_206 = tpu.memref_slice %arg4[%dma_start3A_204, %dma_start3A_205] : memref<10000x32xf32, #tpu.memory_space<hbm>> -> memref<10000x32xf32, #tpu.memory_space<hbm>>
          tpu.enqueue_indirect_dma source(%dma_start3A_206 : memref<10000x32xf32, #tpu.memory_space<hbm>>) target(%dma_start3A_200 : memref<128x32xf32, #tpu.memory_space<vmem>>) offsets(%dma_start3A_203 : memref<128xi32, #tpu.memory_space<vmem>>) semaphore(%arg13 : memref<!tpu.dma_semaphore, #tpu.memory_space<semaphore_mem>>)
        } else {
        }
        %mul3A_94 = arith.constant 4 : i32
        %mul3A_95 = arith.muli %mul3A_94, %scan3A_61 : i32
        %add3A_96 = arith.constant 1 : i32
        %add3A_97 = arith.addi %mul3A_95, %add3A_96 : i32
        %dma_wait3A_98 = arith.constant 128 : i32
        %dma_wait3A_99 = arith.constant 0 : i32
        %dma_wait3A_100 = tpu.memref_slice %arg9[%dma_wait3A_98, %dma_wait3A_99] : memref<512x32xf32, #tpu.memory_space<vmem>> -> memref<128x32xf32, #tpu.memory_space<vmem>>
        %dma_wait3A_101 = arith.constant 0 : i32
        %dma_wait3A_102 = tpu.memref_slice %arg7[%add3A_97, %dma_wait3A_101] : memref<80x128xi32, #tpu.memory_space<vmem>> -> memref<1x128xi32, #tpu.memory_space<vmem>>
        %dma_wait3A_103 = tpu.memref_squeeze %dma_wait3A_102 : memref<1x128xi32, #tpu.memory_space<vmem>> -> memref<128xi32, #tpu.memory_space<vmem>>
        %dma_wait3A_104 = arith.constant 0 : i32
        %dma_wait3A_105 = arith.constant 0 : i32
        %dma_wait3A_106 = tpu.memref_slice %arg4[%dma_wait3A_104, %dma_wait3A_105] : memref<10000x32xf32, #tpu.memory_space<hbm>> -> memref<10000x32xf32, #tpu.memory_space<hbm>>
        tpu.wait_indirect_dma semaphore(%arg12 : memref<!tpu.dma_semaphore, #tpu.memory_space<semaphore_mem>>) src(%dma_wait3A_106 : memref<10000x32xf32, #tpu.memory_space<hbm>>) dst(%dma_wait3A_100 : memref<128x32xf32, #tpu.memory_space<vmem>>)
        %dma_start3A_107 = arith.constant 128 : i32
        %dma_start3A_108 = arith.constant 0 : i32
        %dma_start3A_109 = tpu.memref_slice %arg9[%dma_start3A_107, %dma_start3A_108] : memref<512x32xf32, #tpu.memory_space<vmem>> -> memref<128x32xf32, #tpu.memory_space<vmem>>
        %dma_start3A_110 = arith.constant 0 : i32
        %dma_start3A_111 = tpu.memref_slice %arg8[%add3A_97, %dma_start3A_110] : memref<80x128xi32, #tpu.memory_space<vmem>> -> memref<1x128xi32, #tpu.memory_space<vmem>>
        %dma_start3A_112 = tpu.memref_squeeze %dma_start3A_111 : memref<1x128xi32, #tpu.memory_space<vmem>> -> memref<128xi32, #tpu.memory_space<vmem>>
        %dma_start3A_113 = arith.constant 0 : i32
        %dma_start3A_114 = arith.constant 0 : i32
        %dma_start3A_115 = tpu.memref_slice %arg10[%dma_start3A_113, %dma_start3A_114] : memref<10112x32xf32, #tpu.memory_space<vmem_shared>> -> memref<10112x32xf32, #tpu.memory_space<vmem_shared>>
        tpu.enqueue_indirect_dma source(%dma_start3A_109 : memref<128x32xf32, #tpu.memory_space<vmem>>) target(%dma_start3A_115 : memref<10112x32xf32, #tpu.memory_space<vmem_shared>>) offsets(%dma_start3A_112 : memref<128xi32, #tpu.memory_space<vmem>>) semaphore(%arg16 : memref<!tpu.dma_semaphore, #tpu.memory_space<semaphore_mem>>) {add = true}
        %ge3A_116 = arith.constant 2 : i32
        %ge3A_117 = arith.cmpi sge, %add3A_97, %ge3A_116 : i32
        %convert_element_type3A_118 = arith.extui %ge3A_117 : i1 to i32
        %cond3A_119 = arith.constant 0 : i32
        %cond3A_120 = arith.cmpi ne, %convert_element_type3A_118, %cond3A_119 : i32
        scf.if %cond3A_120 {
          %sub3A = arith.constant 2 : i32
          %sub3A_196 = arith.subi %add3A_97, %sub3A : i32
          %dma_wait3A_197 = arith.constant 384 : i32
          %dma_wait3A_198 = arith.constant 0 : i32
          %dma_wait3A_199 = tpu.memref_slice %arg9[%dma_wait3A_197, %dma_wait3A_198] : memref<512x32xf32, #tpu.memory_space<vmem>> -> memref<128x32xf32, #tpu.memory_space<vmem>>
          %dma_wait3A_200 = arith.constant 0 : i32
          %dma_wait3A_201 = tpu.memref_slice %arg8[%sub3A_196, %dma_wait3A_200] : memref<80x128xi32, #tpu.memory_space<vmem>> -> memref<1x128xi32, #tpu.memory_space<vmem>>
          %dma_wait3A_202 = tpu.memref_squeeze %dma_wait3A_201 : memref<1x128xi32, #tpu.memory_space<vmem>> -> memref<128xi32, #tpu.memory_space<vmem>>
          %dma_wait3A_203 = arith.constant 0 : i32
          %dma_wait3A_204 = arith.constant 0 : i32
          %dma_wait3A_205 = tpu.memref_slice %arg10[%dma_wait3A_203, %dma_wait3A_204] : memref<10112x32xf32, #tpu.memory_space<vmem_shared>> -> memref<10112x32xf32, #tpu.memory_space<vmem_shared>>
          tpu.wait_indirect_dma semaphore(%arg18 : memref<!tpu.dma_semaphore, #tpu.memory_space<semaphore_mem>>) src(%dma_wait3A_199 : memref<128x32xf32, #tpu.memory_space<vmem>>) dst(%dma_wait3A_205 : memref<10112x32xf32, #tpu.memory_space<vmem_shared>>)
        } else {
        }
        %add3A_121 = arith.constant 2 : i32
        %add3A_122 = arith.addi %add3A_97, %add3A_121 : i32
        %lt3A_123 = arith.constant 80 : i32
        %lt3A_124 = arith.cmpi slt, %add3A_122, %lt3A_123 : i32
        %convert_element_type3A_125 = arith.extui %lt3A_124 : i1 to i32
        %cond3A_126 = arith.constant 0 : i32
        %cond3A_127 = arith.cmpi ne, %convert_element_type3A_125, %cond3A_126 : i32
        scf.if %cond3A_127 {
          %add3A_196 = arith.constant 2 : i32
          %add3A_197 = arith.addi %add3A_97, %add3A_196 : i32
          %dma_start3A_198 = arith.constant 384 : i32
          %dma_start3A_199 = arith.constant 0 : i32
          %dma_start3A_200 = tpu.memref_slice %arg9[%dma_start3A_198, %dma_start3A_199] : memref<512x32xf32, #tpu.memory_space<vmem>> -> memref<128x32xf32, #tpu.memory_space<vmem>>
          %dma_start3A_201 = arith.constant 0 : i32
          %dma_start3A_202 = tpu.memref_slice %arg7[%add3A_197, %dma_start3A_201] : memref<80x128xi32, #tpu.memory_space<vmem>> -> memref<1x128xi32, #tpu.memory_space<vmem>>
          %dma_start3A_203 = tpu.memref_squeeze %dma_start3A_202 : memref<1x128xi32, #tpu.memory_space<vmem>> -> memref<128xi32, #tpu.memory_space<vmem>>
          %dma_start3A_204 = arith.constant 0 : i32
          %dma_start3A_205 = arith.constant 0 : i32
          %dma_start3A_206 = tpu.memref_slice %arg4[%dma_start3A_204, %dma_start3A_205] : memref<10000x32xf32, #tpu.memory_space<hbm>> -> memref<10000x32xf32, #tpu.memory_space<hbm>>
          tpu.enqueue_indirect_dma source(%dma_start3A_206 : memref<10000x32xf32, #tpu.memory_space<hbm>>) target(%dma_start3A_200 : memref<128x32xf32, #tpu.memory_space<vmem>>) offsets(%dma_start3A_203 : memref<128xi32, #tpu.memory_space<vmem>>) semaphore(%arg14 : memref<!tpu.dma_semaphore, #tpu.memory_space<semaphore_mem>>)
        } else {
        }
        %mul3A_128 = arith.constant 4 : i32
        %mul3A_129 = arith.muli %mul3A_128, %scan3A_61 : i32
        %add3A_130 = arith.constant 2 : i32
        %add3A_131 = arith.addi %mul3A_129, %add3A_130 : i32
        %dma_wait3A_132 = arith.constant 256 : i32
        %dma_wait3A_133 = arith.constant 0 : i32
        %dma_wait3A_134 = tpu.memref_slice %arg9[%dma_wait3A_132, %dma_wait3A_133] : memref<512x32xf32, #tpu.memory_space<vmem>> -> memref<128x32xf32, #tpu.memory_space<vmem>>
        %dma_wait3A_135 = arith.constant 0 : i32
        %dma_wait3A_136 = tpu.memref_slice %arg7[%add3A_131, %dma_wait3A_135] : memref<80x128xi32, #tpu.memory_space<vmem>> -> memref<1x128xi32, #tpu.memory_space<vmem>>
        %dma_wait3A_137 = tpu.memref_squeeze %dma_wait3A_136 : memref<1x128xi32, #tpu.memory_space<vmem>> -> memref<128xi32, #tpu.memory_space<vmem>>
        %dma_wait3A_138 = arith.constant 0 : i32
        %dma_wait3A_139 = arith.constant 0 : i32
        %dma_wait3A_140 = tpu.memref_slice %arg4[%dma_wait3A_138, %dma_wait3A_139] : memref<10000x32xf32, #tpu.memory_space<hbm>> -> memref<10000x32xf32, #tpu.memory_space<hbm>>
        tpu.wait_indirect_dma semaphore(%arg13 : memref<!tpu.dma_semaphore, #tpu.memory_space<semaphore_mem>>) src(%dma_wait3A_140 : memref<10000x32xf32, #tpu.memory_space<hbm>>) dst(%dma_wait3A_134 : memref<128x32xf32, #tpu.memory_space<vmem>>)
        %dma_start3A_141 = arith.constant 256 : i32
        %dma_start3A_142 = arith.constant 0 : i32
        %dma_start3A_143 = tpu.memref_slice %arg9[%dma_start3A_141, %dma_start3A_142] : memref<512x32xf32, #tpu.memory_space<vmem>> -> memref<128x32xf32, #tpu.memory_space<vmem>>
        %dma_start3A_144 = arith.constant 0 : i32
        %dma_start3A_145 = tpu.memref_slice %arg8[%add3A_131, %dma_start3A_144] : memref<80x128xi32, #tpu.memory_space<vmem>> -> memref<1x128xi32, #tpu.memory_space<vmem>>
        %dma_start3A_146 = tpu.memref_squeeze %dma_start3A_145 : memref<1x128xi32, #tpu.memory_space<vmem>> -> memref<128xi32, #tpu.memory_space<vmem>>
        %dma_start3A_147 = arith.constant 0 : i32
        %dma_start3A_148 = arith.constant 0 : i32
        %dma_start3A_149 = tpu.memref_slice %arg10[%dma_start3A_147, %dma_start3A_148] : memref<10112x32xf32, #tpu.memory_space<vmem_shared>> -> memref<10112x32xf32, #tpu.memory_space<vmem_shared>>
        tpu.enqueue_indirect_dma source(%dma_start3A_143 : memref<128x32xf32, #tpu.memory_space<vmem>>) target(%dma_start3A_149 : memref<10112x32xf32, #tpu.memory_space<vmem_shared>>) offsets(%dma_start3A_146 : memref<128xi32, #tpu.memory_space<vmem>>) semaphore(%arg17 : memref<!tpu.dma_semaphore, #tpu.memory_space<semaphore_mem>>) {add = true}
        %ge3A_150 = arith.constant 2 : i32
        %ge3A_151 = arith.cmpi sge, %add3A_131, %ge3A_150 : i32
        %convert_element_type3A_152 = arith.extui %ge3A_151 : i1 to i32
        %cond3A_153 = arith.constant 0 : i32
        %cond3A_154 = arith.cmpi ne, %convert_element_type3A_152, %cond3A_153 : i32
        scf.if %cond3A_154 {
          %sub3A = arith.constant 2 : i32
          %sub3A_196 = arith.subi %add3A_131, %sub3A : i32
          %dma_wait3A_197 = arith.constant 0 : i32
          %dma_wait3A_198 = arith.constant 0 : i32
          %dma_wait3A_199 = tpu.memref_slice %arg9[%dma_wait3A_197, %dma_wait3A_198] : memref<512x32xf32, #tpu.memory_space<vmem>> -> memref<128x32xf32, #tpu.memory_space<vmem>>
          %dma_wait3A_200 = arith.constant 0 : i32
          %dma_wait3A_201 = tpu.memref_slice %arg8[%sub3A_196, %dma_wait3A_200] : memref<80x128xi32, #tpu.memory_space<vmem>> -> memref<1x128xi32, #tpu.memory_space<vmem>>
          %dma_wait3A_202 = tpu.memref_squeeze %dma_wait3A_201 : memref<1x128xi32, #tpu.memory_space<vmem>> -> memref<128xi32, #tpu.memory_space<vmem>>
          %dma_wait3A_203 = arith.constant 0 : i32
          %dma_wait3A_204 = arith.constant 0 : i32
          %dma_wait3A_205 = tpu.memref_slice %arg10[%dma_wait3A_203, %dma_wait3A_204] : memref<10112x32xf32, #tpu.memory_space<vmem_shared>> -> memref<10112x32xf32, #tpu.memory_space<vmem_shared>>
          tpu.wait_indirect_dma semaphore(%arg15 : memref<!tpu.dma_semaphore, #tpu.memory_space<semaphore_mem>>) src(%dma_wait3A_199 : memref<128x32xf32, #tpu.memory_space<vmem>>) dst(%dma_wait3A_205 : memref<10112x32xf32, #tpu.memory_space<vmem_shared>>)
        } else {
        }
        %add3A_155 = arith.constant 2 : i32
        %add3A_156 = arith.addi %add3A_131, %add3A_155 : i32
        %lt3A_157 = arith.constant 80 : i32
        %lt3A_158 = arith.cmpi slt, %add3A_156, %lt3A_157 : i32
        %convert_element_type3A_159 = arith.extui %lt3A_158 : i1 to i32
        %cond3A_160 = arith.constant 0 : i32
        %cond3A_161 = arith.cmpi ne, %convert_element_type3A_159, %cond3A_160 : i32
        scf.if %cond3A_161 {
          %add3A_196 = arith.constant 2 : i32
          %add3A_197 = arith.addi %add3A_131, %add3A_196 : i32
          %dma_start3A_198 = arith.constant 0 : i32
          %dma_start3A_199 = arith.constant 0 : i32
          %dma_start3A_200 = tpu.memref_slice %arg9[%dma_start3A_198, %dma_start3A_199] : memref<512x32xf32, #tpu.memory_space<vmem>> -> memref<128x32xf32, #tpu.memory_space<vmem>>
          %dma_start3A_201 = arith.constant 0 : i32
          %dma_start3A_202 = tpu.memref_slice %arg7[%add3A_197, %dma_start3A_201] : memref<80x128xi32, #tpu.memory_space<vmem>> -> memref<1x128xi32, #tpu.memory_space<vmem>>
          %dma_start3A_203 = tpu.memref_squeeze %dma_start3A_202 : memref<1x128xi32, #tpu.memory_space<vmem>> -> memref<128xi32, #tpu.memory_space<vmem>>
          %dma_start3A_204 = arith.constant 0 : i32
          %dma_start3A_205 = arith.constant 0 : i32
          %dma_start3A_206 = tpu.memref_slice %arg4[%dma_start3A_204, %dma_start3A_205] : memref<10000x32xf32, #tpu.memory_space<hbm>> -> memref<10000x32xf32, #tpu.memory_space<hbm>>
          tpu.enqueue_indirect_dma source(%dma_start3A_206 : memref<10000x32xf32, #tpu.memory_space<hbm>>) target(%dma_start3A_200 : memref<128x32xf32, #tpu.memory_space<vmem>>) offsets(%dma_start3A_203 : memref<128xi32, #tpu.memory_space<vmem>>) semaphore(%arg11 : memref<!tpu.dma_semaphore, #tpu.memory_space<semaphore_mem>>)
        } else {
        }
        %mul3A_162 = arith.constant 4 : i32
        %mul3A_163 = arith.muli %mul3A_162, %scan3A_61 : i32
        %add3A_164 = arith.constant 3 : i32
        %add3A_165 = arith.addi %mul3A_163, %add3A_164 : i32
        %dma_wait3A_166 = arith.constant 384 : i32
        %dma_wait3A_167 = arith.constant 0 : i32
        %dma_wait3A_168 = tpu.memref_slice %arg9[%dma_wait3A_166, %dma_wait3A_167] : memref<512x32xf32, #tpu.memory_space<vmem>> -> memref<128x32xf32, #tpu.memory_space<vmem>>
        %dma_wait3A_169 = arith.constant 0 : i32
        %dma_wait3A_170 = tpu.memref_slice %arg7[%add3A_165, %dma_wait3A_169] : memref<80x128xi32, #tpu.memory_space<vmem>> -> memref<1x128xi32, #tpu.memory_space<vmem>>
        %dma_wait3A_171 = tpu.memref_squeeze %dma_wait3A_170 : memref<1x128xi32, #tpu.memory_space<vmem>> -> memref<128xi32, #tpu.memory_space<vmem>>
        %dma_wait3A_172 = arith.constant 0 : i32
        %dma_wait3A_173 = arith.constant 0 : i32
        %dma_wait3A_174 = tpu.memref_slice %arg4[%dma_wait3A_172, %dma_wait3A_173] : memref<10000x32xf32, #tpu.memory_space<hbm>> -> memref<10000x32xf32, #tpu.memory_space<hbm>>
        tpu.wait_indirect_dma semaphore(%arg14 : memref<!tpu.dma_semaphore, #tpu.memory_space<semaphore_mem>>) src(%dma_wait3A_174 : memref<10000x32xf32, #tpu.memory_space<hbm>>) dst(%dma_wait3A_168 : memref<128x32xf32, #tpu.memory_space<vmem>>)
        %dma_start3A_175 = arith.constant 384 : i32
        %dma_start3A_176 = arith.constant 0 : i32
        %dma_start3A_177 = tpu.memref_slice %arg9[%dma_start3A_175, %dma_start3A_176] : memref<512x32xf32, #tpu.memory_space<vmem>> -> memref<128x32xf32, #tpu.memory_space<vmem>>
        %dma_start3A_178 = arith.constant 0 : i32
        %dma_start3A_179 = tpu.memref_slice %arg8[%add3A_165, %dma_start3A_178] : memref<80x128xi32, #tpu.memory_space<vmem>> -> memref<1x128xi32, #tpu.memory_space<vmem>>
        %dma_start3A_180 = tpu.memref_squeeze %dma_start3A_179 : memref<1x128xi32, #tpu.memory_space<vmem>> -> memref<128xi32, #tpu.memory_space<vmem>>
        %dma_start3A_181 = arith.constant 0 : i32
        %dma_start3A_182 = arith.constant 0 : i32
        %dma_start3A_183 = tpu.memref_slice %arg10[%dma_start3A_181, %dma_start3A_182] : memref<10112x32xf32, #tpu.memory_space<vmem_shared>> -> memref<10112x32xf32, #tpu.memory_space<vmem_shared>>
        tpu.enqueue_indirect_dma source(%dma_start3A_177 : memref<128x32xf32, #tpu.memory_space<vmem>>) target(%dma_start3A_183 : memref<10112x32xf32, #tpu.memory_space<vmem_shared>>) offsets(%dma_start3A_180 : memref<128xi32, #tpu.memory_space<vmem>>) semaphore(%arg18 : memref<!tpu.dma_semaphore, #tpu.memory_space<semaphore_mem>>) {add = true}
        %ge3A_184 = arith.constant 2 : i32
        %ge3A_185 = arith.cmpi sge, %add3A_165, %ge3A_184 : i32
        %convert_element_type3A_186 = arith.extui %ge3A_185 : i1 to i32
        %cond3A_187 = arith.constant 0 : i32
        %cond3A_188 = arith.cmpi ne, %convert_element_type3A_186, %cond3A_187 : i32
        scf.if %cond3A_188 {
          %sub3A = arith.constant 2 : i32
          %sub3A_196 = arith.subi %add3A_165, %sub3A : i32
          %dma_wait3A_197 = arith.constant 128 : i32
          %dma_wait3A_198 = arith.constant 0 : i32
          %dma_wait3A_199 = tpu.memref_slice %arg9[%dma_wait3A_197, %dma_wait3A_198] : memref<512x32xf32, #tpu.memory_space<vmem>> -> memref<128x32xf32, #tpu.memory_space<vmem>>
          %dma_wait3A_200 = arith.constant 0 : i32
          %dma_wait3A_201 = tpu.memref_slice %arg8[%sub3A_196, %dma_wait3A_200] : memref<80x128xi32, #tpu.memory_space<vmem>> -> memref<1x128xi32, #tpu.memory_space<vmem>>
          %dma_wait3A_202 = tpu.memref_squeeze %dma_wait3A_201 : memref<1x128xi32, #tpu.memory_space<vmem>> -> memref<128xi32, #tpu.memory_space<vmem>>
          %dma_wait3A_203 = arith.constant 0 : i32
          %dma_wait3A_204 = arith.constant 0 : i32
          %dma_wait3A_205 = tpu.memref_slice %arg10[%dma_wait3A_203, %dma_wait3A_204] : memref<10112x32xf32, #tpu.memory_space<vmem_shared>> -> memref<10112x32xf32, #tpu.memory_space<vmem_shared>>
          tpu.wait_indirect_dma semaphore(%arg16 : memref<!tpu.dma_semaphore, #tpu.memory_space<semaphore_mem>>) src(%dma_wait3A_199 : memref<128x32xf32, #tpu.memory_space<vmem>>) dst(%dma_wait3A_205 : memref<10112x32xf32, #tpu.memory_space<vmem_shared>>)
        } else {
        }
        %add3A_189 = arith.constant 2 : i32
        %add3A_190 = arith.addi %add3A_165, %add3A_189 : i32
        %lt3A_191 = arith.constant 80 : i32
        %lt3A_192 = arith.cmpi slt, %add3A_190, %lt3A_191 : i32
        %convert_element_type3A_193 = arith.extui %lt3A_192 : i1 to i32
        %cond3A_194 = arith.constant 0 : i32
        %cond3A_195 = arith.cmpi ne, %convert_element_type3A_193, %cond3A_194 : i32
        scf.if %cond3A_195 {
          %add3A_196 = arith.constant 2 : i32
          %add3A_197 = arith.addi %add3A_165, %add3A_196 : i32
          %dma_start3A_198 = arith.constant 128 : i32
          %dma_start3A_199 = arith.constant 0 : i32
          %dma_start3A_200 = tpu.memref_slice %arg9[%dma_start3A_198, %dma_start3A_199] : memref<512x32xf32, #tpu.memory_space<vmem>> -> memref<128x32xf32, #tpu.memory_space<vmem>>
          %dma_start3A_201 = arith.constant 0 : i32
          %dma_start3A_202 = tpu.memref_slice %arg7[%add3A_197, %dma_start3A_201] : memref<80x128xi32, #tpu.memory_space<vmem>> -> memref<1x128xi32, #tpu.memory_space<vmem>>
          %dma_start3A_203 = tpu.memref_squeeze %dma_start3A_202 : memref<1x128xi32, #tpu.memory_space<vmem>> -> memref<128xi32, #tpu.memory_space<vmem>>
          %dma_start3A_204 = arith.constant 0 : i32
          %dma_start3A_205 = arith.constant 0 : i32
          %dma_start3A_206 = tpu.memref_slice %arg4[%dma_start3A_204, %dma_start3A_205] : memref<10000x32xf32, #tpu.memory_space<hbm>> -> memref<10000x32xf32, #tpu.memory_space<hbm>>
          tpu.enqueue_indirect_dma source(%dma_start3A_206 : memref<10000x32xf32, #tpu.memory_space<hbm>>) target(%dma_start3A_200 : memref<128x32xf32, #tpu.memory_space<vmem>>) offsets(%dma_start3A_203 : memref<128xi32, #tpu.memory_space<vmem>>) semaphore(%arg12 : memref<!tpu.dma_semaphore, #tpu.memory_space<semaphore_mem>>)
        } else {
        }
      }
      %scan3A_41 = arith.constant 20 : i32
      %dma_wait3A = arith.constant 78 : i32
      %dma_wait3A_42 = arith.constant 256 : i32
      %dma_wait3A_43 = arith.constant 0 : i32
      %dma_wait3A_44 = tpu.memref_slice %arg9[%dma_wait3A_42, %dma_wait3A_43] : memref<512x32xf32, #tpu.memory_space<vmem>> -> memref<128x32xf32, #tpu.memory_space<vmem>>
      %dma_wait3A_45 = arith.constant 0 : i32
      %dma_wait3A_46 = tpu.memref_slice %arg8[%dma_wait3A, %dma_wait3A_45] : memref<80x128xi32, #tpu.memory_space<vmem>> -> memref<1x128xi32, #tpu.memory_space<vmem>>
      %dma_wait3A_47 = tpu.memref_squeeze %dma_wait3A_46 : memref<1x128xi32, #tpu.memory_space<vmem>> -> memref<128xi32, #tpu.memory_space<vmem>>
      %dma_wait3A_48 = arith.constant 0 : i32
      %dma_wait3A_49 = arith.constant 0 : i32
      %dma_wait3A_50 = tpu.memref_slice %arg10[%dma_wait3A_48, %dma_wait3A_49] : memref<10112x32xf32, #tpu.memory_space<vmem_shared>> -> memref<10112x32xf32, #tpu.memory_space<vmem_shared>>
      tpu.wait_indirect_dma semaphore(%arg17 : memref<!tpu.dma_semaphore, #tpu.memory_space<semaphore_mem>>) src(%dma_wait3A_44 : memref<128x32xf32, #tpu.memory_space<vmem>>) dst(%dma_wait3A_50 : memref<10112x32xf32, #tpu.memory_space<vmem_shared>>)
      %dma_wait3A_51 = arith.constant 79 : i32
      %dma_wait3A_52 = arith.constant 384 : i32
      %dma_wait3A_53 = arith.constant 0 : i32
      %dma_wait3A_54 = tpu.memref_slice %arg9[%dma_wait3A_52, %dma_wait3A_53] : memref<512x32xf32, #tpu.memory_space<vmem>> -> memref<128x32xf32, #tpu.memory_space<vmem>>
      %dma_wait3A_55 = arith.constant 0 : i32
      %dma_wait3A_56 = tpu.memref_slice %arg8[%dma_wait3A_51, %dma_wait3A_55] : memref<80x128xi32, #tpu.memory_space<vmem>> -> memref<1x128xi32, #tpu.memory_space<vmem>>
      %dma_wait3A_57 = tpu.memref_squeeze %dma_wait3A_56 : memref<1x128xi32, #tpu.memory_space<vmem>> -> memref<128xi32, #tpu.memory_space<vmem>>
      %dma_wait3A_58 = arith.constant 0 : i32
      %dma_wait3A_59 = arith.constant 0 : i32
      %dma_wait3A_60 = tpu.memref_slice %arg10[%dma_wait3A_58, %dma_wait3A_59] : memref<10112x32xf32, #tpu.memory_space<vmem_shared>> -> memref<10112x32xf32, #tpu.memory_space<vmem_shared>>
      tpu.wait_indirect_dma semaphore(%arg18 : memref<!tpu.dma_semaphore, #tpu.memory_space<semaphore_mem>>) src(%dma_wait3A_54 : memref<128x32xf32, #tpu.memory_space<vmem>>) dst(%dma_wait3A_60 : memref<10112x32xf32, #tpu.memory_space<vmem_shared>>)
    } else {
    }
    %barrier3A_10 = arith.constant 0 : index
    tpu.barrier barrier_id(%barrier3A_10)
    %mul3A_11 = arith.constant 632 : i32
    %mul3A_12 = arith.muli %arg1, %mul3A_11 : i32
    %mul3A_13 = arith.constant 632 : i32
    %mul3A_14 = arith.muli %arg1, %mul3A_13 : i32
    "tpu.region"() ({
      %run_scoped3A = tpu.sem_alloc : memref<!tpu.dma_semaphore, #tpu.memory_space<semaphore_mem>>
      %dma_start3A = arith.constant 0 : i32
      %dma_start3A_15 = tpu.memref_slice %arg6[%arg0, %mul3A_14, %dma_start3A] : memref<2x10112x32xf32, #tpu.memory_space<hbm>> -> memref<1x632x32xf32, #tpu.memory_space<hbm>>
      %dma_start3A_16 = tpu.memref_squeeze %dma_start3A_15 : memref<1x632x32xf32, #tpu.memory_space<hbm>> -> memref<632x32xf32, #tpu.memory_space<hbm>>
      %dma_start3A_17 = arith.constant 0 : i32
      %dma_start3A_18 = tpu.memref_slice %arg10[%mul3A_12, %dma_start3A_17] : memref<10112x32xf32, #tpu.memory_space<vmem_shared>> -> memref<632x32xf32, #tpu.memory_space<vmem_shared>>
      tpu.enqueue_dma source(%dma_start3A_18 : memref<632x32xf32, #tpu.memory_space<vmem_shared>>) target(%dma_start3A_16 : memref<632x32xf32, #tpu.memory_space<hbm>>) target_semaphore(%run_scoped3A : memref<!tpu.dma_semaphore, #tpu.memory_space<semaphore_mem>>)
      %dma_wait3A = arith.constant 0 : i32
      %dma_wait3A_19 = tpu.memref_slice %arg6[%arg0, %mul3A_14, %dma_wait3A] : memref<2x10112x32xf32, #tpu.memory_space<hbm>> -> memref<1x632x32xf32, #tpu.memory_space<hbm>>
      %dma_wait3A_20 = tpu.memref_squeeze %dma_wait3A_19 : memref<1x632x32xf32, #tpu.memory_space<hbm>> -> memref<632x32xf32, #tpu.memory_space<hbm>>
      %dma_wait3A_21 = arith.constant 0 : i32
      %dma_wait3A_22 = tpu.memref_slice %arg10[%mul3A_12, %dma_wait3A_21] : memref<10112x32xf32, #tpu.memory_space<vmem_shared>> -> memref<632x32xf32, #tpu.memory_space<vmem_shared>>
      tpu.wait_dma2 semaphore(%run_scoped3A : memref<!tpu.dma_semaphore, #tpu.memory_space<semaphore_mem>>) src(%dma_wait3A_22 : memref<632x32xf32, #tpu.memory_space<vmem_shared>>) dst(%dma_wait3A_20 : memref<632x32xf32, #tpu.memory_space<hbm>>)
      tpu.yield
    }) : () -> ()
    return
  }
}

module attributes {stable_mosaic.version = 14 : i64} {
  func.func @_tc_pre_body(%arg0: memref<2x10112x16xf32, #tpu.memory_space<vmem>>, %arg1: memref<10000x128xf32, #tpu.memory_space<vmem>>, %arg2: memref<128x64xf32, #tpu.memory_space<vmem>>, %arg3: memref<10000x64xf32, #tpu.memory_space<vmem>>) attributes {dimension_semantics = [], scalar_prefetch = 0 : i64, scratch_operands = 0 : i64, tpu.core_type = #tpu.core_type<tc>} {
    %get3A = arith.constant 0 : index
    %get3A_0 = arith.constant 0 : index
    %get3A_1 = arith.constant 0 : index
    %get3A_2 = vector.load %arg0[%get3A, %get3A_0, %get3A_1] : memref<2x10112x16xf32, #tpu.memory_space<vmem>>, vector<2x10112x16xf32>
    %slice3A = vector.extract_strided_slice %get3A_2 {offsets = [0, 0, 0], sizes = [1, 10112, 16], strides = [1, 1, 1]} : vector<2x10112x16xf32> to vector<1x10112x16xf32>
    %squeeze3A = vector.shape_cast %slice3A : vector<1x10112x16xf32> to vector<10112x16xf32>
    %slice3A_3 = vector.extract_strided_slice %squeeze3A {offsets = [0, 0], sizes = [10000, 1], strides = [1, 1]} : vector<10112x16xf32> to vector<10000x1xf32>
    %slice3A_4 = vector.extract_strided_slice %get3A_2 {offsets = [1, 0, 0], sizes = [1, 10112, 16], strides = [1, 1, 1]} : vector<2x10112x16xf32> to vector<1x10112x16xf32>
    %squeeze3A_5 = vector.shape_cast %slice3A_4 : vector<1x10112x16xf32> to vector<10112x16xf32>
    %slice3A_6 = vector.extract_strided_slice %squeeze3A_5 {offsets = [0, 0], sizes = [10000, 1], strides = [1, 1]} : vector<10112x16xf32> to vector<10000x1xf32>
    %add3A = arith.addf %slice3A_3, %slice3A_6 : vector<10000x1xf32>
    %add3A_7 = arith.constant 1.000000e+00 : f32
    %add3A_8 = vector.broadcast %add3A_7 : f32 to vector<10000x1xf32>
    %add3A_9 = arith.addf %add3A, %add3A_8 : vector<10000x1xf32>
    %rsqrt3A = math.rsqrt %add3A_9 : vector<10000x1xf32>
    %get3A_10 = arith.constant 0 : index
    %get3A_11 = arith.constant 0 : index
    %get3A_12 = vector.load %arg1[%get3A_10, %get3A_11] : memref<10000x128xf32, #tpu.memory_space<vmem>>, vector<10000x128xf32>
    %get3A_13 = arith.constant 0 : index
    %get3A_14 = arith.constant 0 : index
    %get3A_15 = vector.load %arg2[%get3A_13, %get3A_14] : memref<128x64xf32, #tpu.memory_space<vmem>>, vector<128x64xf32>
    %dot_general3A = arith.constant dense<0.000000e+00> : vector<10000x64xf32>
    %dot_general3A_16 = tpu.matmul %get3A_12, %get3A_15, %dot_general3A {dimension_numbers = #tpu.dot_dimension_numbers<[1], [0], [0], [1], [0, 0, 1, 1], [], []>, transpose_lhs_hint = false} : vector<10000x128xf32>, vector<128x64xf32>, vector<10000x64xf32> -> vector<10000x64xf32>
    %mul3A = vector.broadcast %rsqrt3A : vector<10000x1xf32> to vector<10000x64xf32>
    %mul3A_17 = arith.mulf %dot_general3A_16, %mul3A : vector<10000x64xf32>
    %swap3A = arith.constant 0 : index
    %swap3A_18 = arith.constant 0 : index
    %swap3A_19 = vector.load %arg3[%swap3A, %swap3A_18] : memref<10000x64xf32, #tpu.memory_space<vmem>>, vector<10000x64xf32>
    tpu.vector_store %arg3[%swap3A, %swap3A_18], %mul3A_17 {strides = array<i32>} : memref<10000x64xf32, #tpu.memory_space<vmem>>, vector<10000x64xf32>,
    return
  }
}

module attributes {stable_mosaic.version = 14 : i64} {
  func.func @_tc_h1_body(%arg0: memref<2x10112x16xf32, #tpu.memory_space<vmem>>, %arg1: memref<2x10112x64xf32, #tpu.memory_space<vmem>>, %arg2: memref<10000x64xf32, #tpu.memory_space<vmem>>, %arg3: memref<1x64xf32, #tpu.memory_space<vmem>>, %arg4: memref<64x32xf32, #tpu.memory_space<vmem>>, %arg5: memref<10000x64xf32, #tpu.memory_space<vmem>>, %arg6: memref<10000x32xf32, #tpu.memory_space<vmem>>) attributes {dimension_semantics = [], scalar_prefetch = 0 : i64, scratch_operands = 0 : i64, tpu.core_type = #tpu.core_type<tc>} {
    %get3A = arith.constant 0 : index
    %get3A_0 = arith.constant 0 : index
    %get3A_1 = arith.constant 0 : index
    %get3A_2 = vector.load %arg0[%get3A, %get3A_0, %get3A_1] : memref<2x10112x16xf32, #tpu.memory_space<vmem>>, vector<2x10112x16xf32>
    %slice3A = vector.extract_strided_slice %get3A_2 {offsets = [0, 0, 0], sizes = [1, 10112, 16], strides = [1, 1, 1]} : vector<2x10112x16xf32> to vector<1x10112x16xf32>
    %squeeze3A = vector.shape_cast %slice3A : vector<1x10112x16xf32> to vector<10112x16xf32>
    %slice3A_3 = vector.extract_strided_slice %squeeze3A {offsets = [0, 0], sizes = [10000, 1], strides = [1, 1]} : vector<10112x16xf32> to vector<10000x1xf32>
    %slice3A_4 = vector.extract_strided_slice %get3A_2 {offsets = [1, 0, 0], sizes = [1, 10112, 16], strides = [1, 1, 1]} : vector<2x10112x16xf32> to vector<1x10112x16xf32>
    %squeeze3A_5 = vector.shape_cast %slice3A_4 : vector<1x10112x16xf32> to vector<10112x16xf32>
    %slice3A_6 = vector.extract_strided_slice %squeeze3A_5 {offsets = [0, 0], sizes = [10000, 1], strides = [1, 1]} : vector<10112x16xf32> to vector<10000x1xf32>
    %add3A = arith.addf %slice3A_3, %slice3A_6 : vector<10000x1xf32>
    %add3A_7 = arith.constant 1.000000e+00 : f32
    %add3A_8 = vector.broadcast %add3A_7 : f32 to vector<10000x1xf32>
    %add3A_9 = arith.addf %add3A, %add3A_8 : vector<10000x1xf32>
    %rsqrt3A = math.rsqrt %add3A_9 : vector<10000x1xf32>
    %get3A_10 = arith.constant 0 : index
    %get3A_11 = arith.constant 0 : index
    %get3A_12 = arith.constant 0 : index
    %get3A_13 = vector.load %arg1[%get3A_10, %get3A_11, %get3A_12] : memref<2x10112x64xf32, #tpu.memory_space<vmem>>, vector<2x10112x64xf32>
    %slice3A_14 = vector.extract_strided_slice %get3A_13 {offsets = [0, 0, 0], sizes = [1, 10112, 64], strides = [1, 1, 1]} : vector<2x10112x64xf32> to vector<1x10112x64xf32>
    %squeeze3A_15 = vector.shape_cast %slice3A_14 : vector<1x10112x64xf32> to vector<10112x64xf32>
    %slice3A_16 = vector.extract_strided_slice %squeeze3A_15 {offsets = [0, 0], sizes = [10000, 64], strides = [1, 1]} : vector<10112x64xf32> to vector<10000x64xf32>
    %slice3A_17 = vector.extract_strided_slice %get3A_13 {offsets = [1, 0, 0], sizes = [1, 10112, 64], strides = [1, 1, 1]} : vector<2x10112x64xf32> to vector<1x10112x64xf32>
    %squeeze3A_18 = vector.shape_cast %slice3A_17 : vector<1x10112x64xf32> to vector<10112x64xf32>
    %slice3A_19 = vector.extract_strided_slice %squeeze3A_18 {offsets = [0, 0], sizes = [10000, 64], strides = [1, 1]} : vector<10112x64xf32> to vector<10000x64xf32>
    %add3A_20 = arith.addf %slice3A_16, %slice3A_19 : vector<10000x64xf32>
    %get3A_21 = arith.constant 0 : index
    %get3A_22 = arith.constant 0 : index
    %get3A_23 = vector.load %arg2[%get3A_21, %get3A_22] : memref<10000x64xf32, #tpu.memory_space<vmem>>, vector<10000x64xf32>
    %add3A_24 = arith.addf %add3A_20, %get3A_23 : vector<10000x64xf32>
    %mul3A = vector.broadcast %rsqrt3A : vector<10000x1xf32> to vector<10000x64xf32>
    %mul3A_25 = arith.mulf %mul3A, %add3A_24 : vector<10000x64xf32>
    %get3A_26 = arith.constant 0 : index
    %get3A_27 = arith.constant 0 : index
    %get3A_28 = vector.load %arg3[%get3A_26, %get3A_27] : memref<1x64xf32, #tpu.memory_space<vmem>>, vector<1x64xf32>
    %add3A_29 = vector.broadcast %get3A_28 : vector<1x64xf32> to vector<10000x64xf32>
    %add3A_30 = arith.addf %mul3A_25, %add3A_29 : vector<10000x64xf32>
    %swap3A = arith.constant 0 : index
    %swap3A_31 = arith.constant 0 : index
    %swap3A_32 = vector.load %arg5[%swap3A, %swap3A_31] : memref<10000x64xf32, #tpu.memory_space<vmem>>, vector<10000x64xf32>
    tpu.vector_store %arg5[%swap3A, %swap3A_31], %add3A_30 {strides = array<i32>} : memref<10000x64xf32, #tpu.memory_space<vmem>>, vector<10000x64xf32>,
    %get3A_33 = arith.constant 0 : index
    %get3A_34 = arith.constant 0 : index
    %get3A_35 = vector.load %arg4[%get3A_33, %get3A_34] : memref<64x32xf32, #tpu.memory_space<vmem>>, vector<64x32xf32>
    %dot_general3A = arith.constant dense<0.000000e+00> : vector<10000x32xf32>
    %dot_general3A_36 = tpu.matmul %add3A_30, %get3A_35, %dot_general3A {dimension_numbers = #tpu.dot_dimension_numbers<[1], [0], [0], [1], [0, 0, 1, 1], [], []>, transpose_lhs_hint = false} : vector<10000x64xf32>, vector<64x32xf32>, vector<10000x32xf32> -> vector<10000x32xf32>
    %swap3A_37 = arith.constant 0 : index
    %swap3A_38 = arith.constant 0 : index
    %swap3A_39 = vector.load %arg6[%swap3A_37, %swap3A_38] : memref<10000x32xf32, #tpu.memory_space<vmem>>, vector<10000x32xf32>
    tpu.vector_store %arg6[%swap3A_37, %swap3A_38], %dot_general3A_36 {strides = array<i32>} : memref<10000x32xf32, #tpu.memory_space<vmem>>, vector<10000x32xf32>,
    return
  }
}

module attributes {stable_mosaic.version = 14 : i64} {
  func.func @_tc_head_body(%arg0: memref<10000x64xf32, #tpu.memory_space<vmem>>, %arg1: memref<2x10112x32xf32, #tpu.memory_space<vmem>>, %arg2: memref<64x16xf32, #tpu.memory_space<vmem>>, %arg3: memref<1x16xf32, #tpu.memory_space<vmem>>, %arg4: memref<64x16xf32, #tpu.memory_space<vmem>>, %arg5: memref<1x16xf32, #tpu.memory_space<vmem>>, %arg6: memref<10000x16xf32, #tpu.memory_space<vmem>>, %arg7: memref<10000x16xf32, #tpu.memory_space<vmem>>) attributes {dimension_semantics = [], scalar_prefetch = 0 : i64, scratch_operands = 0 : i64, tpu.core_type = #tpu.core_type<tc>} {
    %get3A = arith.constant 0 : index
    %get3A_0 = arith.constant 0 : index
    %get3A_1 = arith.constant 0 : index
    %get3A_2 = vector.load %arg1[%get3A, %get3A_0, %get3A_1] : memref<2x10112x32xf32, #tpu.memory_space<vmem>>, vector<2x10112x32xf32>
    %slice3A = vector.extract_strided_slice %get3A_2 {offsets = [0, 0, 0], sizes = [1, 10112, 32], strides = [1, 1, 1]} : vector<2x10112x32xf32> to vector<1x10112x32xf32>
    %squeeze3A = vector.shape_cast %slice3A : vector<1x10112x32xf32> to vector<10112x32xf32>
    %slice3A_3 = vector.extract_strided_slice %squeeze3A {offsets = [0, 0], sizes = [10000, 32], strides = [1, 1]} : vector<10112x32xf32> to vector<10000x32xf32>
    %slice3A_4 = vector.extract_strided_slice %get3A_2 {offsets = [1, 0, 0], sizes = [1, 10112, 32], strides = [1, 1, 1]} : vector<2x10112x32xf32> to vector<1x10112x32xf32>
    %squeeze3A_5 = vector.shape_cast %slice3A_4 : vector<1x10112x32xf32> to vector<10112x32xf32>
    %slice3A_6 = vector.extract_strided_slice %squeeze3A_5 {offsets = [0, 0], sizes = [10000, 32], strides = [1, 1]} : vector<10112x32xf32> to vector<10000x32xf32>
    %add3A = arith.addf %slice3A_3, %slice3A_6 : vector<10000x32xf32>
    %get3A_7 = arith.constant 0 : index
    %get3A_8 = arith.constant 0 : index
    %get3A_9 = vector.load %arg0[%get3A_7, %get3A_8] : memref<10000x64xf32, #tpu.memory_space<vmem>>, vector<10000x64xf32>
    %get3A_10 = arith.constant 0 : index
    %get3A_11 = arith.constant 0 : index
    %get3A_12 = vector.load %arg2[%get3A_10, %get3A_11] : memref<64x16xf32, #tpu.memory_space<vmem>>, vector<64x16xf32>
    %dot_general3A = arith.constant dense<0.000000e+00> : vector<10000x16xf32>
    %dot_general3A_13 = tpu.matmul %get3A_9, %get3A_12, %dot_general3A {dimension_numbers = #tpu.dot_dimension_numbers<[1], [0], [0], [1], [0, 0, 1, 1], [], []>, transpose_lhs_hint = false} : vector<10000x64xf32>, vector<64x16xf32>, vector<10000x16xf32> -> vector<10000x16xf32>
    %slice3A_14 = vector.extract_strided_slice %add3A {offsets = [0, 0], sizes = [10000, 16], strides = [1, 1]} : vector<10000x32xf32> to vector<10000x16xf32>
    %add3A_15 = arith.addf %dot_general3A_13, %slice3A_14 : vector<10000x16xf32>
    %get3A_16 = arith.constant 0 : index
    %get3A_17 = arith.constant 0 : index
    %get3A_18 = vector.load %arg3[%get3A_16, %get3A_17] : memref<1x16xf32, #tpu.memory_space<vmem>>, vector<1x16xf32>
    %add3A_19 = vector.broadcast %get3A_18 : vector<1x16xf32> to vector<10000x16xf32>
    %add3A_20 = arith.addf %add3A_15, %add3A_19 : vector<10000x16xf32>
    %swap3A = arith.constant 0 : index
    %swap3A_21 = arith.constant 0 : index
    %swap3A_22 = vector.load %arg6[%swap3A, %swap3A_21] : memref<10000x16xf32, #tpu.memory_space<vmem>>, vector<10000x16xf32>
    tpu.vector_store %arg6[%swap3A, %swap3A_21], %add3A_20 {strides = array<i32>} : memref<10000x16xf32, #tpu.memory_space<vmem>>, vector<10000x16xf32>,
    %get3A_23 = arith.constant 0 : index
    %get3A_24 = arith.constant 0 : index
    %get3A_25 = vector.load %arg4[%get3A_23, %get3A_24] : memref<64x16xf32, #tpu.memory_space<vmem>>, vector<64x16xf32>
    %dot_general3A_26 = arith.constant dense<0.000000e+00> : vector<10000x16xf32>
    %dot_general3A_27 = tpu.matmul %get3A_9, %get3A_25, %dot_general3A_26 {dimension_numbers = #tpu.dot_dimension_numbers<[1], [0], [0], [1], [0, 0, 1, 1], [], []>, transpose_lhs_hint = false} : vector<10000x64xf32>, vector<64x16xf32>, vector<10000x16xf32> -> vector<10000x16xf32>
    %slice3A_28 = vector.extract_strided_slice %add3A {offsets = [0, 16], sizes = [10000, 16], strides = [1, 1]} : vector<10000x32xf32> to vector<10000x16xf32>
    %add3A_29 = arith.addf %dot_general3A_27, %slice3A_28 : vector<10000x16xf32>
    %get3A_30 = arith.constant 0 : index
    %get3A_31 = arith.constant 0 : index
    %get3A_32 = vector.load %arg5[%get3A_30, %get3A_31] : memref<1x16xf32, #tpu.memory_space<vmem>>, vector<1x16xf32>
    %add3A_33 = vector.broadcast %get3A_32 : vector<1x16xf32> to vector<10000x16xf32>
    %add3A_34 = arith.addf %add3A_29, %add3A_33 : vector<10000x16xf32>
    %swap3A_35 = arith.constant 0 : index
    %swap3A_36 = arith.constant 0 : index
    %swap3A_37 = vector.load %arg7[%swap3A_35, %swap3A_36] : memref<10000x16xf32, #tpu.memory_space<vmem>>, vector<10000x16xf32>
    tpu.vector_store %arg7[%swap3A_35, %swap3A_36], %add3A_34 {strides = array<i32>} : memref<10000x16xf32, #tpu.memory_space<vmem>>, vector<10000x16xf32>,
    return
  }
}

module attributes {stable_mosaic.version = 14 : i64} {
  func.func @_tc_dec_body(%arg0: i32, %arg1: memref<256x16xf32, #tpu.memory_space<vmem>>, %arg2: memref<10000x16xf32, #tpu.memory_space<vmem>>, %arg3: memref<256x10000xf32, #tpu.memory_space<vmem>>) attributes {dimension_semantics = [#tpu.dimension_semantics<arbitrary>], iteration_bounds = array<i64: 40>, scalar_prefetch = 0 : i64, scratch_operands = 0 : i64, tpu.core_type = #tpu.core_type<tc>, window_params = [{transform_indices = @transform_0, window_bounds = array<i64: 256, 16>}, {pipeline_mode = #tpu.pipeline_mode<synchronous>, transform_indices = @transform_1, window_bounds = array<i64: 10000, 16>}, {transform_indices = @transform_2, window_bounds = array<i64: 256, 10000>}]} {
    %get3A = arith.constant 0 : index
    %get3A_0 = arith.constant 0 : index
    %get3A_1 = vector.load %arg1[%get3A, %get3A_0] : memref<256x16xf32, #tpu.memory_space<vmem>>, vector<256x16xf32>
    %get3A_2 = arith.constant 0 : index
    %get3A_3 = arith.constant 0 : index
    %get3A_4 = vector.load %arg2[%get3A_2, %get3A_3] : memref<10000x16xf32, #tpu.memory_space<vmem>>, vector<10000x16xf32>
    %dot_general3A = arith.constant dense<0.000000e+00> : vector<256x10000xf32>
    %dot_general3A_5 = tpu.matmul %get3A_1, %get3A_4, %dot_general3A {dimension_numbers = #tpu.dot_dimension_numbers<[1], [1], [0], [0], [0, 0, 1, 0], [], []>, transpose_lhs_hint = false} : vector<256x16xf32>, vector<10000x16xf32>, vector<256x10000xf32> -> vector<256x10000xf32>
    %logistic3A = arith.negf %dot_general3A_5 : vector<256x10000xf32>
    %logistic3A_6 = math.exp %logistic3A : vector<256x10000xf32>
    %logistic3A_7 = arith.constant 1.000000e+00 : f32
    %logistic3A_8 = vector.broadcast %logistic3A_7 : f32 to vector<256x10000xf32>
    %logistic3A_9 = arith.addf %logistic3A_8, %logistic3A_6 : vector<256x10000xf32>
    %logistic3A_10 = arith.divf %logistic3A_8, %logistic3A_9 : vector<256x10000xf32>
    %swap3A = arith.constant 0 : index
    %swap3A_11 = arith.constant 0 : index
    %swap3A_12 = vector.load %arg3[%swap3A, %swap3A_11] : memref<256x10000xf32, #tpu.memory_space<vmem>>, vector<256x10000xf32>
    tpu.vector_store %arg3[%swap3A, %swap3A_11], %logistic3A_10 {strides = array<i32>} : memref<256x10000xf32, #tpu.memory_space<vmem>>, vector<256x10000xf32>,
    return
  }
  func.func @transform_0(%arg0: i32) -> (i32, i32) {
    %c0_i32 = arith.constant 0 : i32
    %c0_i32_0 = arith.constant 0 : i32
    return %arg0, %c0_i32 : i32, i32
  }
  func.func @transform_1(%arg0: i32) -> (i32, i32) {
    %c0_i32 = arith.constant 0 : i32
    %c0_i32_0 = arith.constant 0 : i32
    %c0_i32_1 = arith.constant 0 : i32
    return %c0_i32, %c0_i32_0 : i32, i32
  }
  func.func @transform_2(%arg0: i32) -> (i32, i32) {
    %c0_i32 = arith.constant 0 : i32
    %c0_i32_0 = arith.constant 0 : i32
    return %arg0, %c0_i32 : i32, i32
  }
}

</mosaic_0001>

<sc_bundles>
// kernel: kernel.12.cloned.1.call-start
scs
__scs_entry_jumppad:
0x0: {  	(pc) =	sbr.rel $0x88, $3  }
0x1: {  	(tag) =	ssettag $0x0;
	lr =	simm.s32 $0x1  }
0x2: {  	[smem:$0x3F97] =	sst lr;
	_ =	strace $0xD0000000  }
0x3: {  	_ = 	snop  }
0x4: {  	_ = 	snop  }
0x5: {  	_ = 	snop  }
0x6: {  	_ = 	snop  }
0x7: {  	_ = 	snop  }
__scs_overlays_trampoline_lowered:
0x8: {  	[smem:$0x3FA6] =	sst s0  }
0x9: {  	[smem:$0x3FA7] =	sst s1  }
0xa: {  	[smem:$0x3FA8] =	sst s2  }
0xb: {  	[smem:$0x3FA9] =	sst s3  }
0xc: {  	[smem:$0x3FAA] =	sst s4  }
0xd: {  	[smem:$0x3FAB] =	sst s5  }
0xe: {  	[smem:$0x3FAC] =	sst s6  }
0xf: {  	[smem:$0x3FAD] =	sst s7  }
0x10: {  	[smem:$0x3FAE] =	sst s8  }
0x11: {  	[smem:$0x3FAF] =	sst s9;
	s0 =	simm.s32 @!p0 $0x0  }
0x12: {  	s1 =	sld [smem:$0x3F95];
	s0 =	simm.s32 @p0 $0x1  }
0x13: {  	[smem:$0x3FB0] =	sst s0;
	s0 =	simm.s32 @!p1 $0x0  }
0x14: {  	s2 =	sld [smem:$0x3F94];
	s0 =	simm.s32 @p1 $0x1  }
0x15: {  	[smem:$0x3FB1] =	sst s0;
	s0 =	simm.s32 @!p2 $0x0  }
0x16: {  	s3 =	sld [smem:$0x3FDB];
	s0 =	simm.s32 @p2 $0x1  }
0x17: {  	s4 =	simm.s32 $0x1BF5;
	[smem:$0x3FB3] =	sst s0  }
0x18: {  	s0 =	sld [smem:$0x3F96];
	_ =	swait.ge [sflag:s4], $0x0  }
0x19: {  	s7 =	sld [smem:$0x3F97]  }
0x1a: {  	s8 =	sadd.s32 $0xFFFFE003, lr  }
0x1b: {  	s9 =	sadd.s32 $0xFFFFFEF7, lr;
	s5 =	simm.s32 $0xFFFFFFFF;
	p2 =	slt.u32 s8, $0xFFFFF086  }
0x1c: {  	p1 =	slt.u32 s9, $0xF7A;
	s5 =	simm.s32 @!p2 $0x0  }
0x1d: {  	s5 =	simm.s32 @p1 $0x1;
	p0 =	seq.s32 s7, s2  }
0x1e: {  	s7 =	smul.u32 @!p0 $0xF7A, s2;
	p2 =	seq.s32 @!p0 s5, $0x0  }
0x1f: {  	s9 =	smul.u32 $0xF7A, s1;
	s8 =	simm.s32 @!p0 $0x1BF5;
	p2 =	por !p2, p0  }
0x20: {  	[sflag:s8] =	ssyncset.s32 @!p0 $0xFFFFF086;
	s6 =	sadd.s32 @!p0 s3, s7;
	s7 =	simm.s32 @!p0 $0x108  }
0x21: {  	s3 =	sadd.s32 s3, s9;
	s6 =	sadd.s32 @!p0 $0x88, s6;
	s7 =	simm.s32 @p2 $0x1082  }
0x22: {  	[simem:s7], [sflag:s8] =	dma.local @!p0 [hbm:s6], $0xF7A  }
0x23: {  	s9 =	sor.u32 $0xD0000000, s2;
	s6 =	simm.s32 $0x108;
	_ =	swait.ge @!p0 [sflag:s8], $0x0  }
0x24: {  	s3 =	sadd.s32 $0x88, s3;
	s6 =	simm.s32 @!p1 $0x1082;
	[sflag:s4] =	ssyncset.s32 $0xFFFFF086  }
0x25: {  	[simem:s6], [sflag:s4] =	dma.local [hbm:s3], $0xF7A  }
0x26: {  	[smem:$0x3F97] =	sst s1;
	(tag) =	ssettag s2;
	_ =	strace s9  }
0x27: {  	s1 =	sld [smem:$0x3FA7]  }
0x28: {  	s2 =	sld [smem:$0x3FA8]  }
0x29: {  	s4 =	sld [smem:$0x3FAA]  }
0x2a: {  	p0 =	seq.s32 s5, $0x0;
	s5 =	sld [smem:$0x3FAB]  }
0x2b: {  	s6 =	sld [smem:$0x3FAC]  }
0x2c: {  	s7 =	sld [smem:$0x3FAD]  }
0x2d: {  	s3 =	simm.s32 $0x108;
	s8 =	sld [smem:$0x3FAE]  }
0x2e: {  	s3 =	simm.s32 @!p0 $0x1082;
	s9 =	sld [smem:$0x3FAF]  }
0x2f: {  	lr =	sadd.s32 s0, s3;
	s0 =	sld [smem:$0x3FA6]  }
0x30: {  	s3 =	sld [smem:$0x3FA9]  }
0x31: {  	[smem:$0x3FB2] =	sst s10  }
0x32: {  	s10 =	sld [smem:$0x3FB0];
	_ =	sdelay $0x3  }
0x33: {  	p0 =	seq.s32 s10, $0x1;
	s10 =	sld [smem:$0x3FB2];
	_ =	sdelay $0x3  }
0x34: {  	[smem:$0x3FB2] =	sst s10  }
0x35: {  	s10 =	sld [smem:$0x3FB1];
	_ =	sdelay $0x3  }
0x36: {  	p1 =	seq.s32 s10, $0x1;
	s10 =	sld [smem:$0x3FB2];
	_ =	sdelay $0x3  }
0x37: {  	[smem:$0x3FB2] =	sst s10  }
0x38: {  	s10 =	sld [smem:$0x3FB3]  }
0x39: {  	_ = 	snop;
	(pc) =	sbr.ind lr, $3  }
0x3a: {  	_ = 	snop  }
0x3b: {  	_ = 	snop  }
0x3c: {  	p2 =	seq.s32 s10, $0x1;
	s10 =	sld [smem:$0x3FB2]  }
0x3d: {  	_ =	shalt  }
0x3e: {  	_ =	shalt  }
0x3f: {  	_ =	shalt  }
0x40: {  	_ =	shalt  }
0x41: {  	_ =	shalt  }
0x42: {  	_ =	shalt  }
0x43: {  	_ =	shalt  }
0x44: {  	_ =	shalt  }
0x45: {  	_ =	shalt  }
0x46: {  	_ =	shalt  }
0x47: {  	_ =	shalt  }
0x48: {  	_ =	shalt  }
0x49: {  	_ =	shalt  }
0x4a: {  	_ =	shalt  }
0x4b: {  	_ =	shalt  }
0x4c: {  	_ =	shalt  }
0x4d: {  	_ =	shalt  }
0x4e: {  	_ =	shalt  }
0x4f: {  	_ =	shalt  }
0x50: {  	_ =	shalt  }
0x51: {  	_ =	shalt  }
0x52: {  	_ =	shalt  }
0x53: {  	_ =	shalt  }
0x54: {  	_ =	shalt  }
0x55: {  	_ =	shalt  }
0x56: {  	_ =	shalt  }
0x57: {  	_ =	shalt  }
0x58: {  	_ =	shalt  }
0x59: {  	_ =	shalt  }
0x5a: {  	_ =	shalt  }
0x5b: {  	_ =	shalt  }
0x5c: {  	_ =	shalt  }
0x5d: {  	_ =	shalt  }
0x5e: {  	_ =	shalt  }
0x5f: {  	_ =	shalt  }
0x60: {  	_ =	shalt  }
0x61: {  	_ =	shalt  }
0x62: {  	_ =	shalt  }
0x63: {  	_ =	shalt  }
0x64: {  	_ =	shalt  }
0x65: {  	_ =	shalt  }
0x66: {  	_ =	shalt  }
0x67: {  	_ =	shalt  }
0x68: {  	_ =	shalt  }
0x69: {  	_ =	shalt  }
0x6a: {  	_ =	shalt  }
0x6b: {  	_ =	shalt  }
0x6c: {  	_ =	shalt  }
0x6d: {  	_ =	shalt  }
0x6e: {  	_ =	shalt  }
0x6f: {  	_ =	shalt  }
0x70: {  	_ =	shalt  }
0x71: {  	_ =	shalt  }
0x72: {  	_ =	shalt  }
0x73: {  	_ =	shalt  }
0x74: {  	_ =	shalt  }
0x75: {  	_ =	shalt  }
0x76: {  	_ =	shalt  }
0x77: {  	_ =	shalt  }
0x78: {  	_ =	shalt  }
0x79: {  	_ =	shalt  }
0x7a: {  	_ =	shalt  }
0x7b: {  	_ =	shalt  }
0x7c: {  	_ =	shalt  }
0x7d: {  	_ =	shalt  }
0x7e: {  	_ =	shalt  }
0x7f: {  	_ =	shalt  }
0x80: {  	_ =	shalt  }
0x81: {  	_ =	shalt  }
0x82: {  	_ =	shalt  }
0x83: {  	_ =	shalt  }
0x84: {  	_ =	shalt  }
0x85: {  	_ =	shalt  }
0x86: {  	_ =	shalt  }
0x87: {  	_ =	shalt  }
.Lfunc_end0:
.L_simem_size_0:
called_computation.1_lowered:
.L_overlay_start_0:
0x88: {  	s2 =	sld [smem:$0x3FD9]  }
0x89: {  	s3 =	sld [smem:$0x3FFE];
	_ =	sdelay $0x1  }
0x8a: {  	s1 =	srdreg.scid  }
0x8b: {  	s0 =	sand.u32 $0x1, s1  }
0x8c: {  	s16 =	sshll.u32 s0, $0xA;
	s2 =	sadd.s32 s3, s2  }
0x8d: {  	s2 =	sadd.s32 s2, s16  }
0x8e: {  	[smem:$0x3FBE] =	sst s2  }
0x8f: {  	_ = 	snop  }
0x90: {  	(tm) =	ssettm $0x1  }
0x91: {  	s17 =	sld [smem:$0x3FFB];
	_ =	sdelay $0x3  }
0x92: {  	_ =	strace s17  }
0x93: {  	s2 =	sld [smem:$0x3FFC];
	_ =	sdelay $0x3  }
0x94: {  	_ =	strace s2  }
0x95: {  	s2 =	sld [smem:$0x3FFD];
	_ =	sdelay $0x3  }
0x96: {  	_ =	strace s2  }
0x97: {  	_ =	strace $0x8FFFFFFF  }
0x98: {  	s18 =	sld [smem:$0x3FDB];
	_ =	sdelay $0x1  }
0x99: {  	s19 =	simm.s32 $_scs_section_size  }
0x9a: {  	s4 =	simm.s32 $_size__tile_overlayer_lowered;
	s5 =	simm.s32 $_tile_overlayer_lowered  }
0x9b: {  	s22 =	simm.s32 $0x1BFF;
	s21 =	sshll.u32 s5, $0x1;
	s2 =	sadd.s32 s19, s18  }
0x9c: {  	s6 =	simm.s32 $0x0;
	s20 =	sshll.u32 s4, $0x1;
	s4 =	sadd.s32 s21, s2  }
0x9d: {  	[timem:s6], [sflag:s22] =	dma.local [hbm:s4], s20  }
0x9e: {  	_ =	swait.ge [sflag:s22], s20  }
0x9f: {  	s3 =	ssub.s32 $0x0, s20;
	[sflag:s22] =	ssyncset.done $0x0  }
0xa0: {  	[sflag:s22] =	ssyncadd.s32 s3;
	_ =	sdelay $0x1  }
0xa1: {  	s23 =	simm.s32 $0x1B8B  }
0xa2: {  	_ =	swait.ge [sflag:s23], $0x1  }
0xa3: {  	[sflag:s23] =	ssyncset.done $0x0  }
0xa4: {  	s25 =	simm.s32 $0x1B8E;
	s24 =	sld [smem:$0x3FFE];
	[sflag:s23] =	ssyncadd.s32 $0xFFFFFFFF  }
0xa5: {  	s26 =	simm.s32 $execute0_lowered;
	[smem:$0x3FD2] =	sst s25  }
0xa6: {  	s4 =	sshll.u32 s26, $0x1;
	_ =	strace $0x80000049;
	[dreg:$0x1] =	wrdreg $0xFFFFFFFF  }
0xa7: {  	s28 =	simm.s32 $_size_execute0_lowered;
	s2 =	sadd.s32 s2, s4;
	[dreg:$0x0] =	wrdreg $0x0  }
0xa8: {  	s4 =	sshll.u32 s28, $0x1;
	[dreg:$0x2] =	wrdreg s2  }
0xa9: {  	[dreg:$0x3] =	wrdreg s4  }
0xaa: {  	[dreg:$0x4] =	wrdreg $0xC0  }
0xab: {  	_ =	task [dreg:s6], $0x5FFFF  }
0xac: {  	[dreg:$0x1] =	wrdreg $0xFFFFFFFF  }
0xad: {  	[dreg:$0x0] =	wrdreg $0x60  }
0xae: {  	[dreg:$0x2] =	wrdreg s24  }
0xaf: {  	[dreg:$0x3] =	wrdreg $0xD0000  }
0xb0: {  	[dreg:$0x4] =	wrdreg $0x9  }
0xb1: {  	_ =	task.clear_ibuf [dreg:s6], $0x5FFFF;
	_ =	strace $0x90000049  }
0xb2: {  	s29 =	simm.s32 $0x9;
	_ =	strace $0x8000004B  }
0xb3: {  	_ =	swait.ge [sflag:s29], $0x1  }
0xb4: {  	[sflag:s29] =	ssyncadd.s32 $0xFFFFFFFF  }
0xb5: {  	_ =	strace $0x9000004B  }
0xb6: {  	_ =	sfence  }
0xb7: {  	s30 =	sld [smem:$0x0];
	_ =	sdelay $0x2  }
0xb8: {  	s31 =	sshll.u32 s1, $0xD;
	s1 =	sshrl.u32 s1, $0x2  }
0xb9: {  	s3 =	sand.u32 $0x4000, s31;
	s1 =	sadd.s32 s1, s30  }
0xba: {  	s0 =	sor.u32 s3, s0;
	s1 =	sshll.u32 s1, $0x11  }
0xbb: {  	s0 =	sor.u32 s1, s0  }
0xbc: {  	s0 =	sadd.s32 $0x8F2B, s0  }
0xbd: {  	[sflag:s0] =	ssyncadd.remote.s32 $0x1  }
0xbe: {  	_ =	sfence.sel $0xFFFF  }
0xbf: {  	[dreg:$0x0] =	wrdreg $0xFFFFFFFF;
	(pc) =	sbr.abs _section_cstart, $3  }
0xc0: {  	[dreg:$0x1] =	wrdreg $0xFFFFFFFF  }
0xc1: {  	_ =	task.clear_ibuf [dreg:s6], $0x2FFFF;
	_ =	strace $0x9FFFFFFF  }
0xc2: {  	(tm) =	ssettm $0x7FFFFFFF  }
0xc3: {  	_ =	shalt  }
tec
execute0_lowered:
.L_overlay_start_1:
0x0: {  	(tag) =	ssettag $0x1  }
0x1: {  	s0 =	rddreg [dreg:$0x0]  }
0x2: {  	s2 =	rddreg [dreg:$0x1]  }
0x3: {  	s12 =	stileid.u32;
	s1 =	srdreg.scid;
	s3 =	simm.s32 $0x0  }
0x4: {  	s14 =	simm.s32 $0x9;
	s15 =	simm.s32 $0x2800;
	s16 =	simm.s32 $0x80  }
0x5: {  	s17 =	simm.s32 $0x5000;
	s18 =	simm.s32 $0x7000;
	s19 =	simm.s32 $0x1  }
0x6: {  	s21 =	simm.s32 $0x9000;
	s28 =	simm.s32 $0x2900;
	s29 =	simm.s32 $0x5  }
0x7: {  	s30 =	simm.s32 $0x200;
	s31 =	simm.s32 $0x4;
	s5 =	smul.u32 $0x9E00, s12  }
0x8: {  	s1 =	sand.u32 $0x1, s1;
	[smem:$0x7FF] =	sst s3;
	s11 =	smul.u32 $0x5000, s12  }
0x9: {  	s7 =	sadd.s32 $0xBE00, s0;
	s8 =	sadd.s32 $0x1E00, s0;
	s24 =	smul.u32 $0xA00, s12  }
0xa: {  	s4 =	sadd.s32 $0x15E00, s0;
	s23 =	sshll.u32 s12, $0x6;
	s6 =	smul.u32 $0x9E000, s1  }
0xb: {  	_ =	strace $0x8000004A;
	s10 =	ssub.s32 $0x2, s1;
	p0 =	seq.s32 s1, $0x1  }
0xc: {  	s9 =	sshrl.u32 s5, $0x3;
	s22 =	sshrl.u32 s10, $0x1;
	s13 =	sadd.s32 s5, s2  }
0xd: {  	s25 =	sshrl.u32 s11, $0x3;
	s26 =	sadd.s32 s7, s24;
	s6 =	sadd.s32 s5, s6  }
0xe: {  	s9 =	sadd.s32 s9, s0;
	s10 =	ssub.s32 s10, s22;
	[dreg:$0x3] =	wrdreg s26  }
0xf: {  	s1 =	sadd.s32 $0x500, s25;
	s13 =	sshrl.u32 s13, $0x3;
	s22 =	simm.s32 $0x2  }
0x10: {  	s25 =	simm.s32 $0xB000;
	s26 =	simm.s32 $0x3;
	s6 =	sshrl.u32 s6, $0x3  }
0x11: {  	s5 =	sadd.s32 $0x29800, s9;
	s9 =	sadd.s32 s8, s24;
	s7 =	sadd.s32 s7, s1  }
.Ltmp0:
0x12: {  	s1 =	sadd.s32 s8, s1;
	s12 =	smax.u32 s10, $0x1;
	(pc) =	sbr.rel .LBB2_1-.Ltmp0, $4  }
0x13: {  	s24 =	simm.s32 $0x180;
	s8 =	simm.s32 $0x7;
	[dreg:$0x4] =	wrdreg s9  }
0x14: {  	s0 =	sadd.s32 s6, s0;
	s6 =	sor.u32 $0x1C09, s23;
	[dreg:$0x5] =	wrdreg s7  }
0x15: {  	[dreg:$0x6] =	wrdreg s1;
	s1 =	simm.s32 $0x6;
	s7 =	simm.s32 $0x280  }
0x16: {  	s9 =	simm.s32 $0x8;
	s11 =	sadd.s32 $0x3D400, s0;
	s0 =	simm.s32 $0x2980  }
.LBB2_9:
0x17: {  	s10 =	sadd.s32 $0xE00, s10  }
.LBB2_10:
0x18: {  	_ =	swait.ge [sflag:s31], $0x2000  }
0x19: {  	s10 =	sshra.s32 s10, $0x2;
	[sflag:s31] =	ssyncset.done $0x0  }
0x1a: {  	s10 =	sadd.s32 $0x2800, s10;
	[sflag:s31] =	ssyncadd.s32 $0xFFFFE000  }
0x1b: {  	[spmem:s2] =	stream.indirect.scatter.add.f32 [tilespmem:s25], [sflag:$0x8], $0x40, s10, s16, $0xb8;
	[tilespmem:$0x16E00] =	vst v63  }
0x1c: {  	_ =	swait.ge [sflag:s1], $0x2000  }
0x1d: {  	[sflag:s1] =	ssyncset.done $0x0  }
0x1e: {  	[sflag:s1] =	ssyncadd.s32 $0xFFFFE000  }
0x1f: {  	_ =	swait.ge [sflag:s8], $0x2000  }
0x20: {  	[sflag:s8] =	ssyncset.done $0x0  }
0x21: {  	[sflag:s8] =	ssyncadd.s32 $0xFFFFE000  }
0x22: {  	_ =	swait.ge [sflag:s9], $0x2000  }
0x23: {  	s3 =	sadd.s32 $0x1, s3;
	[sflag:s9] =	ssyncset.done $0x0  }
0x24: {  	p1 =	sne.s32 s3, s12;
	[sflag:s9] =	ssyncadd.s32 $0xFFFFE000  }
.Ltmp1:
0x25: {  	[bflag:$0x0] =	sbarrier.arrive $0xFFFF;
	(pc) =	sbr.rel @!p1 .LBB2_11-.Ltmp1, $4  }
0x26: {  	[hbm:s11], [sflag:s6] =	dma.local [spmem:s13], $0x13C0  }
0x27: {  	_ =	swait.ge [sflag:s14], $0x13C0  }
0x28: {  	[sflag:s14] =	ssyncset.done $0x0  }
0x29: {  	[sflag:s14] =	ssyncadd.s32 $0xFFFFEC40  }
.LBB2_1:
0x2a: {  	[spmem:s13], [sflag:s6] =	dma.local [hbm:s5], $0x13C0  }
.Ltmp2:
0x2b: {  	_ =	swait.ge [sflag:s14], $0x13C0;
	(pc) =	sbr.rel @!p0 .LBB2_2-.Ltmp2, $4  }
0x2c: {  	[sflag:s14] =	ssyncset.done $0x0  }
0x2d: {  	[sflag:s14] =	ssyncadd.s32 $0xFFFFEC40  }
0x2e: {  	[bflag:$0x0] =	sbarrier.arrive $0xFFFF  }
0x2f: {  	s10 =	simm.s32 $0x0  }
0x30: {  	s20 =	rddreg [dreg:$0x5]  }
0x31: {  	[tilespmem:s10], [sflag:$0x9] =	stream.linear.gather [hbm4b:s20+s10], $0x2800, $0x38;
	[tilespmem:$0x16E00] =	vst v63  }
0x32: {  	_ =	swait.ge [sflag:s14], $0x2800  }
0x33: {  	[sflag:s14] =	ssyncset.done $0x0  }
0x34: {  	s23 =	rddreg [dreg:$0x6];
	[sflag:s14] =	ssyncadd.s32 $0xFFFFD800  }
0x35: {  	[tilespmem:s15], [sflag:$0x9] =	stream.linear.gather [hbm4b:s23+s10], $0x2800, $0x38;
	[tilespmem:$0x16E00] =	vst v63  }
0x36: {  	_ =	swait.ge [sflag:s14], $0x2800  }
0x37: {  	[sflag:s14] =	ssyncset.done $0x0  }
0x38: {  	[sflag:s14] =	ssyncadd.s32 $0xFFFFD800  }
0x39: {  	[tilespmem:s17], [sflag:$0x1] =	stream.indirect.gather [hbm4b:s4+s16], $0x40, s10, s16, $0xb8;
	[tilespmem:$0x16E00] =	vst v63  }
0x3a: {  	_ = 	snop  }
0x3b: {  	[tilespmem:s18], [sflag:$0x2] =	stream.indirect.gather [hbm4b:s4+s16], $0x40, s16, s16, $0xb8;
	[tilespmem:$0x16E00] =	vst v63  }
0x3c: {  	_ =	swait.ge [sflag:s19], $0x2000  }
0x3d: {  	[sflag:s19] =	ssyncset.done $0x0  }
0x3e: {  	[sflag:s19] =	ssyncadd.s32 $0xFFFFE000  }
0x3f: {  	[spmem:s2] =	stream.indirect.scatter.add.f32 [tilespmem:s17], [sflag:$0x5], $0x40, s15, s16, $0xb8;
	[tilespmem:$0x16E00] =	vst v63  }
0x40: {  	s23 =	simm.s32 $0x100  }
0x41: {  	[tilespmem:s21], [sflag:$0x3] =	stream.indirect.gather [hbm4b:s4+s16], $0x40, s23, s16, $0xb8;
	[tilespmem:$0x16E00] =	vst v63  }
0x42: {  	_ =	swait.ge [sflag:s22], $0x2000  }
0x43: {  	[sflag:s22] =	ssyncset.done $0x0  }
0x44: {  	s23 =	simm.s32 $0x2880;
	[sflag:s22] =	ssyncadd.s32 $0xFFFFE000  }
0x45: {  	[spmem:s2] =	stream.indirect.scatter.add.f32 [tilespmem:s18], [sflag:$0x6], $0x40, s23, s16, $0xb8;
	[tilespmem:$0x16E00] =	vst v63  }
0x46: {  	_ = 	snop  }
0x47: {  	[tilespmem:s25], [sflag:$0x4] =	stream.indirect.gather [hbm4b:s4+s16], $0x40, s24, s16, $0xb8;
	[tilespmem:$0x16E00] =	vst v63  }
0x48: {  	_ =	swait.ge [sflag:s26], $0x2000  }
0x49: {  	[sflag:s26] =	ssyncset.done $0x0  }
0x4a: {  	[sflag:s26] =	ssyncadd.s32 $0xFFFFE000  }
0x4b: {  	[spmem:s2] =	stream.indirect.scatter.add.f32 [tilespmem:s21], [sflag:$0x7], $0x40, s28, s16, $0xb8;
	[tilespmem:$0x16E00] =	vst v63  }
0x4c: {  	_ =	swait.ge [sflag:s29], $0x2000  }
0x4d: {  	[sflag:s29] =	ssyncset.done $0x0  }
0x4e: {  	[sflag:s29] =	ssyncadd.s32 $0xFFFFE000  }
0x4f: {  	[tilespmem:s17], [sflag:$0x1] =	stream.indirect.gather [hbm4b:s4+s16], $0x40, s30, s16, $0xb8;
	[tilespmem:$0x16E00] =	vst v63  }
0x50: {  	_ =	swait.ge [sflag:s31], $0x2000  }
0x51: {  	[sflag:s31] =	ssyncset.done $0x0  }
0x52: {  	[sflag:s31] =	ssyncadd.s32 $0xFFFFE000  }
0x53: {  	[spmem:s2] =	stream.indirect.scatter.add.f32 [tilespmem:s25], [sflag:$0x8], $0x40, s0, s16, $0xb8;
	[tilespmem:$0x16E00] =	vst v63  }
0x54: {  	_ =	swait.ge [sflag:s1], $0x2000  }
0x55: {  	[sflag:s1] =	ssyncset.done $0x0  }
0x56: {  	[sflag:s1] =	ssyncadd.s32 $0xFFFFE000  }
0x57: {  	[tilespmem:s18], [sflag:$0x2] =	stream.indirect.gather [hbm4b:s4+s16], $0x40, s7, s16, $0xb8;
	[tilespmem:$0x16E00] =	vst v63  }
.LBB2_6:
0x58: {  	_ =	swait.ge [sflag:s19], $0x2000  }
0x59: {  	s20 =	sshra.s32 s10, $0x2;
	[sflag:s19] =	ssyncset.done $0x0  }
0x5a: {  	s23 =	sadd.s32 $0x2A00, s20;
	[sflag:s19] =	ssyncadd.s32 $0xFFFFE000  }
0x5b: {  	[spmem:s2] =	stream.indirect.scatter.add.f32 [tilespmem:s17], [sflag:$0x5], $0x40, s23, s16, $0xb8;
	[tilespmem:$0x16E00] =	vst v63  }
0x5c: {  	_ =	swait.ge [sflag:s8], $0x2000  }
0x5d: {  	[sflag:s8] =	ssyncset.done $0x0  }
0x5e: {  	s23 =	sadd.s32 $0x300, s20;
	[sflag:s8] =	ssyncadd.s32 $0xFFFFE000  }
0x5f: {  	[tilespmem:s21], [sflag:$0x3] =	stream.indirect.gather [hbm4b:s4+s16], $0x40, s23, s16, $0xb8;
	[tilespmem:$0x16E00] =	vst v63  }
0x60: {  	_ =	swait.ge [sflag:s22], $0x2000  }
0x61: {  	[sflag:s22] =	ssyncset.done $0x0  }
0x62: {  	s23 =	sadd.s32 $0x2A80, s20;
	[sflag:s22] =	ssyncadd.s32 $0xFFFFE000  }
0x63: {  	[spmem:s2] =	stream.indirect.scatter.add.f32 [tilespmem:s18], [sflag:$0x6], $0x40, s23, s16, $0xb8;
	[tilespmem:$0x16E00] =	vst v63  }
0x64: {  	_ =	swait.ge [sflag:s9], $0x2000  }
0x65: {  	[sflag:s9] =	ssyncset.done $0x0  }
0x66: {  	s23 =	sadd.s32 $0x380, s20;
	[sflag:s9] =	ssyncadd.s32 $0xFFFFE000  }
0x67: {  	[tilespmem:s25], [sflag:$0x4] =	stream.indirect.gather [hbm4b:s4+s16], $0x40, s23, s16, $0xb8;
	[tilespmem:$0x16E00] =	vst v63  }
0x68: {  	_ =	swait.ge [sflag:s26], $0x2000  }
0x69: {  	p1 =	seq.s32 s10, $0x9000;
	[sflag:s26] =	ssyncset.done $0x0  }
.Ltmp3:
0x6a: {  	s23 =	sadd.s32 $0x2B00, s20;
	[sflag:s26] =	ssyncadd.s32 $0xFFFFE000;
	(pc) =	sbr.rel @p1 .LBB2_8-.Ltmp3, $4  }
0x6b: {  	[spmem:s2] =	stream.indirect.scatter.add.f32 [tilespmem:s21], [sflag:$0x7], $0x40, s23, s16, $0xb8;
	[tilespmem:$0x16E00] =	vst v63  }
0x6c: {  	_ =	swait.ge [sflag:s29], $0x2000  }
0x6d: {  	[sflag:s29] =	ssyncset.done $0x0  }
0x6e: {  	[sflag:s29] =	ssyncadd.s32 $0xFFFFE000  }
0x6f: {  	s23 =	sadd.s32 $0x400, s20  }
0x70: {  	[tilespmem:s17], [sflag:$0x1] =	stream.indirect.gather [hbm4b:s4+s16], $0x40, s23, s16, $0xb8;
	[tilespmem:$0x16E00] =	vst v63  }
0x71: {  	_ =	swait.ge [sflag:s31], $0x2000  }
0x72: {  	[sflag:s31] =	ssyncset.done $0x0  }
0x73: {  	s23 =	sadd.s32 $0x2B80, s20;
	[sflag:s31] =	ssyncadd.s32 $0xFFFFE000  }
0x74: {  	[spmem:s2] =	stream.indirect.scatter.add.f32 [tilespmem:s25], [sflag:$0x8], $0x40, s23, s16, $0xb8;
	[tilespmem:$0x16E00] =	vst v63  }
.Ltmp4:
0x75: {  	_ = 	snop;
	(pc) =	sbr.rel .LBB2_6-.Ltmp4, $4  }
0x76: {  	_ =	swait.ge [sflag:s1], $0x2000  }
0x77: {  	[sflag:s1] =	ssyncset.done $0x0  }
0x78: {  	s10 =	sadd.s32 $0x800, s10;
	s23 =	sadd.s32 $0x480, s20;
	[sflag:s1] =	ssyncadd.s32 $0xFFFFE000  }
0x79: {  	[tilespmem:s18], [sflag:$0x2] =	stream.indirect.gather [hbm4b:s4+s16], $0x40, s23, s16, $0xb8;
	[tilespmem:$0x16E00] =	vst v63  }
.LBB2_2:
0x7a: {  	s20 =	rddreg [dreg:$0x3]  }
0x7b: {  	[tilespmem:s10], [sflag:$0x9] =	stream.linear.gather [hbm4b:s20+s10], $0x2800, $0x38;
	[tilespmem:$0x16E00] =	vst v63  }
0x7c: {  	_ =	swait.ge [sflag:s14], $0x2800  }
0x7d: {  	[sflag:s14] =	ssyncset.done $0x0  }
0x7e: {  	s23 =	rddreg [dreg:$0x4];
	[sflag:s14] =	ssyncadd.s32 $0xFFFFD800  }
0x7f: {  	[tilespmem:s15], [sflag:$0x9] =	stream.linear.gather [hbm4b:s23+s10], $0x2800, $0x38;
	[tilespmem:$0x16E00] =	vst v63  }
0x80: {  	_ =	swait.ge [sflag:s14], $0x2800  }
0x81: {  	[sflag:s14] =	ssyncset.done $0x0  }
0x82: {  	[sflag:s14] =	ssyncadd.s32 $0xFFFFD800  }
0x83: {  	[tilespmem:s17], [sflag:$0x1] =	stream.indirect.gather [hbm4b:s4+s16], $0x40, s10, s16, $0xb8;
	[tilespmem:$0x16E00] =	vst v63  }
0x84: {  	_ = 	snop  }
0x85: {  	[tilespmem:s18], [sflag:$0x2] =	stream.indirect.gather [hbm4b:s4+s16], $0x40, s16, s16, $0xb8;
	[tilespmem:$0x16E00] =	vst v63  }
0x86: {  	_ =	swait.ge [sflag:s19], $0x2000  }
0x87: {  	[sflag:s19] =	ssyncset.done $0x0  }
0x88: {  	[sflag:s19] =	ssyncadd.s32 $0xFFFFE000  }
0x89: {  	[spmem:s2] =	stream.indirect.scatter.add.f32 [tilespmem:s17], [sflag:$0x5], $0x40, s15, s16, $0xb8;
	[tilespmem:$0x16E00] =	vst v63  }
0x8a: {  	s23 =	simm.s32 $0x100  }
0x8b: {  	[tilespmem:s21], [sflag:$0x3] =	stream.indirect.gather [hbm4b:s4+s16], $0x40, s23, s16, $0xb8;
	[tilespmem:$0x16E00] =	vst v63  }
0x8c: {  	_ =	swait.ge [sflag:s22], $0x2000  }
0x8d: {  	[sflag:s22] =	ssyncset.done $0x0  }
0x8e: {  	s23 =	simm.s32 $0x2880;
	[sflag:s22] =	ssyncadd.s32 $0xFFFFE000  }
0x8f: {  	[spmem:s2] =	stream.indirect.scatter.add.f32 [tilespmem:s18], [sflag:$0x6], $0x40, s23, s16, $0xb8;
	[tilespmem:$0x16E00] =	vst v63  }
0x90: {  	_ = 	snop  }
0x91: {  	[tilespmem:s25], [sflag:$0x4] =	stream.indirect.gather [hbm4b:s4+s16], $0x40, s24, s16, $0xb8;
	[tilespmem:$0x16E00] =	vst v63  }
0x92: {  	_ =	swait.ge [sflag:s26], $0x2000  }
0x93: {  	[sflag:s26] =	ssyncset.done $0x0  }
0x94: {  	[sflag:s26] =	ssyncadd.s32 $0xFFFFE000  }
0x95: {  	[spmem:s2] =	stream.indirect.scatter.add.f32 [tilespmem:s21], [sflag:$0x7], $0x40, s28, s16, $0xb8;
	[tilespmem:$0x16E00] =	vst v63  }
0x96: {  	_ =	swait.ge [sflag:s29], $0x2000  }
0x97: {  	[sflag:s29] =	ssyncset.done $0x0  }
0x98: {  	[sflag:s29] =	ssyncadd.s32 $0xFFFFE000  }
0x99: {  	[tilespmem:s17], [sflag:$0x1] =	stream.indirect.gather [hbm4b:s4+s16], $0x40, s30, s16, $0xb8;
	[tilespmem:$0x16E00] =	vst v63  }
0x9a: {  	_ =	swait.ge [sflag:s31], $0x2000  }
0x9b: {  	[sflag:s31] =	ssyncset.done $0x0  }
0x9c: {  	[sflag:s31] =	ssyncadd.s32 $0xFFFFE000  }
0x9d: {  	[spmem:s2] =	stream.indirect.scatter.add.f32 [tilespmem:s25], [sflag:$0x8], $0x40, s0, s16, $0xb8;
	[tilespmem:$0x16E00] =	vst v63  }
0x9e: {  	_ =	swait.ge [sflag:s1], $0x2000  }
0x9f: {  	[sflag:s1] =	ssyncset.done $0x0  }
0xa0: {  	[sflag:s1] =	ssyncadd.s32 $0xFFFFE000  }
0xa1: {  	[tilespmem:s18], [sflag:$0x2] =	stream.indirect.gather [hbm4b:s4+s16], $0x40, s7, s16, $0xb8;
	[tilespmem:$0x16E00] =	vst v63  }
.LBB2_3:
0xa2: {  	_ =	swait.ge [sflag:s19], $0x2000  }
0xa3: {  	s20 =	sshra.s32 s10, $0x2;
	[sflag:s19] =	ssyncset.done $0x0  }
0xa4: {  	s23 =	sadd.s32 $0x2A00, s20;
	[sflag:s19] =	ssyncadd.s32 $0xFFFFE000  }
0xa5: {  	[spmem:s2] =	stream.indirect.scatter.add.f32 [tilespmem:s17], [sflag:$0x5], $0x40, s23, s16, $0xb8;
	[tilespmem:$0x16E00] =	vst v63  }
0xa6: {  	_ =	swait.ge [sflag:s8], $0x2000  }
0xa7: {  	[sflag:s8] =	ssyncset.done $0x0  }
0xa8: {  	s23 =	sadd.s32 $0x300, s20;
	[sflag:s8] =	ssyncadd.s32 $0xFFFFE000  }
0xa9: {  	[tilespmem:s21], [sflag:$0x3] =	stream.indirect.gather [hbm4b:s4+s16], $0x40, s23, s16, $0xb8;
	[tilespmem:$0x16E00] =	vst v63  }
0xaa: {  	_ =	swait.ge [sflag:s22], $0x2000  }
0xab: {  	[sflag:s22] =	ssyncset.done $0x0  }
0xac: {  	s23 =	sadd.s32 $0x2A80, s20;
	[sflag:s22] =	ssyncadd.s32 $0xFFFFE000  }
0xad: {  	[spmem:s2] =	stream.indirect.scatter.add.f32 [tilespmem:s18], [sflag:$0x6], $0x40, s23, s16, $0xb8;
	[tilespmem:$0x16E00] =	vst v63  }
0xae: {  	_ =	swait.ge [sflag:s9], $0x2000  }
0xaf: {  	[sflag:s9] =	ssyncset.done $0x0  }
0xb0: {  	s23 =	sadd.s32 $0x380, s20;
	[sflag:s9] =	ssyncadd.s32 $0xFFFFE000  }
0xb1: {  	[tilespmem:s25], [sflag:$0x4] =	stream.indirect.gather [hbm4b:s4+s16], $0x40, s23, s16, $0xb8;
	[tilespmem:$0x16E00] =	vst v63  }
0xb2: {  	_ =	swait.ge [sflag:s26], $0x2000  }
0xb3: {  	p1 =	seq.s32 s10, $0x9000;
	[sflag:s26] =	ssyncset.done $0x0  }
.Ltmp5:
0xb4: {  	s23 =	sadd.s32 $0x2B00, s20;
	[sflag:s26] =	ssyncadd.s32 $0xFFFFE000;
	(pc) =	sbr.rel @p1 .LBB2_9-.Ltmp5, $4  }
0xb5: {  	[spmem:s2] =	stream.indirect.scatter.add.f32 [tilespmem:s21], [sflag:$0x7], $0x40, s23, s16, $0xb8;
	[tilespmem:$0x16E00] =	vst v63  }
0xb6: {  	_ =	swait.ge [sflag:s29], $0x2000  }
0xb7: {  	[sflag:s29] =	ssyncset.done $0x0  }
0xb8: {  	[sflag:s29] =	ssyncadd.s32 $0xFFFFE000  }
0xb9: {  	s23 =	sadd.s32 $0x400, s20  }
0xba: {  	[tilespmem:s17], [sflag:$0x1] =	stream.indirect.gather [hbm4b:s4+s16], $0x40, s23, s16, $0xb8;
	[tilespmem:$0x16E00] =	vst v63  }
0xbb: {  	_ =	swait.ge [sflag:s31], $0x2000  }
0xbc: {  	[sflag:s31] =	ssyncset.done $0x0  }
0xbd: {  	s23 =	sadd.s32 $0x2B80, s20;
	[sflag:s31] =	ssyncadd.s32 $0xFFFFE000  }
0xbe: {  	[spmem:s2] =	stream.indirect.scatter.add.f32 [tilespmem:s25], [sflag:$0x8], $0x40, s23, s16, $0xb8;
	[tilespmem:$0x16E00] =	vst v63  }
.Ltmp6:
0xbf: {  	_ = 	snop;
	(pc) =	sbr.rel .LBB2_3-.Ltmp6, $4  }
0xc0: {  	_ =	swait.ge [sflag:s1], $0x2000  }
0xc1: {  	[sflag:s1] =	ssyncset.done $0x0  }
0xc2: {  	s10 =	sadd.s32 $0x800, s10;
	s23 =	sadd.s32 $0x480, s20;
	[sflag:s1] =	ssyncadd.s32 $0xFFFFE000  }
0xc3: {  	[tilespmem:s18], [sflag:$0x2] =	stream.indirect.gather [hbm4b:s4+s16], $0x40, s23, s16, $0xb8;
	[tilespmem:$0x16E00] =	vst v63  }
.LBB2_8:
.Ltmp7:
0xc4: {  	(pc) =	sbr.rel .LBB2_10-.Ltmp7, $2  }
0xc5: {  	_ =	sdelay $0x2  }
0xc6: {  	s10 =	sadd.s32 $0xE00, s10  }
.LBB2_11:
0xc7: {  	_ =	sfence.sel $0x180000  }
0xc8: {  	[bflag:$0x0] =	sbarrier.arrive $0xFFFF  }
0xc9: {  	_ =	strace $0x9000004A  }
0xca: {  	s0 =	stileid.u32;
	[bflag:$0x2] =	sbarrier.arrive $0xFFFF  }
0xcb: {  	p0 =	sne.s32 s0, $0x0;
	s0 =	rddreg [dreg:$0x2]  }
0xcc: {  	s0 =	sadd.s32 @!p0 $0x100000, s0  }
0xcd: {  	[sflag:s0] =	ssyncadd.tile.s32 @!p0 $0x1;
	_ =	shalt  }
.Lfunc_end2:
_tile_overlayer_lowered:
.L_overlay_start_2:
0xce: {  	(tag) =	ssettag $0x2  }
0xcf: {  	s0 =	rddreg [dreg:$0x0];
	s2 =	stileid.u32  }
0xd0: {  	s1 =	rddreg [dreg:$0x1];
	p0 =	sne.s32 s2, $0x0  }
0xd1: {  	s3 =	rddreg [dreg:$0x2];
	[bflag:$0x3] =	sbarrier.arrive $0xFFFF;
	s2 =	simm.s32 @!p0 $0x1C09  }
0xd2: {  	[timem:s3], [sflag:s2] =	dma.local @!p0 [hbm:s0], s1  }
0xd3: {  	s0 =	simm.s32 @!p0 $0x9  }
0xd4: {  	_ =	swait.ge @!p0 [sflag:s0], s1  }
0xd5: {  	s1 =	ssub.s32 @!p0 $0x0, s1;
	[sflag:s0] =	ssyncset.done @!p0 $0x0  }
0xd6: {  	[sflag:s0] =	ssyncadd.s32 @!p0 s1  }
0xd7: {  	[bflag:$0x3] =	sbarrier.arrive $0xFFFF  }
0xd8: {  	_ =	shalt  }

// kernel: kernel.15.cloned.1.call-start
scs
__scs_entry_jumppad:
0x0: {  	(pc) =	sbr.rel $0x88, $3  }
0x1: {  	(tag) =	ssettag $0x0;
	lr =	simm.s32 $0x1  }
0x2: {  	[smem:$0x3F97] =	sst lr;
	_ =	strace $0xD0000000  }
0x3: {  	_ = 	snop  }
0x4: {  	_ = 	snop  }
0x5: {  	_ = 	snop  }
0x6: {  	_ = 	snop  }
0x7: {  	_ = 	snop  }
__scs_overlays_trampoline_lowered:
0x8: {  	[smem:$0x3FA6] =	sst s0  }
0x9: {  	[smem:$0x3FA7] =	sst s1  }
0xa: {  	[smem:$0x3FA8] =	sst s2  }
0xb: {  	[smem:$0x3FA9] =	sst s3  }
0xc: {  	[smem:$0x3FAA] =	sst s4  }
0xd: {  	[smem:$0x3FAB] =	sst s5  }
0xe: {  	[smem:$0x3FAC] =	sst s6  }
0xf: {  	[smem:$0x3FAD] =	sst s7  }
0x10: {  	[smem:$0x3FAE] =	sst s8  }
0x11: {  	[smem:$0x3FAF] =	sst s9;
	s0 =	simm.s32 @!p0 $0x0  }
0x12: {  	s1 =	sld [smem:$0x3F95];
	s0 =	simm.s32 @p0 $0x1  }
0x13: {  	[smem:$0x3FB0] =	sst s0;
	s0 =	simm.s32 @!p1 $0x0  }
0x14: {  	s2 =	sld [smem:$0x3F94];
	s0 =	simm.s32 @p1 $0x1  }
0x15: {  	[smem:$0x3FB1] =	sst s0;
	s0 =	simm.s32 @!p2 $0x0  }
0x16: {  	s3 =	sld [smem:$0x3FDB];
	s0 =	simm.s32 @p2 $0x1  }
0x17: {  	s4 =	simm.s32 $0x1BF5;
	[smem:$0x3FB3] =	sst s0  }
0x18: {  	s0 =	sld [smem:$0x3F96];
	_ =	swait.ge [sflag:s4], $0x0  }
0x19: {  	s7 =	sld [smem:$0x3F97]  }
0x1a: {  	s8 =	sadd.s32 $0xFFFFE003, lr  }
0x1b: {  	s9 =	sadd.s32 $0xFFFFFEF7, lr;
	s5 =	simm.s32 $0xFFFFFFFF;
	p2 =	slt.u32 s8, $0xFFFFF086  }
0x1c: {  	p1 =	slt.u32 s9, $0xF7A;
	s5 =	simm.s32 @!p2 $0x0  }
0x1d: {  	s5 =	simm.s32 @p1 $0x1;
	p0 =	seq.s32 s7, s2  }
0x1e: {  	s7 =	smul.u32 @!p0 $0xF7A, s2;
	p2 =	seq.s32 @!p0 s5, $0x0  }
0x1f: {  	s9 =	smul.u32 $0xF7A, s1;
	s8 =	simm.s32 @!p0 $0x1BF5;
	p2 =	por !p2, p0  }
0x20: {  	[sflag:s8] =	ssyncset.s32 @!p0 $0xFFFFF086;
	s6 =	sadd.s32 @!p0 s3, s7;
	s7 =	simm.s32 @!p0 $0x108  }
0x21: {  	s3 =	sadd.s32 s3, s9;
	s6 =	sadd.s32 @!p0 $0x88, s6;
	s7 =	simm.s32 @p2 $0x1082  }
0x22: {  	[simem:s7], [sflag:s8] =	dma.local @!p0 [hbm:s6], $0xF7A  }
0x23: {  	s9 =	sor.u32 $0xD0000000, s2;
	s6 =	simm.s32 $0x108;
	_ =	swait.ge @!p0 [sflag:s8], $0x0  }
0x24: {  	s3 =	sadd.s32 $0x88, s3;
	s6 =	simm.s32 @!p1 $0x1082;
	[sflag:s4] =	ssyncset.s32 $0xFFFFF086  }
0x25: {  	[simem:s6], [sflag:s4] =	dma.local [hbm:s3], $0xF7A  }
0x26: {  	[smem:$0x3F97] =	sst s1;
	(tag) =	ssettag s2;
	_ =	strace s9  }
0x27: {  	s1 =	sld [smem:$0x3FA7]  }
0x28: {  	s2 =	sld [smem:$0x3FA8]  }
0x29: {  	s4 =	sld [smem:$0x3FAA]  }
0x2a: {  	p0 =	seq.s32 s5, $0x0;
	s5 =	sld [smem:$0x3FAB]  }
0x2b: {  	s6 =	sld [smem:$0x3FAC]  }
0x2c: {  	s7 =	sld [smem:$0x3FAD]  }
0x2d: {  	s3 =	simm.s32 $0x108;
	s8 =	sld [smem:$0x3FAE]  }
0x2e: {  	s3 =	simm.s32 @!p0 $0x1082;
	s9 =	sld [smem:$0x3FAF]  }
0x2f: {  	lr =	sadd.s32 s0, s3;
	s0 =	sld [smem:$0x3FA6]  }
0x30: {  	s3 =	sld [smem:$0x3FA9]  }
0x31: {  	[smem:$0x3FB2] =	sst s10  }
0x32: {  	s10 =	sld [smem:$0x3FB0];
	_ =	sdelay $0x3  }
0x33: {  	p0 =	seq.s32 s10, $0x1;
	s10 =	sld [smem:$0x3FB2];
	_ =	sdelay $0x3  }
0x34: {  	[smem:$0x3FB2] =	sst s10  }
0x35: {  	s10 =	sld [smem:$0x3FB1];
	_ =	sdelay $0x3  }
0x36: {  	p1 =	seq.s32 s10, $0x1;
	s10 =	sld [smem:$0x3FB2];
	_ =	sdelay $0x3  }
0x37: {  	[smem:$0x3FB2] =	sst s10  }
0x38: {  	s10 =	sld [smem:$0x3FB3]  }
0x39: {  	_ = 	snop;
	(pc) =	sbr.ind lr, $3  }
0x3a: {  	_ = 	snop  }
0x3b: {  	_ = 	snop  }
0x3c: {  	p2 =	seq.s32 s10, $0x1;
	s10 =	sld [smem:$0x3FB2]  }
0x3d: {  	_ =	shalt  }
0x3e: {  	_ =	shalt  }
0x3f: {  	_ =	shalt  }
0x40: {  	_ =	shalt  }
0x41: {  	_ =	shalt  }
0x42: {  	_ =	shalt  }
0x43: {  	_ =	shalt  }
0x44: {  	_ =	shalt  }
0x45: {  	_ =	shalt  }
0x46: {  	_ =	shalt  }
0x47: {  	_ =	shalt  }
0x48: {  	_ =	shalt  }
0x49: {  	_ =	shalt  }
0x4a: {  	_ =	shalt  }
0x4b: {  	_ =	shalt  }
0x4c: {  	_ =	shalt  }
0x4d: {  	_ =	shalt  }
0x4e: {  	_ =	shalt  }
0x4f: {  	_ =	shalt  }
0x50: {  	_ =	shalt  }
0x51: {  	_ =	shalt  }
0x52: {  	_ =	shalt  }
0x53: {  	_ =	shalt  }
0x54: {  	_ =	shalt  }
0x55: {  	_ =	shalt  }
0x56: {  	_ =	shalt  }
0x57: {  	_ =	shalt  }
0x58: {  	_ =	shalt  }
0x59: {  	_ =	shalt  }
0x5a: {  	_ =	shalt  }
0x5b: {  	_ =	shalt  }
0x5c: {  	_ =	shalt  }
0x5d: {  	_ =	shalt  }
0x5e: {  	_ =	shalt  }
0x5f: {  	_ =	shalt  }
0x60: {  	_ =	shalt  }
0x61: {  	_ =	shalt  }
0x62: {  	_ =	shalt  }
0x63: {  	_ =	shalt  }
0x64: {  	_ =	shalt  }
0x65: {  	_ =	shalt  }
0x66: {  	_ =	shalt  }
0x67: {  	_ =	shalt  }
0x68: {  	_ =	shalt  }
0x69: {  	_ =	shalt  }
0x6a: {  	_ =	shalt  }
0x6b: {  	_ =	shalt  }
0x6c: {  	_ =	shalt  }
0x6d: {  	_ =	shalt  }
0x6e: {  	_ =	shalt  }
0x6f: {  	_ =	shalt  }
0x70: {  	_ =	shalt  }
0x71: {  	_ =	shalt  }
0x72: {  	_ =	shalt  }
0x73: {  	_ =	shalt  }
0x74: {  	_ =	shalt  }
0x75: {  	_ =	shalt  }
0x76: {  	_ =	shalt  }
0x77: {  	_ =	shalt  }
0x78: {  	_ =	shalt  }
0x79: {  	_ =	shalt  }
0x7a: {  	_ =	shalt  }
0x7b: {  	_ =	shalt  }
0x7c: {  	_ =	shalt  }
0x7d: {  	_ =	shalt  }
0x7e: {  	_ =	shalt  }
0x7f: {  	_ =	shalt  }
0x80: {  	_ =	shalt  }
0x81: {  	_ =	shalt  }
0x82: {  	_ =	shalt  }
0x83: {  	_ =	shalt  }
0x84: {  	_ =	shalt  }
0x85: {  	_ =	shalt  }
0x86: {  	_ =	shalt  }
0x87: {  	_ =	shalt  }
.Lfunc_end0:
.L_simem_size_0:
called_computation.2_lowered:
.L_overlay_start_0:
0x88: {  	s2 =	sld [smem:$0x3FD9]  }
0x89: {  	s3 =	sld [smem:$0x3FFE];
	_ =	sdelay $0x1  }
0x8a: {  	s1 =	srdreg.scid  }
0x8b: {  	s0 =	sand.u32 $0x1, s1  }
0x8c: {  	s14 =	sshll.u32 s0, $0xA;
	s2 =	sadd.s32 s3, s2  }
0x8d: {  	s2 =	sadd.s32 s2, s14  }
0x8e: {  	[smem:$0x3FBE] =	sst s2  }
0x8f: {  	_ = 	snop  }
0x90: {  	s2 =	sld [smem:$0x3FD0];
	_ =	sdelay $0x2  }
0x91: {  	s15 =	simm.s32 $0xA;
	s4 =	simm.s32 $0x10  }
0x92: {  	[smem:s4], [sflag:s15] =	dma.local [hbm:s2], $0x1  }
0x93: {  	_ =	swait.eq [sflag:s15], $0x1  }
0x94: {  	[sflag:s15] =	ssyncset.done $0x0  }
0x95: {  	[sflag:s15] =	ssyncadd.s32 $0xFFFFFFFF  }
0x96: {  	s16 =	sld [smem:$0x10];
	(tm) =	ssettm $0x1  }
0x97: {  	s17 =	sld [smem:$0x3FFB];
	_ =	sdelay $0x3  }
0x98: {  	_ =	strace s17  }
0x99: {  	s3 =	sld [smem:$0x3FFC];
	_ =	sdelay $0x3  }
0x9a: {  	_ =	strace s3  }
0x9b: {  	s3 =	sld [smem:$0x3FFD];
	_ =	sdelay $0x3  }
0x9c: {  	_ =	strace s3  }
0x9d: {  	_ =	strace $0x8FFFFFFF  }
0x9e: {  	s18 =	sld [smem:$0x3FDB];
	_ =	sdelay $0x1  }
0x9f: {  	s19 =	simm.s32 $_scs_section_size  }
0xa0: {  	s5 =	simm.s32 $_size__tile_overlayer_lowered;
	s6 =	simm.s32 $_tile_overlayer_lowered  }
0xa1: {  	s22 =	simm.s32 $0x1BFF;
	s21 =	sshll.u32 s6, $0x1;
	s3 =	sadd.s32 s19, s18  }
0xa2: {  	s7 =	simm.s32 $0x0;
	s20 =	sshll.u32 s5, $0x1;
	s5 =	sadd.s32 s21, s3  }
0xa3: {  	[timem:s7], [sflag:s22] =	dma.local [hbm:s5], s20  }
0xa4: {  	_ =	swait.ge [sflag:s22], s20  }
0xa5: {  	s4 =	ssub.s32 $0x0, s20;
	[sflag:s22] =	ssyncset.done $0x0  }
0xa6: {  	[sflag:s22] =	ssyncadd.s32 s4;
	_ =	sdelay $0x1  }
0xa7: {  	s23 =	simm.s32 $0x1B8B  }
0xa8: {  	_ =	swait.ge [sflag:s23], $0x1  }
0xa9: {  	[sflag:s23] =	ssyncset.done $0x0  }
0xaa: {  	s25 =	simm.s32 $0x1B8E;
	s24 =	sld [smem:$0x3FFE];
	[sflag:s23] =	ssyncadd.s32 $0xFFFFFFFF  }
0xab: {  	s26 =	simm.s32 $execute0_lowered;
	[smem:$0x3FD2] =	sst s25  }
0xac: {  	s5 =	sshll.u32 s26, $0x1;
	_ =	strace $0x8000004C;
	[dreg:$0x1] =	wrdreg $0xFFFFFFFF  }
0xad: {  	s28 =	simm.s32 $_size_execute0_lowered;
	s3 =	sadd.s32 s3, s5;
	[dreg:$0x0] =	wrdreg $0x0  }
0xae: {  	s5 =	sshll.u32 s28, $0x1;
	[dreg:$0x2] =	wrdreg s3  }
0xaf: {  	[dreg:$0x3] =	wrdreg s5  }
0xb0: {  	[dreg:$0x4] =	wrdreg $0xC0  }
0xb1: {  	_ =	task [dreg:s7], $0x5FFFF  }
0xb2: {  	[dreg:$0x1] =	wrdreg $0xFFFFFFFF  }
0xb3: {  	[dreg:$0x0] =	wrdreg $0x60  }
0xb4: {  	[dreg:$0x2] =	wrdreg s24  }
0xb5: {  	[dreg:$0x3] =	wrdreg s16  }
0xb6: {  	[dreg:$0x4] =	wrdreg $0x90000  }
0xb7: {  	[dreg:$0x5] =	wrdreg $0x9  }
0xb8: {  	_ =	task.clear_ibuf [dreg:s7], $0x6FFFF;
	_ =	strace $0x9000004C  }
0xb9: {  	s29 =	simm.s32 $0x9;
	_ =	strace $0x8000004E  }
0xba: {  	_ =	swait.ge [sflag:s29], $0x1  }
0xbb: {  	[sflag:s29] =	ssyncadd.s32 $0xFFFFFFFF  }
0xbc: {  	_ =	strace $0x9000004E  }
0xbd: {  	_ =	sfence  }
0xbe: {  	s30 =	sld [smem:$0x0];
	_ =	sdelay $0x2  }
0xbf: {  	s31 =	sshll.u32 s1, $0xD;
	s1 =	sshrl.u32 s1, $0x2  }
0xc0: {  	s3 =	sand.u32 $0x4000, s31;
	s1 =	sadd.s32 s1, s30  }
0xc1: {  	s0 =	sor.u32 s3, s0;
	s1 =	sshll.u32 s1, $0x11  }
0xc2: {  	s0 =	sor.u32 s1, s0  }
0xc3: {  	s0 =	sadd.s32 $0x8F2B, s0  }
0xc4: {  	[sflag:s0] =	ssyncadd.remote.s32 $0x1  }
0xc5: {  	_ =	sfence.sel $0xFFFF  }
0xc6: {  	[dreg:$0x0] =	wrdreg $0xFFFFFFFF;
	(pc) =	sbr.abs _section_cstart, $3  }
0xc7: {  	[dreg:$0x1] =	wrdreg $0xFFFFFFFF  }
0xc8: {  	_ =	task.clear_ibuf [dreg:s7], $0x2FFFF;
	_ =	strace $0x9FFFFFFF  }
0xc9: {  	(tm) =	ssettm $0x7FFFFFFF  }
tec
execute0_lowered:
.L_overlay_start_1:
0x0: {  	(tag) =	ssettag $0x1  }
0x1: {  	s0 =	rddreg [dreg:$0x0]  }
0x2: {  	s1 =	rddreg [dreg:$0x1]  }
0x3: {  	s2 =	rddreg [dreg:$0x2]  }
0x4: {  	s4 =	srdreg.scid;
	s12 =	stileid.u32  }
0x5: {  	s3 =	simm.s32 $0x0;
	s14 =	simm.s32 $0x9;
	s15 =	simm.s32 $0x2800  }
0x6: {  	s16 =	simm.s32 $0x80;
	s17 =	simm.s32 $0x5000;
	s18 =	simm.s32 $0x6000  }
0x7: {  	s19 =	simm.s32 $0x1;
	s28 =	simm.s32 $0x2900;
	s29 =	simm.s32 $0x5  }
0x8: {  	s30 =	simm.s32 $0x200;
	s31 =	simm.s32 $0x4;
	s5 =	smul.u32 $0x4F00, s12  }
0x9: {  	s7 =	sand.u32 $0x1, s4;
	[smem:$0x7FF] =	sst s3;
	s21 =	smul.u32 $0x5000, s12  }
0xa: {  	s8 =	sadd.s32 $0xBE00, s0;
	s22 =	sshll.u32 s12, $0x6;
	s12 =	smul.u32 $0xA00, s12  }
0xb: {  	s9 =	sadd.s32 $0x1E00, s0;
	s4 =	smul.u32 $0x4F000, s7;
	_ =	strace $0x8000004D  }
0xc: {  	s6 =	ssub.s32 $0x2, s7;
	p0 =	seq.s32 s7, $0x1;
	s7 =	simm.s32 $0x280  }
0xd: {  	s11 =	sshrl.u32 s6, $0x1;
	s13 =	sadd.s32 s5, s2;
	s23 =	sshrl.u32 s21, $0x3  }
0xe: {  	s24 =	sadd.s32 s8, s12;
	s25 =	sadd.s32 s9, s12;
	s21 =	simm.s32 $0x7000  }
0xf: {  	s4 =	sadd.s32 s5, s4;
	s20 =	ssub.s32 s6, s11;
	[dreg:$0x4] =	wrdreg s24  }
0x10: {  	s5 =	sshrl.u32 s5, $0x3;
	s6 =	sor.u32 $0x1C09, s22;
	[dreg:$0x5] =	wrdreg s25  }
0x11: {  	s13 =	sshrl.u32 s13, $0x3;
	s22 =	simm.s32 $0x2;
	s24 =	simm.s32 $0x180  }
0x12: {  	s25 =	simm.s32 $0x8000;
	s10 =	sshrl.u32 s4, $0x3;
	s4 =	sadd.s32 $0x15E00, s0  }
.Ltmp0:
0x13: {  	s5 =	sadd.s32 s1, s5;
	s1 =	sadd.s32 $0x500, s23;
	(pc) =	sbr.rel .LBB2_1-.Ltmp0, $4  }
0x14: {  	s12 =	smax.u32 s20, $0x1;
	s0 =	sadd.s32 s10, s0;
	s26 =	sadd.s32 s8, s1  }
0x15: {  	s1 =	sadd.s32 s9, s1;
	s8 =	simm.s32 $0x7;
	[dreg:$0x6] =	wrdreg s26  }
0x16: {  	s9 =	simm.s32 $0x8;
	[dreg:$0x7] =	wrdreg s1;
	s11 =	sadd.s32 $0x1FC00, s0  }
0x17: {  	s26 =	simm.s32 $0x3;
	s0 =	simm.s32 $0x2980;
	s1 =	simm.s32 $0x6  }
.LBB2_9:
0x18: {  	s10 =	sadd.s32 $0xE00, s10  }
.LBB2_10:
0x19: {  	_ =	swait.ge [sflag:s31], $0x1000  }
0x1a: {  	s10 =	sshra.s32 s10, $0x2;
	[sflag:s31] =	ssyncset.done $0x0  }
0x1b: {  	s10 =	sadd.s32 $0x2800, s10;
	[sflag:s31] =	ssyncadd.s32 $0xFFFFF000  }
0x1c: {  	[spmem:s2] =	stream.indirect.scatter.add.f32 [tilespmem:s25], [sflag:$0x8], $0x20, s10, s16, $0xb8;
	[tilespmem:$0xDF00] =	vst v63  }
0x1d: {  	_ =	swait.ge [sflag:s1], $0x1000  }
0x1e: {  	[sflag:s1] =	ssyncset.done $0x0  }
0x1f: {  	[sflag:s1] =	ssyncadd.s32 $0xFFFFF000  }
0x20: {  	_ =	swait.ge [sflag:s8], $0x1000  }
0x21: {  	[sflag:s8] =	ssyncset.done $0x0  }
0x22: {  	[sflag:s8] =	ssyncadd.s32 $0xFFFFF000  }
0x23: {  	_ =	swait.ge [sflag:s9], $0x1000  }
0x24: {  	s3 =	sadd.s32 $0x1, s3;
	[sflag:s9] =	ssyncset.done $0x0  }
0x25: {  	p1 =	sne.s32 s3, s12;
	[sflag:s9] =	ssyncadd.s32 $0xFFFFF000  }
.Ltmp1:
0x26: {  	[bflag:$0x0] =	sbarrier.arrive $0xFFFF;
	(pc) =	sbr.rel @!p1 .LBB2_11-.Ltmp1, $4  }
0x27: {  	[hbm:s11], [sflag:s6] =	dma.local [spmem:s13], $0x9E0  }
0x28: {  	_ =	swait.ge [sflag:s14], $0x9E0  }
0x29: {  	[sflag:s14] =	ssyncset.done $0x0  }
0x2a: {  	[sflag:s14] =	ssyncadd.s32 $0xFFFFF620  }
.LBB2_1:
0x2b: {  	[spmem:s13], [sflag:s6] =	dma.local [hbm:s5], $0x9E0  }
.Ltmp2:
0x2c: {  	_ =	swait.ge [sflag:s14], $0x9E0;
	(pc) =	sbr.rel @!p0 .LBB2_2-.Ltmp2, $4  }
0x2d: {  	[sflag:s14] =	ssyncset.done $0x0  }
0x2e: {  	[sflag:s14] =	ssyncadd.s32 $0xFFFFF620  }
0x2f: {  	[bflag:$0x0] =	sbarrier.arrive $0xFFFF  }
0x30: {  	s10 =	simm.s32 $0x0  }
0x31: {  	s20 =	rddreg [dreg:$0x6]  }
0x32: {  	[tilespmem:s10], [sflag:$0x9] =	stream.linear.gather [hbm4b:s20+s10], $0x2800, $0x38;
	[tilespmem:$0xDF00] =	vst v63  }
0x33: {  	_ =	swait.ge [sflag:s14], $0x2800  }
0x34: {  	[sflag:s14] =	ssyncset.done $0x0  }
0x35: {  	s23 =	rddreg [dreg:$0x7];
	[sflag:s14] =	ssyncadd.s32 $0xFFFFD800  }
0x36: {  	[tilespmem:s15], [sflag:$0x9] =	stream.linear.gather [hbm4b:s23+s10], $0x2800, $0x38;
	[tilespmem:$0xDF00] =	vst v63  }
0x37: {  	_ =	swait.ge [sflag:s14], $0x2800  }
0x38: {  	[sflag:s14] =	ssyncset.done $0x0  }
0x39: {  	[sflag:s14] =	ssyncadd.s32 $0xFFFFD800  }
0x3a: {  	[tilespmem:s17], [sflag:$0x1] =	stream.indirect.gather [hbm4b:s4+s16], $0x20, s10, s16, $0xb8;
	[tilespmem:$0xDF00] =	vst v63  }
0x3b: {  	_ = 	snop  }
0x3c: {  	[tilespmem:s18], [sflag:$0x2] =	stream.indirect.gather [hbm4b:s4+s16], $0x20, s16, s16, $0xb8;
	[tilespmem:$0xDF00] =	vst v63  }
0x3d: {  	_ =	swait.ge [sflag:s19], $0x1000  }
0x3e: {  	[sflag:s19] =	ssyncset.done $0x0  }
0x3f: {  	[sflag:s19] =	ssyncadd.s32 $0xFFFFF000  }
0x40: {  	[spmem:s2] =	stream.indirect.scatter.add.f32 [tilespmem:s17], [sflag:$0x5], $0x20, s15, s16, $0xb8;
	[tilespmem:$0xDF00] =	vst v63  }
0x41: {  	s23 =	simm.s32 $0x100  }
0x42: {  	[tilespmem:s21], [sflag:$0x3] =	stream.indirect.gather [hbm4b:s4+s16], $0x20, s23, s16, $0xb8;
	[tilespmem:$0xDF00] =	vst v63  }
0x43: {  	_ =	swait.ge [sflag:s22], $0x1000  }
0x44: {  	[sflag:s22] =	ssyncset.done $0x0  }
0x45: {  	s23 =	simm.s32 $0x2880;
	[sflag:s22] =	ssyncadd.s32 $0xFFFFF000  }
0x46: {  	[spmem:s2] =	stream.indirect.scatter.add.f32 [tilespmem:s18], [sflag:$0x6], $0x20, s23, s16, $0xb8;
	[tilespmem:$0xDF00] =	vst v63  }
0x47: {  	_ = 	snop  }
0x48: {  	[tilespmem:s25], [sflag:$0x4] =	stream.indirect.gather [hbm4b:s4+s16], $0x20, s24, s16, $0xb8;
	[tilespmem:$0xDF00] =	vst v63  }
0x49: {  	_ =	swait.ge [sflag:s26], $0x1000  }
0x4a: {  	[sflag:s26] =	ssyncset.done $0x0  }
0x4b: {  	[sflag:s26] =	ssyncadd.s32 $0xFFFFF000  }
0x4c: {  	[spmem:s2] =	stream.indirect.scatter.add.f32 [tilespmem:s21], [sflag:$0x7], $0x20, s28, s16, $0xb8;
	[tilespmem:$0xDF00] =	vst v63  }
0x4d: {  	_ =	swait.ge [sflag:s29], $0x1000  }
0x4e: {  	[sflag:s29] =	ssyncset.done $0x0  }
0x4f: {  	[sflag:s29] =	ssyncadd.s32 $0xFFFFF000  }
0x50: {  	[tilespmem:s17], [sflag:$0x1] =	stream.indirect.gather [hbm4b:s4+s16], $0x20, s30, s16, $0xb8;
	[tilespmem:$0xDF00] =	vst v63  }
0x51: {  	_ =	swait.ge [sflag:s31], $0x1000  }
0x52: {  	[sflag:s31] =	ssyncset.done $0x0  }
0x53: {  	[sflag:s31] =	ssyncadd.s32 $0xFFFFF000  }
0x54: {  	[spmem:s2] =	stream.indirect.scatter.add.f32 [tilespmem:s25], [sflag:$0x8], $0x20, s0, s16, $0xb8;
	[tilespmem:$0xDF00] =	vst v63  }
0x55: {  	_ =	swait.ge [sflag:s1], $0x1000  }
0x56: {  	[sflag:s1] =	ssyncset.done $0x0  }
0x57: {  	[sflag:s1] =	ssyncadd.s32 $0xFFFFF000  }
0x58: {  	[tilespmem:s18], [sflag:$0x2] =	stream.indirect.gather [hbm4b:s4+s16], $0x20, s7, s16, $0xb8;
	[tilespmem:$0xDF00] =	vst v63  }
.LBB2_6:
0x59: {  	_ =	swait.ge [sflag:s19], $0x1000  }
0x5a: {  	s20 =	sshra.s32 s10, $0x2;
	[sflag:s19] =	ssyncset.done $0x0  }
0x5b: {  	s23 =	sadd.s32 $0x2A00, s20;
	[sflag:s19] =	ssyncadd.s32 $0xFFFFF000  }
0x5c: {  	[spmem:s2] =	stream.indirect.scatter.add.f32 [tilespmem:s17], [sflag:$0x5], $0x20, s23, s16, $0xb8;
	[tilespmem:$0xDF00] =	vst v63  }
0x5d: {  	_ =	swait.ge [sflag:s8], $0x1000  }
0x5e: {  	[sflag:s8] =	ssyncset.done $0x0  }
0x5f: {  	s23 =	sadd.s32 $0x300, s20;
	[sflag:s8] =	ssyncadd.s32 $0xFFFFF000  }
0x60: {  	[tilespmem:s21], [sflag:$0x3] =	stream.indirect.gather [hbm4b:s4+s16], $0x20, s23, s16, $0xb8;
	[tilespmem:$0xDF00] =	vst v63  }
0x61: {  	_ =	swait.ge [sflag:s22], $0x1000  }
0x62: {  	[sflag:s22] =	ssyncset.done $0x0  }
0x63: {  	s23 =	sadd.s32 $0x2A80, s20;
	[sflag:s22] =	ssyncadd.s32 $0xFFFFF000  }
0x64: {  	[spmem:s2] =	stream.indirect.scatter.add.f32 [tilespmem:s18], [sflag:$0x6], $0x20, s23, s16, $0xb8;
	[tilespmem:$0xDF00] =	vst v63  }
0x65: {  	_ =	swait.ge [sflag:s9], $0x1000  }
0x66: {  	[sflag:s9] =	ssyncset.done $0x0  }
0x67: {  	s23 =	sadd.s32 $0x380, s20;
	[sflag:s9] =	ssyncadd.s32 $0xFFFFF000  }
0x68: {  	[tilespmem:s25], [sflag:$0x4] =	stream.indirect.gather [hbm4b:s4+s16], $0x20, s23, s16, $0xb8;
	[tilespmem:$0xDF00] =	vst v63  }
0x69: {  	_ =	swait.ge [sflag:s26], $0x1000  }
0x6a: {  	p1 =	seq.s32 s10, $0x9000;
	[sflag:s26] =	ssyncset.done $0x0  }
.Ltmp3:
0x6b: {  	s23 =	sadd.s32 $0x2B00, s20;
	[sflag:s26] =	ssyncadd.s32 $0xFFFFF000;
	(pc) =	sbr.rel @p1 .LBB2_8-.Ltmp3, $4  }
0x6c: {  	[spmem:s2] =	stream.indirect.scatter.add.f32 [tilespmem:s21], [sflag:$0x7], $0x20, s23, s16, $0xb8;
	[tilespmem:$0xDF00] =	vst v63  }
0x6d: {  	_ =	swait.ge [sflag:s29], $0x1000  }
0x6e: {  	[sflag:s29] =	ssyncset.done $0x0  }
0x6f: {  	[sflag:s29] =	ssyncadd.s32 $0xFFFFF000  }
0x70: {  	s23 =	sadd.s32 $0x400, s20  }
0x71: {  	[tilespmem:s17], [sflag:$0x1] =	stream.indirect.gather [hbm4b:s4+s16], $0x20, s23, s16, $0xb8;
	[tilespmem:$0xDF00] =	vst v63  }
0x72: {  	_ =	swait.ge [sflag:s31], $0x1000  }
0x73: {  	[sflag:s31] =	ssyncset.done $0x0  }
0x74: {  	s23 =	sadd.s32 $0x2B80, s20;
	[sflag:s31] =	ssyncadd.s32 $0xFFFFF000  }
0x75: {  	[spmem:s2] =	stream.indirect.scatter.add.f32 [tilespmem:s25], [sflag:$0x8], $0x20, s23, s16, $0xb8;
	[tilespmem:$0xDF00] =	vst v63  }
.Ltmp4:
0x76: {  	_ = 	snop;
	(pc) =	sbr.rel .LBB2_6-.Ltmp4, $4  }
0x77: {  	_ =	swait.ge [sflag:s1], $0x1000  }
0x78: {  	[sflag:s1] =	ssyncset.done $0x0  }
0x79: {  	s10 =	sadd.s32 $0x800, s10;
	s23 =	sadd.s32 $0x480, s20;
	[sflag:s1] =	ssyncadd.s32 $0xFFFFF000  }
0x7a: {  	[tilespmem:s18], [sflag:$0x2] =	stream.indirect.gather [hbm4b:s4+s16], $0x20, s23, s16, $0xb8;
	[tilespmem:$0xDF00] =	vst v63  }
.LBB2_2:
0x7b: {  	s20 =	rddreg [dreg:$0x4]  }
0x7c: {  	[tilespmem:s10], [sflag:$0x9] =	stream.linear.gather [hbm4b:s20+s10], $0x2800, $0x38;
	[tilespmem:$0xDF00] =	vst v63  }
0x7d: {  	_ =	swait.ge [sflag:s14], $0x2800  }
0x7e: {  	[sflag:s14] =	ssyncset.done $0x0  }
0x7f: {  	s23 =	rddreg [dreg:$0x5];
	[sflag:s14] =	ssyncadd.s32 $0xFFFFD800  }
0x80: {  	[tilespmem:s15], [sflag:$0x9] =	stream.linear.gather [hbm4b:s23+s10], $0x2800, $0x38;
	[tilespmem:$0xDF00] =	vst v63  }
0x81: {  	_ =	swait.ge [sflag:s14], $0x2800  }
0x82: {  	[sflag:s14] =	ssyncset.done $0x0  }
0x83: {  	[sflag:s14] =	ssyncadd.s32 $0xFFFFD800  }
0x84: {  	[tilespmem:s17], [sflag:$0x1] =	stream.indirect.gather [hbm4b:s4+s16], $0x20, s10, s16, $0xb8;
	[tilespmem:$0xDF00] =	vst v63  }
0x85: {  	_ = 	snop  }
0x86: {  	[tilespmem:s18], [sflag:$0x2] =	stream.indirect.gather [hbm4b:s4+s16], $0x20, s16, s16, $0xb8;
	[tilespmem:$0xDF00] =	vst v63  }
0x87: {  	_ =	swait.ge [sflag:s19], $0x1000  }
0x88: {  	[sflag:s19] =	ssyncset.done $0x0  }
0x89: {  	[sflag:s19] =	ssyncadd.s32 $0xFFFFF000  }
0x8a: {  	[spmem:s2] =	stream.indirect.scatter.add.f32 [tilespmem:s17], [sflag:$0x5], $0x20, s15, s16, $0xb8;
	[tilespmem:$0xDF00] =	vst v63  }
0x8b: {  	s23 =	simm.s32 $0x100  }
0x8c: {  	[tilespmem:s21], [sflag:$0x3] =	stream.indirect.gather [hbm4b:s4+s16], $0x20, s23, s16, $0xb8;
	[tilespmem:$0xDF00] =	vst v63  }
0x8d: {  	_ =	swait.ge [sflag:s22], $0x1000  }
0x8e: {  	[sflag:s22] =	ssyncset.done $0x0  }
0x8f: {  	s23 =	simm.s32 $0x2880;
	[sflag:s22] =	ssyncadd.s32 $0xFFFFF000  }
0x90: {  	[spmem:s2] =	stream.indirect.scatter.add.f32 [tilespmem:s18], [sflag:$0x6], $0x20, s23, s16, $0xb8;
	[tilespmem:$0xDF00] =	vst v63  }
0x91: {  	_ = 	snop  }
0x92: {  	[tilespmem:s25], [sflag:$0x4] =	stream.indirect.gather [hbm4b:s4+s16], $0x20, s24, s16, $0xb8;
	[tilespmem:$0xDF00] =	vst v63  }
0x93: {  	_ =	swait.ge [sflag:s26], $0x1000  }
0x94: {  	[sflag:s26] =	ssyncset.done $0x0  }
0x95: {  	[sflag:s26] =	ssyncadd.s32 $0xFFFFF000  }
0x96: {  	[spmem:s2] =	stream.indirect.scatter.add.f32 [tilespmem:s21], [sflag:$0x7], $0x20, s28, s16, $0xb8;
	[tilespmem:$0xDF00] =	vst v63  }
0x97: {  	_ =	swait.ge [sflag:s29], $0x1000  }
0x98: {  	[sflag:s29] =	ssyncset.done $0x0  }
0x99: {  	[sflag:s29] =	ssyncadd.s32 $0xFFFFF000  }
0x9a: {  	[tilespmem:s17], [sflag:$0x1] =	stream.indirect.gather [hbm4b:s4+s16], $0x20, s30, s16, $0xb8;
	[tilespmem:$0xDF00] =	vst v63  }
0x9b: {  	_ =	swait.ge [sflag:s31], $0x1000  }
0x9c: {  	[sflag:s31] =	ssyncset.done $0x0  }
0x9d: {  	[sflag:s31] =	ssyncadd.s32 $0xFFFFF000  }
0x9e: {  	[spmem:s2] =	stream.indirect.scatter.add.f32 [tilespmem:s25], [sflag:$0x8], $0x20, s0, s16, $0xb8;
	[tilespmem:$0xDF00] =	vst v63  }
0x9f: {  	_ =	swait.ge [sflag:s1], $0x1000  }
0xa0: {  	[sflag:s1] =	ssyncset.done $0x0  }
0xa1: {  	[sflag:s1] =	ssyncadd.s32 $0xFFFFF000  }
0xa2: {  	[tilespmem:s18], [sflag:$0x2] =	stream.indirect.gather [hbm4b:s4+s16], $0x20, s7, s16, $0xb8;
	[tilespmem:$0xDF00] =	vst v63  }
.LBB2_3:
0xa3: {  	_ =	swait.ge [sflag:s19], $0x1000  }
0xa4: {  	s20 =	sshra.s32 s10, $0x2;
	[sflag:s19] =	ssyncset.done $0x0  }
0xa5: {  	s23 =	sadd.s32 $0x2A00, s20;
	[sflag:s19] =	ssyncadd.s32 $0xFFFFF000  }
0xa6: {  	[spmem:s2] =	stream.indirect.scatter.add.f32 [tilespmem:s17], [sflag:$0x5], $0x20, s23, s16, $0xb8;
	[tilespmem:$0xDF00] =	vst v63  }
0xa7: {  	_ =	swait.ge [sflag:s8], $0x1000  }
0xa8: {  	[sflag:s8] =	ssyncset.done $0x0  }
0xa9: {  	s23 =	sadd.s32 $0x300, s20;
	[sflag:s8] =	ssyncadd.s32 $0xFFFFF000  }
0xaa: {  	[tilespmem:s21], [sflag:$0x3] =	stream.indirect.gather [hbm4b:s4+s16], $0x20, s23, s16, $0xb8;
	[tilespmem:$0xDF00] =	vst v63  }
0xab: {  	_ =	swait.ge [sflag:s22], $0x1000  }
0xac: {  	[sflag:s22] =	ssyncset.done $0x0  }
0xad: {  	s23 =	sadd.s32 $0x2A80, s20;
	[sflag:s22] =	ssyncadd.s32 $0xFFFFF000  }
0xae: {  	[spmem:s2] =	stream.indirect.scatter.add.f32 [tilespmem:s18], [sflag:$0x6], $0x20, s23, s16, $0xb8;
	[tilespmem:$0xDF00] =	vst v63  }
0xaf: {  	_ =	swait.ge [sflag:s9], $0x1000  }
0xb0: {  	[sflag:s9] =	ssyncset.done $0x0  }
0xb1: {  	s23 =	sadd.s32 $0x380, s20;
	[sflag:s9] =	ssyncadd.s32 $0xFFFFF000  }
0xb2: {  	[tilespmem:s25], [sflag:$0x4] =	stream.indirect.gather [hbm4b:s4+s16], $0x20, s23, s16, $0xb8;
	[tilespmem:$0xDF00] =	vst v63  }
0xb3: {  	_ =	swait.ge [sflag:s26], $0x1000  }
0xb4: {  	p1 =	seq.s32 s10, $0x9000;
	[sflag:s26] =	ssyncset.done $0x0  }
.Ltmp5:
0xb5: {  	s23 =	sadd.s32 $0x2B00, s20;
	[sflag:s26] =	ssyncadd.s32 $0xFFFFF000;
	(pc) =	sbr.rel @p1 .LBB2_9-.Ltmp5, $4  }
0xb6: {  	[spmem:s2] =	stream.indirect.scatter.add.f32 [tilespmem:s21], [sflag:$0x7], $0x20, s23, s16, $0xb8;
	[tilespmem:$0xDF00] =	vst v63  }
0xb7: {  	_ =	swait.ge [sflag:s29], $0x1000  }
0xb8: {  	[sflag:s29] =	ssyncset.done $0x0  }
0xb9: {  	[sflag:s29] =	ssyncadd.s32 $0xFFFFF000  }
0xba: {  	s23 =	sadd.s32 $0x400, s20  }
0xbb: {  	[tilespmem:s17], [sflag:$0x1] =	stream.indirect.gather [hbm4b:s4+s16], $0x20, s23, s16, $0xb8;
	[tilespmem:$0xDF00] =	vst v63  }
0xbc: {  	_ =	swait.ge [sflag:s31], $0x1000  }
0xbd: {  	[sflag:s31] =	ssyncset.done $0x0  }
0xbe: {  	s23 =	sadd.s32 $0x2B80, s20;
	[sflag:s31] =	ssyncadd.s32 $0xFFFFF000  }
0xbf: {  	[spmem:s2] =	stream.indirect.scatter.add.f32 [tilespmem:s25], [sflag:$0x8], $0x20, s23, s16, $0xb8;
	[tilespmem:$0xDF00] =	vst v63  }
.Ltmp6:
0xc0: {  	_ = 	snop;
	(pc) =	sbr.rel .LBB2_3-.Ltmp6, $4  }
0xc1: {  	_ =	swait.ge [sflag:s1], $0x1000  }
0xc2: {  	[sflag:s1] =	ssyncset.done $0x0  }
0xc3: {  	s10 =	sadd.s32 $0x800, s10;
	s23 =	sadd.s32 $0x480, s20;
	[sflag:s1] =	ssyncadd.s32 $0xFFFFF000  }
0xc4: {  	[tilespmem:s18], [sflag:$0x2] =	stream.indirect.gather [hbm4b:s4+s16], $0x20, s23, s16, $0xb8;
	[tilespmem:$0xDF00] =	vst v63  }
.LBB2_8:
.Ltmp7:
0xc5: {  	(pc) =	sbr.rel .LBB2_10-.Ltmp7, $2  }
0xc6: {  	_ =	sdelay $0x2  }
0xc7: {  	s10 =	sadd.s32 $0xE00, s10  }
.LBB2_11:
0xc8: {  	_ =	sfence.sel $0x180000  }
0xc9: {  	[bflag:$0x0] =	sbarrier.arrive $0xFFFF  }
0xca: {  	_ =	strace $0x9000004D  }
0xcb: {  	s0 =	stileid.u32;
	[bflag:$0x2] =	sbarrier.arrive $0xFFFF  }
0xcc: {  	p0 =	sne.s32 s0, $0x0;
	s0 =	rddreg [dreg:$0x3]  }
0xcd: {  	s0 =	sadd.s32 @!p0 $0x100000, s0  }
0xce: {  	[sflag:s0] =	ssyncadd.tile.s32 @!p0 $0x1;
	_ =	shalt  }
.Lfunc_end2:
_tile_overlayer_lowered:
.L_overlay_start_2:
0xcf: {  	(tag) =	ssettag $0x2  }
0xd0: {  	s0 =	rddreg [dreg:$0x0];
	s2 =	stileid.u32  }
0xd1: {  	s1 =	rddreg [dreg:$0x1];
	p0 =	sne.s32 s2, $0x0  }
0xd2: {  	s3 =	rddreg [dreg:$0x2];
	[bflag:$0x3] =	sbarrier.arrive $0xFFFF;
	s2 =	simm.s32 @!p0 $0x1C09  }
0xd3: {  	[timem:s3], [sflag:s2] =	dma.local @!p0 [hbm:s0], s1  }
0xd4: {  	s0 =	simm.s32 @!p0 $0x9  }
0xd5: {  	_ =	swait.ge @!p0 [sflag:s0], s1  }
0xd6: {  	s1 =	ssub.s32 @!p0 $0x0, s1;
	[sflag:s0] =	ssyncset.done @!p0 $0x0  }
0xd7: {  	[sflag:s0] =	ssyncadd.s32 @!p0 s1  }
0xd8: {  	[bflag:$0x3] =	sbarrier.arrive $0xFFFF  }
0xd9: {  	_ =	shalt  }

// kernel: kernel.9.cloned.1.call-start
scs
__scs_entry_jumppad:
0x0: {  	(pc) =	sbr.rel $0x88, $3  }
0x1: {  	(tag) =	ssettag $0x0;
	lr =	simm.s32 $0x1  }
0x2: {  	[smem:$0x3F97] =	sst lr;
	_ =	strace $0xD0000000  }
0x3: {  	_ = 	snop  }
0x4: {  	_ = 	snop  }
0x5: {  	_ = 	snop  }
0x6: {  	_ = 	snop  }
0x7: {  	_ = 	snop  }
__scs_overlays_trampoline_lowered:
0x8: {  	[smem:$0x3FA6] =	sst s0  }
0x9: {  	[smem:$0x3FA7] =	sst s1  }
0xa: {  	[smem:$0x3FA8] =	sst s2  }
0xb: {  	[smem:$0x3FA9] =	sst s3  }
0xc: {  	[smem:$0x3FAA] =	sst s4  }
0xd: {  	[smem:$0x3FAB] =	sst s5  }
0xe: {  	[smem:$0x3FAC] =	sst s6  }
0xf: {  	[smem:$0x3FAD] =	sst s7  }
0x10: {  	[smem:$0x3FAE] =	sst s8  }
0x11: {  	[smem:$0x3FAF] =	sst s9;
	s0 =	simm.s32 @!p0 $0x0  }
0x12: {  	s1 =	sld [smem:$0x3F95];
	s0 =	simm.s32 @p0 $0x1  }
0x13: {  	[smem:$0x3FB0] =	sst s0;
	s0 =	simm.s32 @!p1 $0x0  }
0x14: {  	s2 =	sld [smem:$0x3F94];
	s0 =	simm.s32 @p1 $0x1  }
0x15: {  	[smem:$0x3FB1] =	sst s0;
	s0 =	simm.s32 @!p2 $0x0  }
0x16: {  	s3 =	sld [smem:$0x3FDB];
	s0 =	simm.s32 @p2 $0x1  }
0x17: {  	s4 =	simm.s32 $0x1BF5;
	[smem:$0x3FB3] =	sst s0  }
0x18: {  	s0 =	sld [smem:$0x3F96];
	_ =	swait.ge [sflag:s4], $0x0  }
0x19: {  	s7 =	sld [smem:$0x3F97]  }
0x1a: {  	s8 =	sadd.s32 $0xFFFFE003, lr  }
0x1b: {  	s9 =	sadd.s32 $0xFFFFFEF7, lr;
	s5 =	simm.s32 $0xFFFFFFFF;
	p2 =	slt.u32 s8, $0xFFFFF086  }
0x1c: {  	p1 =	slt.u32 s9, $0xF7A;
	s5 =	simm.s32 @!p2 $0x0  }
0x1d: {  	s5 =	simm.s32 @p1 $0x1;
	p0 =	seq.s32 s7, s2  }
0x1e: {  	s7 =	smul.u32 @!p0 $0xF7A, s2;
	p2 =	seq.s32 @!p0 s5, $0x0  }
0x1f: {  	s9 =	smul.u32 $0xF7A, s1;
	s8 =	simm.s32 @!p0 $0x1BF5;
	p2 =	por !p2, p0  }
0x20: {  	[sflag:s8] =	ssyncset.s32 @!p0 $0xFFFFF086;
	s6 =	sadd.s32 @!p0 s3, s7;
	s7 =	simm.s32 @!p0 $0x108  }
0x21: {  	s3 =	sadd.s32 s3, s9;
	s6 =	sadd.s32 @!p0 $0x88, s6;
	s7 =	simm.s32 @p2 $0x1082  }
0x22: {  	[simem:s7], [sflag:s8] =	dma.local @!p0 [hbm:s6], $0xF7A  }
0x23: {  	s9 =	sor.u32 $0xD0000000, s2;
	s6 =	simm.s32 $0x108;
	_ =	swait.ge @!p0 [sflag:s8], $0x0  }
0x24: {  	s3 =	sadd.s32 $0x88, s3;
	s6 =	simm.s32 @!p1 $0x1082;
	[sflag:s4] =	ssyncset.s32 $0xFFFFF086  }
0x25: {  	[simem:s6], [sflag:s4] =	dma.local [hbm:s3], $0xF7A  }
0x26: {  	[smem:$0x3F97] =	sst s1;
	(tag) =	ssettag s2;
	_ =	strace s9  }
0x27: {  	s1 =	sld [smem:$0x3FA7]  }
0x28: {  	s2 =	sld [smem:$0x3FA8]  }
0x29: {  	s4 =	sld [smem:$0x3FAA]  }
0x2a: {  	p0 =	seq.s32 s5, $0x0;
	s5 =	sld [smem:$0x3FAB]  }
0x2b: {  	s6 =	sld [smem:$0x3FAC]  }
0x2c: {  	s7 =	sld [smem:$0x3FAD]  }
0x2d: {  	s3 =	simm.s32 $0x108;
	s8 =	sld [smem:$0x3FAE]  }
0x2e: {  	s3 =	simm.s32 @!p0 $0x1082;
	s9 =	sld [smem:$0x3FAF]  }
0x2f: {  	lr =	sadd.s32 s0, s3;
	s0 =	sld [smem:$0x3FA6]  }
0x30: {  	s3 =	sld [smem:$0x3FA9]  }
0x31: {  	[smem:$0x3FB2] =	sst s10  }
0x32: {  	s10 =	sld [smem:$0x3FB0];
	_ =	sdelay $0x3  }
0x33: {  	p0 =	seq.s32 s10, $0x1;
	s10 =	sld [smem:$0x3FB2];
	_ =	sdelay $0x3  }
0x34: {  	[smem:$0x3FB2] =	sst s10  }
0x35: {  	s10 =	sld [smem:$0x3FB1];
	_ =	sdelay $0x3  }
0x36: {  	p1 =	seq.s32 s10, $0x1;
	s10 =	sld [smem:$0x3FB2];
	_ =	sdelay $0x3  }
0x37: {  	[smem:$0x3FB2] =	sst s10  }
0x38: {  	s10 =	sld [smem:$0x3FB3]  }
0x39: {  	_ = 	snop;
	(pc) =	sbr.ind lr, $3  }
0x3a: {  	_ = 	snop  }
0x3b: {  	_ = 	snop  }
0x3c: {  	p2 =	seq.s32 s10, $0x1;
	s10 =	sld [smem:$0x3FB2]  }
0x3d: {  	_ =	shalt  }
0x3e: {  	_ =	shalt  }
0x3f: {  	_ =	shalt  }
0x40: {  	_ =	shalt  }
0x41: {  	_ =	shalt  }
0x42: {  	_ =	shalt  }
0x43: {  	_ =	shalt  }
0x44: {  	_ =	shalt  }
0x45: {  	_ =	shalt  }
0x46: {  	_ =	shalt  }
0x47: {  	_ =	shalt  }
0x48: {  	_ =	shalt  }
0x49: {  	_ =	shalt  }
0x4a: {  	_ =	shalt  }
0x4b: {  	_ =	shalt  }
0x4c: {  	_ =	shalt  }
0x4d: {  	_ =	shalt  }
0x4e: {  	_ =	shalt  }
0x4f: {  	_ =	shalt  }
0x50: {  	_ =	shalt  }
0x51: {  	_ =	shalt  }
0x52: {  	_ =	shalt  }
0x53: {  	_ =	shalt  }
0x54: {  	_ =	shalt  }
0x55: {  	_ =	shalt  }
0x56: {  	_ =	shalt  }
0x57: {  	_ =	shalt  }
0x58: {  	_ =	shalt  }
0x59: {  	_ =	shalt  }
0x5a: {  	_ =	shalt  }
0x5b: {  	_ =	shalt  }
0x5c: {  	_ =	shalt  }
0x5d: {  	_ =	shalt  }
0x5e: {  	_ =	shalt  }
0x5f: {  	_ =	shalt  }
0x60: {  	_ =	shalt  }
0x61: {  	_ =	shalt  }
0x62: {  	_ =	shalt  }
0x63: {  	_ =	shalt  }
0x64: {  	_ =	shalt  }
0x65: {  	_ =	shalt  }
0x66: {  	_ =	shalt  }
0x67: {  	_ =	shalt  }
0x68: {  	_ =	shalt  }
0x69: {  	_ =	shalt  }
0x6a: {  	_ =	shalt  }
0x6b: {  	_ =	shalt  }
0x6c: {  	_ =	shalt  }
0x6d: {  	_ =	shalt  }
0x6e: {  	_ =	shalt  }
0x6f: {  	_ =	shalt  }
0x70: {  	_ =	shalt  }
0x71: {  	_ =	shalt  }
0x72: {  	_ =	shalt  }
0x73: {  	_ =	shalt  }
0x74: {  	_ =	shalt  }
0x75: {  	_ =	shalt  }
0x76: {  	_ =	shalt  }
0x77: {  	_ =	shalt  }
0x78: {  	_ =	shalt  }
0x79: {  	_ =	shalt  }
0x7a: {  	_ =	shalt  }
0x7b: {  	_ =	shalt  }
0x7c: {  	_ =	shalt  }
0x7d: {  	_ =	shalt  }
0x7e: {  	_ =	shalt  }
0x7f: {  	_ =	shalt  }
0x80: {  	_ =	shalt  }
0x81: {  	_ =	shalt  }
0x82: {  	_ =	shalt  }
0x83: {  	_ =	shalt  }
0x84: {  	_ =	shalt  }
0x85: {  	_ =	shalt  }
0x86: {  	_ =	shalt  }
0x87: {  	_ =	shalt  }
.Lfunc_end0:
.L_simem_size_0:
called_computation_lowered:
.L_overlay_start_0:
0x88: {  	s2 =	sld [smem:$0x3FD9]  }
0x89: {  	s3 =	sld [smem:$0x3FFE];
	_ =	sdelay $0x1  }
0x8a: {  	s1 =	srdreg.scid  }
0x8b: {  	s0 =	sand.u32 $0x1, s1  }
0x8c: {  	s14 =	sshll.u32 s0, $0xA;
	s2 =	sadd.s32 s3, s2  }
0x8d: {  	s2 =	sadd.s32 s2, s14  }
0x8e: {  	[smem:$0x3FBE] =	sst s2  }
0x8f: {  	_ = 	snop  }
0x90: {  	s2 =	sld [smem:$0x3FD0];
	_ =	sdelay $0x2  }
0x91: {  	s15 =	simm.s32 $0xA;
	s4 =	simm.s32 $0x10  }
0x92: {  	[smem:s4], [sflag:s15] =	dma.local [hbm:s2], $0x1  }
0x93: {  	_ =	swait.eq [sflag:s15], $0x1  }
0x94: {  	s16 =	sld [smem:$0x10];
	[sflag:s15] =	ssyncset.done $0x0  }
0x95: {  	s17 =	sld [smem:$0x12];
	[sflag:s15] =	ssyncadd.s32 $0xFFFFFFFF  }
0x96: {  	s18 =	sld [smem:$0x13];
	(tm) =	ssettm $0x1  }
0x97: {  	s5 =	sld [smem:$0x3FFB];
	_ =	sdelay $0x3  }
0x98: {  	_ =	strace s5  }
0x99: {  	s5 =	sld [smem:$0x3FFC];
	_ =	sdelay $0x3  }
0x9a: {  	_ =	strace s5  }
0x9b: {  	s5 =	sld [smem:$0x3FFD];
	_ =	sdelay $0x3  }
0x9c: {  	_ =	strace s5  }
0x9d: {  	_ =	strace $0x8FFFFFFF  }
0x9e: {  	s19 =	sld [smem:$0x3FDB];
	_ =	sdelay $0x1  }
0x9f: {  	s6 =	simm.s32 $_scs_section_size  }
0xa0: {  	s7 =	simm.s32 $_size__tile_overlayer_lowered;
	s8 =	simm.s32 $_tile_overlayer_lowered  }
0xa1: {  	s22 =	simm.s32 $0x1BFF;
	s21 =	sshll.u32 s8, $0x1;
	s5 =	sadd.s32 s6, s19  }
0xa2: {  	s9 =	simm.s32 $0x0;
	s20 =	sshll.u32 s7, $0x1;
	s7 =	sadd.s32 s21, s5  }
0xa3: {  	[timem:s9], [sflag:s22] =	dma.local [hbm:s7], s20  }
0xa4: {  	_ =	swait.ge [sflag:s22], s20  }
0xa5: {  	s6 =	ssub.s32 $0x0, s20;
	[sflag:s22] =	ssyncset.done $0x0  }
0xa6: {  	[sflag:s22] =	ssyncadd.s32 s6;
	_ =	sdelay $0x1  }
0xa7: {  	s23 =	simm.s32 $0x1B8B  }
0xa8: {  	_ =	swait.ge [sflag:s23], $0x1  }
0xa9: {  	[sflag:s23] =	ssyncset.done $0x0  }
0xaa: {  	s25 =	simm.s32 $0x1B8E;
	s24 =	sld [smem:$0x3FFE];
	[sflag:s23] =	ssyncadd.s32 $0xFFFFFFFF  }
0xab: {  	s26 =	simm.s32 $execute0_lowered;
	[smem:$0x3FD2] =	sst s25  }
0xac: {  	s7 =	sshll.u32 s26, $0x1;
	_ =	strace $0x80000046;
	[dreg:$0x1] =	wrdreg $0xFFFFFFFF  }
0xad: {  	s28 =	simm.s32 $_size_execute0_lowered;
	s5 =	sadd.s32 s5, s7;
	[dreg:$0x0] =	wrdreg $0x0  }
0xae: {  	s7 =	sshll.u32 s28, $0x1;
	[dreg:$0x2] =	wrdreg s5  }
0xaf: {  	[dreg:$0x3] =	wrdreg s7  }
0xb0: {  	[dreg:$0x4] =	wrdreg $0xC0  }
0xb1: {  	_ =	task [dreg:s9], $0x5FFFF  }
0xb2: {  	[dreg:$0x1] =	wrdreg $0xFFFFFFFF  }
0xb3: {  	[dreg:$0x0] =	wrdreg $0x60  }
0xb4: {  	[dreg:$0x2] =	wrdreg s24  }
0xb5: {  	[dreg:$0x3] =	wrdreg s17  }
0xb6: {  	[dreg:$0x4] =	wrdreg s18  }
0xb7: {  	[dreg:$0x5] =	wrdreg s16  }
0xb8: {  	[dreg:$0x6] =	wrdreg $0x30000  }
0xb9: {  	[dreg:$0x7] =	wrdreg $0x9  }
0xba: {  	_ =	task.clear_ibuf [dreg:s9], $0x8FFFF;
	_ =	strace $0x90000046  }
0xbb: {  	s29 =	simm.s32 $0x9;
	_ =	strace $0x80000048  }
0xbc: {  	_ =	swait.ge [sflag:s29], $0x1  }
0xbd: {  	[sflag:s29] =	ssyncadd.s32 $0xFFFFFFFF  }
0xbe: {  	_ =	strace $0x90000048  }
0xbf: {  	_ =	sfence  }
0xc0: {  	s30 =	sld [smem:$0x0];
	_ =	sdelay $0x2  }
0xc1: {  	s31 =	sshll.u32 s1, $0xD;
	s1 =	sshrl.u32 s1, $0x2  }
0xc2: {  	s3 =	sand.u32 $0x4000, s31;
	s1 =	sadd.s32 s1, s30  }
0xc3: {  	s0 =	sor.u32 s3, s0;
	s1 =	sshll.u32 s1, $0x11  }
0xc4: {  	s0 =	sor.u32 s1, s0  }
0xc5: {  	s0 =	sadd.s32 $0x8F2B, s0  }
0xc6: {  	[sflag:s0] =	ssyncadd.remote.s32 $0x1  }
0xc7: {  	_ =	sfence.sel $0xFFFF  }
0xc8: {  	[dreg:$0x0] =	wrdreg $0xFFFFFFFF;
	(pc) =	sbr.abs _section_cstart, $3  }
0xc9: {  	[dreg:$0x1] =	wrdreg $0xFFFFFFFF  }
0xca: {  	_ =	task.clear_ibuf [dreg:s9], $0x2FFFF;
	_ =	strace $0x9FFFFFFF  }
0xcb: {  	(tm) =	ssettm $0x7FFFFFFF  }
tec
execute0_lowered:
.L_overlay_start_1:
0x0: {  	(tag) =	ssettag $0x1  }
0x1: {  	s5 =	rddreg [dreg:$0x0]  }
0x2: {  	s1 =	rddreg [dreg:$0x1]  }
0x3: {  	s6 =	rddreg [dreg:$0x2];
	s2 =	srdreg.scid  }
0x4: {  	s0 =	stileid.u32;
	s8 =	rddreg [dreg:$0x3]  }
0x5: {  	s3 =	rddreg [dreg:$0x4];
	s13 =	simm.s32 $0x80;
	s14 =	simm.s32 $0x0  }
0x6: {  	s7 =	sand.u32 $0x1, s2;
	s28 =	sshll.u32 s0, $0x1;
	s11 =	smul.u32 $0x2780, s0  }
0x7: {  	s4 =	sor.u32 s7, s28;
	s10 =	ssub.s32 $0x2, s7;
	s7 =	smul.u32 $0x27800, s7  }
0x8: {  	s2 =	rddreg [dreg:$0x5];
	s31 =	sshll.u32 s0, $0x6;
	s9 =	smul.u32 $0x500, s4  }
0x9: {  	s4 =	simm.s32 $0x0;
	s12 =	sshrl.u32 s10, $0x1;
	s29 =	sadd.s32 s11, s3  }
0xa: {  	s30 =	sshrl.u32 s11, $0x3;
	[smem:$0x7FF] =	sst s4;
	s10 =	ssub.s32 s10, s12  }
0xb: {  	s7 =	sadd.s32 s11, s7;
	s12 =	simm.s32 $0x2800;
	_ =	strace $0x80000047  }
0xc: {  	s9 =	sadd.s32 s9, s5;
	s5 =	sadd.s32 s6, s30;
	s11 =	sshrl.u32 s7, $0x3  }
0xd: {  	s6 =	sor.u32 $0x1C01, s31;
	s7 =	sadd.s32 $0x1E00, s9;
	s8 =	sadd.s32 s8, s11  }
0xe: {  	s9 =	smax.u32 s10, $0x1;
	s10 =	sshrl.u32 s29, $0x3;
	s11 =	simm.s32 $0x1  }
.LBB2_1:
0xf: {  	[spmem:s10], [sflag:s6] =	dma.local [hbm:s5], $0x4F0  }
0x10: {  	_ =	swait.ge [sflag:s11], $0x4F0  }
0x11: {  	[sflag:s11] =	ssyncset.done $0x0  }
0x12: {  	[sflag:s11] =	ssyncadd.s32 $0xFFFFFB10  }
0x13: {  	[tilespmem:s12], [sflag:$0x1] =	stream.linear.gather [hbm4b:s1+s4], $0x800, $0x38;
	[tilespmem:$0x5780] =	vst v63  }
0x14: {  	_ =	swait.ge [sflag:s11], $0x800  }
0x15: {  	[sflag:s11] =	ssyncset.done $0x0  }
0x16: {  	[sflag:s11] =	ssyncadd.s32 $0xFFFFF800  }
0x17: {  	[bflag:$0x0] =	sbarrier.arrive $0xFFFF  }
0x18: {  	[tilespmem:s4], [sflag:$0x1] =	stream.linear.gather [hbm4b:s7+s4], $0x2800, $0x38;
	[tilespmem:$0x5780] =	vst v63  }
0x19: {  	_ =	swait.ge [sflag:s11], $0x2800  }
0x1a: {  	[sflag:s11] =	ssyncset.done $0x0  }
0x1b: {  	s15 =	simm.s32 $0x0;
	[sflag:s11] =	ssyncadd.s32 $0xFFFFD800  }
0x1c: {  	[spmem:s3] =	stream.indirect.scatter.add.f32 [tilespmem:s12], [sflag:$0x1], $0x10, s15, s13, $0xb8;
	[tilespmem:$0x5780] =	vst v63  }
0x1d: {  	_ =	swait.ge [sflag:s11], $0x800  }
0x1e: {  	s15 =	simm.s32 $0x200;
	[sflag:s11] =	ssyncset.done $0x0  }
.LBB2_2:
0x1f: {  	s16 =	sshra.s32 s15, $0x2;
	[sflag:s11] =	ssyncadd.s32 $0xFFFFF800;
	p0 =	sne.s32 s15, $0x9E00  }
0x20: {  	[spmem:s3] =	stream.indirect.scatter.add.f32 [tilespmem:s12], [sflag:$0x1], $0x10, s16, s13, $0xb8;
	[tilespmem:$0x5780] =	vst v63  }
.Ltmp0:
0x21: {  	_ = 	snop;
	(pc) =	sbr.rel @p0 .LBB2_2-.Ltmp0, $4  }
0x22: {  	_ = 	snop  }
0x23: {  	s15 =	sadd.s32 $0x200, s15  }
0x24: {  	_ =	swait.ge [sflag:s11], $0x800  }
0x25: {  	[sflag:s11] =	ssyncset.done $0x0  }
0x26: {  	s14 =	sadd.s32 $0x1, s14  }
0x27: {  	[sflag:s11] =	ssyncadd.s32 $0xFFFFF800;
	p0 =	sne.s32 s14, s9  }
.Ltmp1:
0x28: {  	[bflag:$0x0] =	sbarrier.arrive $0xFFFF;
	(pc) =	sbr.rel @p0 .LBB2_1-.Ltmp1, $4  }
0x29: {  	[hbm:s8], [sflag:s6] =	dma.local [spmem:s10], $0x4F0  }
0x2a: {  	_ =	swait.ge [sflag:s11], $0x4F0  }
0x2b: {  	[sflag:s11] =	ssyncset.done $0x0  }
0x2c: {  	[sflag:s11] =	ssyncadd.s32 $0xFFFFFB10  }
0x2d: {  	_ =	sfence.sel $0x180000  }
0x2e: {  	[bflag:$0x0] =	sbarrier.arrive $0xFFFF  }
0x2f: {  	p0 =	sne.s32 s0, $0x0;
	_ =	strace $0x90000047  }
0x30: {  	s0 =	sadd.s32 @!p0 $0x100000, s2;
	[bflag:$0x2] =	sbarrier.arrive $0xFFFF  }
0x31: {  	[sflag:s0] =	ssyncadd.tile.s32 @!p0 $0x1;
	_ =	shalt  }
.Lfunc_end2:
_tile_overlayer_lowered:
.L_overlay_start_2:
0x32: {  	(tag) =	ssettag $0x2  }
0x33: {  	s0 =	rddreg [dreg:$0x0];
	s2 =	stileid.u32  }
0x34: {  	s1 =	rddreg [dreg:$0x1];
	p0 =	sne.s32 s2, $0x0  }
0x35: {  	s3 =	rddreg [dreg:$0x2];
	[bflag:$0x3] =	sbarrier.arrive $0xFFFF;
	s2 =	simm.s32 @!p0 $0x1C01  }
0x36: {  	[timem:s3], [sflag:s2] =	dma.local @!p0 [hbm:s0], s1  }
0x37: {  	s0 =	simm.s32 @!p0 $0x1  }
0x38: {  	_ =	swait.ge @!p0 [sflag:s0], s1  }
0x39: {  	s1 =	ssub.s32 @!p0 $0x0, s1;
	[sflag:s0] =	ssyncset.done @!p0 $0x0  }
0x3a: {  	[sflag:s0] =	ssyncadd.s32 @!p0 s1  }
0x3b: {  	[bflag:$0x3] =	sbarrier.arrive $0xFFFF  }
0x3c: {  	_ =	shalt  }

</sc_bundles>
